<compile_context>
chip_gen: v7x
topology: tpu7x:2x2x1
jax: 0.10.2.dev20260603
libtpu: 0.0.44.dev20260713+nightly
codegen_flags: <defaults>
</compile_context>

<pallas_src>
import functools

import jax
import jax.numpy as jnp
from jax import lax
from jax.experimental import pallas as pl
from jax.experimental.pallas import tpu as pltpu
from jax.experimental.pallas import tpu_sc as plsc

_N = 200000
_W = 2048
_H = 64
_HW = _H * _W
_C = 7

_BLK = 4096
_NB = 50
_NPAD = _BLK * _NB

_H_LO = -3.141592653589793
_H_RANGE = 6.283185307179586
_V_LO = -0.4363323129985824
_V_RANGE = 0.4886921905584123

_SENT = _HW
_EMPTY = _N

_NTILES = 32
_TPIX = _HW // _NTILES
_NWIN = 8
_WN = _NPAD // _NWIN
_VPW = _WN // 16
_NCHUNK = _TPIX // 128


def _point_math_kernel(pts_ref, f0, f1, f2, f3, f4, f5, f6, pxpy_ref, lin_ref):
    i = pl.program_id(0)
    x = pts_ref[1:2, :]
    y = pts_ref[2:3, :]
    z = pts_ref[3:4, :]
    inten = pts_ref[4:5, :]
    r = jnp.sqrt(x * x + y * y + z * z)
    theta = -jnp.arctan2(y, x)
    t = z / jnp.maximum(r, 1e-5)
    phi = -(2.0 * jnp.arctan2(t, 1.0 + jnp.sqrt(1.0 - t * t)))
    un = (theta - _H_LO) / _H_RANGE
    vn = (phi - _V_LO) / _V_RANGE
    mask = (un >= 0.0) & (un < 1.0) & (vn >= 0.0) & (vn < 1.0)
    u = (un * float(_W)).astype(jnp.int32)
    v = (vn * float(_H)).astype(jnp.int32)
    pid = i * _BLK + lax.broadcasted_iota(jnp.int32, (1, _BLK), 1)
    valid = mask & (pid < _N)
    lin_ref[...] = jnp.where(valid, v * _W + u, _SENT)
    zero = jnp.zeros_like(r)
    for ref, val in ((f0, r), (f1, theta), (f2, phi), (f3, x), (f4, y),
                     (f5, z), (f6, inten)):
        ref[...] = jnp.where(valid, val, zero)
    px = (un - 0.5) * 2.0
    py = (v.astype(jnp.float32) * (1.0 / float(_H)) - 0.5) * 2.0
    pxpy_ref[...] = jnp.where(mask, jnp.concatenate([px, py], axis=0), 0.0)


def _tc_stage(pts_t):
    blk1 = pl.BlockSpec((1, _BLK), lambda i: (0, i))
    return pl.pallas_call(
        _point_math_kernel,
        grid=(_NB,),
        in_specs=[pl.BlockSpec((5, _BLK), lambda i: (0, i))],
        out_specs=[blk1] * 7 + [pl.BlockSpec((2, _BLK), lambda i: (0, i)), blk1],
        out_shape=[jax.ShapeDtypeStruct((1, _NPAD), jnp.float32)] * 7
        + [jax.ShapeDtypeStruct((2, _NPAD), jnp.float32),
           jax.ShapeDtypeStruct((1, _NPAD), jnp.int32)],
    )(pts_t)


def _sc_body(lin_hbm, f0, f1, f2, f3, f4, f5, f6, empty_hbm, out_hbm,
             win, tbl, lst, wl, cbuf, stage, wsem, gsem):
    wid = lax.axis_index("s") * 2 + lax.axis_index("c")
    lo = wid * _TPIX
    iota = lax.iota(jnp.int32, 16)

    pltpu.sync_copy(empty_hbm, tbl)

    pltpu.async_copy(lin_hbm.at[pl.ds(0, _WN)], win.at[pl.ds(0, _WN)], wsem)

    for wi in range(_NWIN):
        bo = (wi % 2) * _WN
        pltpu.make_async_copy(lin_hbm.at[pl.ds(0, _WN)],
                              win.at[pl.ds(bo, _WN)], wsem).wait()
        if wi + 1 < _NWIN:
            pltpu.async_copy(lin_hbm.at[pl.ds((wi + 1) * _WN, _WN)],
                             win.at[pl.ds(_WN - bo, _WN)], wsem)
        base = wi * _WN

        def vbody(j, carry, bo=bo, base=base):
            off = j * 64
            lvs = [win[pl.ds(bo + off + 16 * g, 16)] for g in range(4)]
            ms = [(lv >= lo) & (lv < lo + _TPIX) for lv in lvs]
            any_m = (ms[0] | ms[1]) | (ms[2] | ms[3])

            @pl.when(jnp.any(any_m))
            def _():
                for g in range(4):
                    local = jnp.where(ms[g], lvs[g] - lo, 0)
                    pid = (base + off + 16 * g) + iota
                    plsc.store_scatter(tbl, [local], pid, mask=ms[g])

            return carry

        lax.fori_loop(0, _VPW // 4, vbody, 0)

    zf = jnp.zeros((16,), jnp.float32)

    def zbody(j, carry):
        for g in range(4):
            stage[pl.ds(j * 64 + g * 16, 16)] = zf
        return carry

    lax.fori_loop(0, _C * _TPIX // 64, zbody, 0)

    def cbody(j, cnt):
        wv = tbl[pl.ds(j * 16, 16)]
        m = wv < _N
        inc = plsc.cumsum(m.astype(jnp.int32))
        pos = (cnt - 1) + inc
        plsc.store_scatter(lst, [pos], j * 16 + iota, mask=m)
        plsc.store_scatter(wl, [pos], wv, mask=m)
        return cnt + jnp.sum(m.astype(jnp.int32))

    cnt = lax.fori_loop(0, _TPIX // 16, cbody, 0)

    pad = jnp.full((16,), _EMPTY, jnp.int32)
    for g in range(8):
        wl[pl.ds(cnt + g * 16, 16)] = pad

    nch = (cnt + 127) // 128
    for c, fsrc in enumerate((f0, f1, f2, f3, f4, f5, f6)):
        def gbody(k, carry, fsrc=fsrc, c=c):
            pltpu.async_copy(fsrc.at[wl.at[pl.ds(k * 128, 128)]],
                             cbuf.at[pl.ds(c * _TPIX + k * 128, 128)], gsem)
            return carry

        lax.fori_loop(0, nch, gbody, 0)

    def dbody(k, carry):
        pltpu.make_async_copy(f0.at[wl.at[pl.ds(0, 128)]],
                              cbuf.at[pl.ds(0, 128)], gsem).wait()
        return carry

    lax.fori_loop(0, _C * nch, dbody, 0)

    def rbody(j, carry):
        lv = lst[pl.ds(j * 16, 16)]
        m = (j * 16 + iota) < cnt
        for c in range(_C):
            vv = cbuf[pl.ds(c * _TPIX + j * 16, 16)]
            plsc.store_scatter(stage, [c * _TPIX + lv], vv, mask=m)
        return carry

    lax.fori_loop(0, (cnt + 15) // 16, rbody, 0)

    for c in range(_C):
        pltpu.sync_copy(stage.at[pl.ds(c * _TPIX, _TPIX)],
                        out_hbm.at[pl.ds(c * _HW + lo, _TPIX)])


@functools.cache
def _sc_scatter():
    return pl.kernel(
        _sc_body,
        out_type=jax.ShapeDtypeStruct((_C * _HW,), jnp.float32),
        mesh=plsc.VectorSubcoreMesh(core_axis_name="c", subcore_axis_name="s"),
        compiler_params=pltpu.CompilerParams(needs_layout_passes=False,
                                             disable_bounds_checks=True,
                                             use_tc_tiling_on_sc=False),
        scratch_types=[
            pltpu.VMEM((2 * _WN,), jnp.int32),
            pltpu.VMEM((_TPIX,), jnp.int32),
            pltpu.VMEM((_TPIX + 128,), jnp.int32),
            pltpu.VMEM((_TPIX + 128,), jnp.int32),
            pltpu.VMEM((_C * _TPIX,), jnp.float32),
            pltpu.VMEM((_C * _TPIX,), jnp.float32),
            pltpu.SemaphoreType.DMA,
            pltpu.SemaphoreType.DMA,
        ],
    )


def kernel(points):
    pts_t = jnp.pad(jnp.transpose(points), ((0, 0), (0, _NPAD - _N)))
    outs = _tc_stage(pts_t)
    feats = [f.reshape(_NPAD) for f in outs[:7]]
    pxpy2 = outs[7]
    lin = outs[8].reshape(_NPAD)
    empty = _EMPTY + jnp.arange(_TPIX, dtype=jnp.int32)
    img = _sc_scatter()(lin, *feats, empty)
    rv_image = img.reshape(1, _C, _H, _W)
    pxpy = jnp.transpose(pxpy2[:, :_N])
    return rv_image, pxpy

# --- scband reference (transcript-rebuilt; emitter-appended) ---
"""Pipeline reference for scband-basic-range-projection-57045755625571 (READ-ONLY COPY).

The authoritative reference and input builder live on the scoring server;
editing this copy changes nothing except your own understanding.
"""

import jax, jax.numpy as jnp
import numpy as np

H_FOV = (-180.0 / 180.0 * np.pi, 180.0 / 180.0 * np.pi)
V_FOV = (-25.0 / 180.0 * np.pi, 3.0 / 180.0 * np.pi)
W = 2048
H = 64
N = 200000


def setup_inputs(seed: int = 0):
    key = jax.random.key(seed)
    k1, k2 = jax.random.split(key)
    xyz = jax.random.normal(k1, (N, 3), dtype=jnp.float32) * 20.0
    intensity = jax.random.uniform(k2, (N, 1), dtype=jnp.float32)
    points = jnp.concatenate([jnp.zeros((N, 1), jnp.float32), xyz, intensity], axis=1)
    return {"points": points}


def _project(points):
    # batch of 1 frame: drop batch_idx column
    xyz = points[:, 1:4]
    feats_extra = points[:, 4:]
    # SphereProjection.xyz_to_rThetaPhi
    r = jnp.linalg.norm(xyz, ord=2, axis=1, keepdims=True)
    theta = -jnp.arctan2(xyz[:, 1], xyz[:, 0])[:, None]
    phi = -jnp.arcsin(xyz[:, 2] / jnp.clip(r[:, 0], 1e-5, None))[:, None]
    rThetaPhi = jnp.concatenate([r, theta, phi], axis=-1)
    # xyz_to_uvNormed
    u_normed = (rThetaPhi[:, 1] - H_FOV[0]) / (H_FOV[1] - H_FOV[0])
    v_normed = (rThetaPhi[:, 2] - V_FOV[0]) / (V_FOV[1] - V_FOV[0])
    mask = (u_normed >= 0) & (u_normed < 1) & (v_normed >= 0) & (v_normed < 1)
    u = (u_normed * W).astype(jnp.int32)
    v = (v_normed * H).astype(jnp.int32)
    # use_xyz=True, use_angle=True, norm_input=False
    features = jnp.concatenate([rThetaPhi, xyz, feats_extra], axis=1)
    # masked-out points are routed to a padded dummy row (h) with zero features
    features = jnp.where(mask[:, None], features, 0.0)
    v_idx = jnp.where(mask, jnp.clip(v, 0, H - 1), H)
    u_idx = jnp.where(mask, jnp.clip(u, 0, W - 1), 0)
    C = features.shape[1]
    rv_pad = jnp.zeros((H + 1, W, C), dtype=features.dtype)
    rv_pad = rv_pad.at[v_idx, u_idx].set(features)  # scatter-overwrite, last-wins like rv_image[v,u]=features
    rv_image = jnp.transpose(rv_pad[:H], (2, 0, 1))[None]
    px = (u_normed - 0.5) * 2.0
    py = (v.astype(jnp.float32) / H - 0.5) * 2.0
    pxpy = jnp.stack([px, py], axis=-1)
    pxpy = jnp.where(mask[:, None], pxpy, 0.0)
    return rv_image, pxpy


def reference(points):
    return _project(points)

if __name__ == "__main__":
    import jax
    _d = setup_inputs()
    print(jax.jit(kernel)(*tuple(_d.values())))

</pallas_src>

<mosaic_0001>
#map = affine_map<(d0, d1) -> (0)>
module attributes {stable_mosaic.version = 14 : i64} {
  func.func @_sc_body(%arg0: i32, %arg1: i32, %arg2: memref<204800xi32, #tpu.memory_space<hbm>>, %arg3: memref<204800xf32, #tpu.memory_space<hbm>>, %arg4: memref<204800xf32, #tpu.memory_space<hbm>>, %arg5: memref<204800xf32, #tpu.memory_space<hbm>>, %arg6: memref<204800xf32, #tpu.memory_space<hbm>>, %arg7: memref<204800xf32, #tpu.memory_space<hbm>>, %arg8: memref<204800xf32, #tpu.memory_space<hbm>>, %arg9: memref<204800xf32, #tpu.memory_space<hbm>>, %arg10: memref<4096xi32, #tpu.memory_space<hbm>>, %arg11: memref<917504xf32, #tpu.memory_space<hbm>>, %arg12: memref<51200xi32, #tpu.memory_space<vmem>>, %arg13: memref<4096xi32, #tpu.memory_space<vmem>>, %arg14: memref<4224xi32, #tpu.memory_space<vmem>>, %arg15: memref<4224xi32, #tpu.memory_space<vmem>>, %arg16: memref<28672xf32, #tpu.memory_space<vmem>>, %arg17: memref<28672xf32, #tpu.memory_space<vmem>>, %arg18: memref<!tpu.dma_semaphore, #tpu.memory_space<semaphore_mem>>, %arg19: memref<!tpu.dma_semaphore, #tpu.memory_space<semaphore_mem>>) attributes {dimension_semantics = [#tpu.dimension_semantics<core_parallel>, #tpu.dimension_semantics<subcore_parallel>], iteration_bounds = array<i64: 2, 16>, scalar_prefetch = 0 : i64, scratch_operands = 8 : i64, tpu.core_type = #tpu.core_type<sc_vector_subcore>, window_params = [{transform_indices = #map}, {transform_indices = #map}, {transform_indices = #map}, {transform_indices = #map}, {transform_indices = #map}, {transform_indices = #map}, {transform_indices = #map}, {transform_indices = #map}, {transform_indices = #map}, {transform_indices = #map}]} {
    %mul3A = arith.constant 2 : i32
    %mul3A_0 = arith.muli %arg1, %mul3A : i32
    %add3A = arith.addi %mul3A_0, %arg0 : i32
    %mul3A_1 = arith.constant 4096 : i32
    %mul3A_2 = arith.muli %add3A, %mul3A_1 : i32
    %iota3A = tpu.iota {dimensions = array<i32: 0>} : vector<16xi32>
    "tpu.region"() ({
      %run_scoped3A = tpu.sem_alloc : memref<!tpu.dma_semaphore, #tpu.memory_space<semaphore_mem>>
      tpu.enqueue_dma source(%arg10 : memref<4096xi32, #tpu.memory_space<hbm>>) target(%arg13 : memref<4096xi32, #tpu.memory_space<vmem>>) target_semaphore(%run_scoped3A : memref<!tpu.dma_semaphore, #tpu.memory_space<semaphore_mem>>)
      tpu.wait_dma2 semaphore(%run_scoped3A : memref<!tpu.dma_semaphore, #tpu.memory_space<semaphore_mem>>) src(%arg10 : memref<4096xi32, #tpu.memory_space<hbm>>) dst(%arg13 : memref<4096xi32, #tpu.memory_space<vmem>>)
      tpu.yield
    }) : () -> ()
    %dma_start3A = arith.constant 0 : i32
    %dma_start3A_3 = tpu.memref_slice %arg12[%dma_start3A] : memref<51200xi32, #tpu.memory_space<vmem>> -> memref<25600xi32, #tpu.memory_space<vmem>>
    %dma_start3A_4 = arith.constant 0 : i32
    %dma_start3A_5 = tpu.memref_slice %arg2[%dma_start3A_4] : memref<204800xi32, #tpu.memory_space<hbm>> -> memref<25600xi32, #tpu.memory_space<hbm>>
    %dma_start3A_6 = arith.constant 0 : i32
    %dma_start3A_7 = tpu.memref_slice %arg12[%dma_start3A_6] : memref<51200xi32, #tpu.memory_space<vmem>> -> memref<25600xi32, #tpu.memory_space<vmem>>
    %dma_start3A_8 = arith.constant 0 : i32
    %dma_start3A_9 = tpu.memref_slice %arg2[%dma_start3A_8] : memref<204800xi32, #tpu.memory_space<hbm>> -> memref<25600xi32, #tpu.memory_space<hbm>>
    tpu.enqueue_dma source(%dma_start3A_9 : memref<25600xi32, #tpu.memory_space<hbm>>) target(%dma_start3A_7 : memref<25600xi32, #tpu.memory_space<vmem>>) target_semaphore(%arg18 : memref<!tpu.dma_semaphore, #tpu.memory_space<semaphore_mem>>)
    %dma_wait3A = arith.constant 0 : i32
    %dma_wait3A_10 = tpu.memref_slice %arg12[%dma_wait3A] : memref<51200xi32, #tpu.memory_space<vmem>> -> memref<25600xi32, #tpu.memory_space<vmem>>
    %dma_wait3A_11 = arith.constant 0 : i32
    %dma_wait3A_12 = tpu.memref_slice %arg2[%dma_wait3A_11] : memref<204800xi32, #tpu.memory_space<hbm>> -> memref<25600xi32, #tpu.memory_space<hbm>>
    %dma_wait3A_13 = arith.constant 0 : i32
    %dma_wait3A_14 = tpu.memref_slice %arg12[%dma_wait3A_13] : memref<51200xi32, #tpu.memory_space<vmem>> -> memref<25600xi32, #tpu.memory_space<vmem>>
    %dma_wait3A_15 = arith.constant 0 : i32
    %dma_wait3A_16 = tpu.memref_slice %arg2[%dma_wait3A_15] : memref<204800xi32, #tpu.memory_space<hbm>> -> memref<25600xi32, #tpu.memory_space<hbm>>
    tpu.wait_dma2 semaphore(%arg18 : memref<!tpu.dma_semaphore, #tpu.memory_space<semaphore_mem>>) src(%dma_wait3A_16 : memref<25600xi32, #tpu.memory_space<hbm>>) dst(%dma_wait3A_14 : memref<25600xi32, #tpu.memory_space<vmem>>)
    %dma_start3A_17 = arith.constant 25600 : i32
    %dma_start3A_18 = tpu.memref_slice %arg12[%dma_start3A_17] : memref<51200xi32, #tpu.memory_space<vmem>> -> memref<25600xi32, #tpu.memory_space<vmem>>
    %dma_start3A_19 = arith.constant 25600 : i32
    %dma_start3A_20 = tpu.memref_slice %arg2[%dma_start3A_19] : memref<204800xi32, #tpu.memory_space<hbm>> -> memref<25600xi32, #tpu.memory_space<hbm>>
    %dma_start3A_21 = arith.constant 25600 : i32
    %dma_start3A_22 = tpu.memref_slice %arg12[%dma_start3A_21] : memref<51200xi32, #tpu.memory_space<vmem>> -> memref<25600xi32, #tpu.memory_space<vmem>>
    %dma_start3A_23 = arith.constant 25600 : i32
    %dma_start3A_24 = tpu.memref_slice %arg2[%dma_start3A_23] : memref<204800xi32, #tpu.memory_space<hbm>> -> memref<25600xi32, #tpu.memory_space<hbm>>
    tpu.enqueue_dma source(%dma_start3A_24 : memref<25600xi32, #tpu.memory_space<hbm>>) target(%dma_start3A_22 : memref<25600xi32, #tpu.memory_space<vmem>>) target_semaphore(%arg18 : memref<!tpu.dma_semaphore, #tpu.memory_space<semaphore_mem>>)
    %scan3A = arith.constant 0 : i32
    %scan3A_25 = arith.constant 0 : i32
    %scan3A_26 = arith.constant 400 : i32
    %scan3A_27 = arith.addi %scan3A_25, %scan3A_26 : i32
    %scan3A_28 = arith.constant 1 : i32
    scf.for %scan3A_372 = %scan3A_25 to %scan3A_27 step %scan3A_28  : i32 {
      %mul3A_373 = arith.constant 64 : i32
      %mul3A_374 = arith.muli %scan3A_372, %mul3A_373 : i32
      %add3A_375 = arith.constant 0 : i32
      %add3A_376 = arith.addi %add3A_375, %mul3A_374 : i32
      %add3A_377 = arith.constant 0 : i32
      %add3A_378 = arith.addi %add3A_376, %add3A_377 : i32
      %get3A = arith.index_cast %add3A_378 : i32 to index
      %get3A_379 = tpu.vector_load %arg12[%get3A] {strides = array<i32>} : memref<51200xi32, #tpu.memory_space<vmem>>, vector<16xi32>,
      %add3A_380 = arith.constant 0 : i32
      %add3A_381 = arith.addi %add3A_380, %mul3A_374 : i32
      %add3A_382 = arith.constant 16 : i32
      %add3A_383 = arith.addi %add3A_381, %add3A_382 : i32
      %get3A_384 = arith.index_cast %add3A_383 : i32 to index
      %get3A_385 = tpu.vector_load %arg12[%get3A_384] {strides = array<i32>} : memref<51200xi32, #tpu.memory_space<vmem>>, vector<16xi32>,
      %add3A_386 = arith.constant 0 : i32
      %add3A_387 = arith.addi %add3A_386, %mul3A_374 : i32
      %add3A_388 = arith.constant 32 : i32
      %add3A_389 = arith.addi %add3A_387, %add3A_388 : i32
      %get3A_390 = arith.index_cast %add3A_389 : i32 to index
      %get3A_391 = tpu.vector_load %arg12[%get3A_390] {strides = array<i32>} : memref<51200xi32, #tpu.memory_space<vmem>>, vector<16xi32>,
      %add3A_392 = arith.constant 0 : i32
      %add3A_393 = arith.addi %add3A_392, %mul3A_374 : i32
      %add3A_394 = arith.constant 48 : i32
      %add3A_395 = arith.addi %add3A_393, %add3A_394 : i32
      %get3A_396 = arith.index_cast %add3A_395 : i32 to index
      %get3A_397 = tpu.vector_load %arg12[%get3A_396] {strides = array<i32>} : memref<51200xi32, #tpu.memory_space<vmem>>, vector<16xi32>,
      %ge3A = vector.broadcast %mul3A_2 : i32 to vector<16xi32>
      %ge3A_398 = arith.cmpi sge, %get3A_379, %ge3A : vector<16xi32>
      %add3A_399 = arith.constant 4096 : i32
      %add3A_400 = arith.addi %mul3A_2, %add3A_399 : i32
      %lt3A = vector.broadcast %add3A_400 : i32 to vector<16xi32>
      %lt3A_401 = arith.cmpi slt, %get3A_379, %lt3A : vector<16xi32>
      %and3A_402 = arith.andi %ge3A_398, %lt3A_401 : vector<16xi1>
      %ge3A_403 = vector.broadcast %mul3A_2 : i32 to vector<16xi32>
      %ge3A_404 = arith.cmpi sge, %get3A_385, %ge3A_403 : vector<16xi32>
      %add3A_405 = arith.constant 4096 : i32
      %add3A_406 = arith.addi %mul3A_2, %add3A_405 : i32
      %lt3A_407 = vector.broadcast %add3A_406 : i32 to vector<16xi32>
      %lt3A_408 = arith.cmpi slt, %get3A_385, %lt3A_407 : vector<16xi32>
      %and3A_409 = arith.andi %ge3A_404, %lt3A_408 : vector<16xi1>
      %ge3A_410 = vector.broadcast %mul3A_2 : i32 to vector<16xi32>
      %ge3A_411 = arith.cmpi sge, %get3A_391, %ge3A_410 : vector<16xi32>
      %add3A_412 = arith.constant 4096 : i32
      %add3A_413 = arith.addi %mul3A_2, %add3A_412 : i32
      %lt3A_414 = vector.broadcast %add3A_413 : i32 to vector<16xi32>
      %lt3A_415 = arith.cmpi slt, %get3A_391, %lt3A_414 : vector<16xi32>
      %and3A_416 = arith.andi %ge3A_411, %lt3A_415 : vector<16xi1>
      %ge3A_417 = vector.broadcast %mul3A_2 : i32 to vector<16xi32>
      %ge3A_418 = arith.cmpi sge, %get3A_397, %ge3A_417 : vector<16xi32>
      %add3A_419 = arith.constant 4096 : i32
      %add3A_420 = arith.addi %mul3A_2, %add3A_419 : i32
      %lt3A_421 = vector.broadcast %add3A_420 : i32 to vector<16xi32>
      %lt3A_422 = arith.cmpi slt, %get3A_397, %lt3A_421 : vector<16xi32>
      %and3A_423 = arith.andi %ge3A_418, %lt3A_422 : vector<16xi1>
      %or3A = arith.ori %and3A_402, %and3A_409 : vector<16xi1>
      %or3A_424 = arith.ori %and3A_416, %and3A_423 : vector<16xi1>
      %or3A_425 = arith.ori %or3A, %or3A_424 : vector<16xi1>
      %reduce_or3A = arith.constant 1.000000e+00 : f32
      %reduce_or3A_426 = arith.constant 0.000000e+00 : f32
      %reduce_or3A_427 = vector.broadcast %reduce_or3A : f32 to vector<16xf32>
      %reduce_or3A_428 = vector.broadcast %reduce_or3A_426 : f32 to vector<16xf32>
      %reduce_or3A_429 = arith.select %or3A_425, %reduce_or3A_427, %reduce_or3A_428 : vector<16xi1>, vector<16xf32>
      %reduce_or3A_430 = arith.constant true
      %reduce_or3A_431 = vector.broadcast %reduce_or3A_430 : i1 to vector<16xi1>
      %reduce_or3A_432 = tpu.scan <max>, %reduce_or3A_429 masked %reduce_or3A_431 : vector<16xf32>, vector<16xi1> -> vector<16xf32>
      %reduce_or3A_433 = vector.extract %reduce_or3A_432[15] : f32 from vector<16xf32>
      %reduce_or3A_434 = arith.constant 0.000000e+00 : f32
      %reduce_or3A_435 = arith.cmpf ogt, %reduce_or3A_433, %reduce_or3A_434 : f32
      %convert_element_type3A = arith.extui %reduce_or3A_435 : i1 to i32
      %cond3A = arith.constant 0 : i32
      %cond3A_436 = arith.cmpi ne, %convert_element_type3A, %cond3A : i32
      scf.if %cond3A_436 {
        %sub3A_437 = vector.broadcast %mul3A_2 : i32 to vector<16xi32>
        %sub3A_438 = arith.subi %get3A_379, %sub3A_437 : vector<16xi32>
        %jit3A_439 = arith.constant 0 : i32
        %broadcast_in_dim3A_440 = vector.broadcast %jit3A_439 : i32 to vector<16xi32>
        %select_n3A_441 = arith.select %and3A_402, %sub3A_438, %broadcast_in_dim3A_440 : vector<16xi1>, vector<16xi32>
        %add3A_442 = arith.constant 0 : i32
        %add3A_443 = arith.addi %add3A_442, %mul3A_374 : i32
        %add3A_444 = arith.constant 0 : i32
        %add3A_445 = arith.addi %add3A_443, %add3A_444 : i32
        %add3A_446 = vector.broadcast %add3A_445 : i32 to vector<16xi32>
        %add3A_447 = arith.addi %add3A_446, %iota3A : vector<16xi32>
        tpu.vector_store_idx %arg13[%select_n3A_441], %add3A_447 masked %and3A_402 : memref<4096xi32, #tpu.memory_space<vmem>>[vector<16xi32>], vector<16xi32>, vector<16xi1>
        %sub3A_448 = vector.broadcast %mul3A_2 : i32 to vector<16xi32>
        %sub3A_449 = arith.subi %get3A_385, %sub3A_448 : vector<16xi32>
        %jit3A_450 = arith.constant 0 : i32
        %broadcast_in_dim3A_451 = vector.broadcast %jit3A_450 : i32 to vector<16xi32>
        %select_n3A_452 = arith.select %and3A_409, %sub3A_449, %broadcast_in_dim3A_451 : vector<16xi1>, vector<16xi32>
        %add3A_453 = arith.constant 0 : i32
        %add3A_454 = arith.addi %add3A_453, %mul3A_374 : i32
        %add3A_455 = arith.constant 16 : i32
        %add3A_456 = arith.addi %add3A_454, %add3A_455 : i32
        %add3A_457 = vector.broadcast %add3A_456 : i32 to vector<16xi32>
        %add3A_458 = arith.addi %add3A_457, %iota3A : vector<16xi32>
        tpu.vector_store_idx %arg13[%select_n3A_452], %add3A_458 masked %and3A_409 : memref<4096xi32, #tpu.memory_space<vmem>>[vector<16xi32>], vector<16xi32>, vector<16xi1>
        %sub3A_459 = vector.broadcast %mul3A_2 : i32 to vector<16xi32>
        %sub3A_460 = arith.subi %get3A_391, %sub3A_459 : vector<16xi32>
        %jit3A_461 = arith.constant 0 : i32
        %broadcast_in_dim3A_462 = vector.broadcast %jit3A_461 : i32 to vector<16xi32>
        %select_n3A_463 = arith.select %and3A_416, %sub3A_460, %broadcast_in_dim3A_462 : vector<16xi1>, vector<16xi32>
        %add3A_464 = arith.constant 0 : i32
        %add3A_465 = arith.addi %add3A_464, %mul3A_374 : i32
        %add3A_466 = arith.constant 32 : i32
        %add3A_467 = arith.addi %add3A_465, %add3A_466 : i32
        %add3A_468 = vector.broadcast %add3A_467 : i32 to vector<16xi32>
        %add3A_469 = arith.addi %add3A_468, %iota3A : vector<16xi32>
        tpu.vector_store_idx %arg13[%select_n3A_463], %add3A_469 masked %and3A_416 : memref<4096xi32, #tpu.memory_space<vmem>>[vector<16xi32>], vector<16xi32>, vector<16xi1>
        %sub3A_470 = vector.broadcast %mul3A_2 : i32 to vector<16xi32>
        %sub3A_471 = arith.subi %get3A_397, %sub3A_470 : vector<16xi32>
        %jit3A_472 = arith.constant 0 : i32
        %broadcast_in_dim3A_473 = vector.broadcast %jit3A_472 : i32 to vector<16xi32>
        %select_n3A_474 = arith.select %and3A_423, %sub3A_471, %broadcast_in_dim3A_473 : vector<16xi1>, vector<16xi32>
        %add3A_475 = arith.constant 0 : i32
        %add3A_476 = arith.addi %add3A_475, %mul3A_374 : i32
        %add3A_477 = arith.constant 48 : i32
        %add3A_478 = arith.addi %add3A_476, %add3A_477 : i32
        %add3A_479 = vector.broadcast %add3A_478 : i32 to vector<16xi32>
        %add3A_480 = arith.addi %add3A_479, %iota3A : vector<16xi32>
        tpu.vector_store_idx %arg13[%select_n3A_474], %add3A_480 masked %and3A_423 : memref<4096xi32, #tpu.memory_space<vmem>>[vector<16xi32>], vector<16xi32>, vector<16xi1>
      } else {
      }
    }
    %scan3A_29 = arith.constant 400 : i32
    %dma_wait3A_30 = arith.constant 25600 : i32
    %dma_wait3A_31 = tpu.memref_slice %arg12[%dma_wait3A_30] : memref<51200xi32, #tpu.memory_space<vmem>> -> memref<25600xi32, #tpu.memory_space<vmem>>
    %dma_wait3A_32 = arith.constant 0 : i32
    %dma_wait3A_33 = tpu.memref_slice %arg2[%dma_wait3A_32] : memref<204800xi32, #tpu.memory_space<hbm>> -> memref<25600xi32, #tpu.memory_space<hbm>>
    %dma_wait3A_34 = arith.constant 25600 : i32
    %dma_wait3A_35 = tpu.memref_slice %arg12[%dma_wait3A_34] : memref<51200xi32, #tpu.memory_space<vmem>> -> memref<25600xi32, #tpu.memory_space<vmem>>
    %dma_wait3A_36 = arith.constant 0 : i32
    %dma_wait3A_37 = tpu.memref_slice %arg2[%dma_wait3A_36] : memref<204800xi32, #tpu.memory_space<hbm>> -> memref<25600xi32, #tpu.memory_space<hbm>>
    tpu.wait_dma2 semaphore(%arg18 : memref<!tpu.dma_semaphore, #tpu.memory_space<semaphore_mem>>) src(%dma_wait3A_37 : memref<25600xi32, #tpu.memory_space<hbm>>) dst(%dma_wait3A_35 : memref<25600xi32, #tpu.memory_space<vmem>>)
    %dma_start3A_38 = arith.constant 0 : i32
    %dma_start3A_39 = tpu.memref_slice %arg12[%dma_start3A_38] : memref<51200xi32, #tpu.memory_space<vmem>> -> memref<25600xi32, #tpu.memory_space<vmem>>
    %dma_start3A_40 = arith.constant 51200 : i32
    %dma_start3A_41 = tpu.memref_slice %arg2[%dma_start3A_40] : memref<204800xi32, #tpu.memory_space<hbm>> -> memref<25600xi32, #tpu.memory_space<hbm>>
    %dma_start3A_42 = arith.constant 0 : i32
    %dma_start3A_43 = tpu.memref_slice %arg12[%dma_start3A_42] : memref<51200xi32, #tpu.memory_space<vmem>> -> memref<25600xi32, #tpu.memory_space<vmem>>
    %dma_start3A_44 = arith.constant 51200 : i32
    %dma_start3A_45 = tpu.memref_slice %arg2[%dma_start3A_44] : memref<204800xi32, #tpu.memory_space<hbm>> -> memref<25600xi32, #tpu.memory_space<hbm>>
    tpu.enqueue_dma source(%dma_start3A_45 : memref<25600xi32, #tpu.memory_space<hbm>>) target(%dma_start3A_43 : memref<25600xi32, #tpu.memory_space<vmem>>) target_semaphore(%arg18 : memref<!tpu.dma_semaphore, #tpu.memory_space<semaphore_mem>>)
    %scan3A_46 = arith.constant 0 : i32
    %scan3A_47 = arith.constant 0 : i32
    %scan3A_48 = arith.constant 400 : i32
    %scan3A_49 = arith.addi %scan3A_47, %scan3A_48 : i32
    %scan3A_50 = arith.constant 1 : i32
    scf.for %scan3A_372 = %scan3A_47 to %scan3A_49 step %scan3A_50  : i32 {
      %mul3A_373 = arith.constant 64 : i32
      %mul3A_374 = arith.muli %scan3A_372, %mul3A_373 : i32
      %add3A_375 = arith.constant 25600 : i32
      %add3A_376 = arith.addi %add3A_375, %mul3A_374 : i32
      %add3A_377 = arith.constant 0 : i32
      %add3A_378 = arith.addi %add3A_376, %add3A_377 : i32
      %get3A = arith.index_cast %add3A_378 : i32 to index
      %get3A_379 = tpu.vector_load %arg12[%get3A] {strides = array<i32>} : memref<51200xi32, #tpu.memory_space<vmem>>, vector<16xi32>,
      %add3A_380 = arith.constant 25600 : i32
      %add3A_381 = arith.addi %add3A_380, %mul3A_374 : i32
      %add3A_382 = arith.constant 16 : i32
      %add3A_383 = arith.addi %add3A_381, %add3A_382 : i32
      %get3A_384 = arith.index_cast %add3A_383 : i32 to index
      %get3A_385 = tpu.vector_load %arg12[%get3A_384] {strides = array<i32>} : memref<51200xi32, #tpu.memory_space<vmem>>, vector<16xi32>,
      %add3A_386 = arith.constant 25600 : i32
      %add3A_387 = arith.addi %add3A_386, %mul3A_374 : i32
      %add3A_388 = arith.constant 32 : i32
      %add3A_389 = arith.addi %add3A_387, %add3A_388 : i32
      %get3A_390 = arith.index_cast %add3A_389 : i32 to index
      %get3A_391 = tpu.vector_load %arg12[%get3A_390] {strides = array<i32>} : memref<51200xi32, #tpu.memory_space<vmem>>, vector<16xi32>,
      %add3A_392 = arith.constant 25600 : i32
      %add3A_393 = arith.addi %add3A_392, %mul3A_374 : i32
      %add3A_394 = arith.constant 48 : i32
      %add3A_395 = arith.addi %add3A_393, %add3A_394 : i32
      %get3A_396 = arith.index_cast %add3A_395 : i32 to index
      %get3A_397 = tpu.vector_load %arg12[%get3A_396] {strides = array<i32>} : memref<51200xi32, #tpu.memory_space<vmem>>, vector<16xi32>,
      %ge3A = vector.broadcast %mul3A_2 : i32 to vector<16xi32>
      %ge3A_398 = arith.cmpi sge, %get3A_379, %ge3A : vector<16xi32>
      %add3A_399 = arith.constant 4096 : i32
      %add3A_400 = arith.addi %mul3A_2, %add3A_399 : i32
      %lt3A = vector.broadcast %add3A_400 : i32 to vector<16xi32>
      %lt3A_401 = arith.cmpi slt, %get3A_379, %lt3A : vector<16xi32>
      %and3A_402 = arith.andi %ge3A_398, %lt3A_401 : vector<16xi1>
      %ge3A_403 = vector.broadcast %mul3A_2 : i32 to vector<16xi32>
      %ge3A_404 = arith.cmpi sge, %get3A_385, %ge3A_403 : vector<16xi32>
      %add3A_405 = arith.constant 4096 : i32
      %add3A_406 = arith.addi %mul3A_2, %add3A_405 : i32
      %lt3A_407 = vector.broadcast %add3A_406 : i32 to vector<16xi32>
      %lt3A_408 = arith.cmpi slt, %get3A_385, %lt3A_407 : vector<16xi32>
      %and3A_409 = arith.andi %ge3A_404, %lt3A_408 : vector<16xi1>
      %ge3A_410 = vector.broadcast %mul3A_2 : i32 to vector<16xi32>
      %ge3A_411 = arith.cmpi sge, %get3A_391, %ge3A_410 : vector<16xi32>
      %add3A_412 = arith.constant 4096 : i32
      %add3A_413 = arith.addi %mul3A_2, %add3A_412 : i32
      %lt3A_414 = vector.broadcast %add3A_413 : i32 to vector<16xi32>
      %lt3A_415 = arith.cmpi slt, %get3A_391, %lt3A_414 : vector<16xi32>
      %and3A_416 = arith.andi %ge3A_411, %lt3A_415 : vector<16xi1>
      %ge3A_417 = vector.broadcast %mul3A_2 : i32 to vector<16xi32>
      %ge3A_418 = arith.cmpi sge, %get3A_397, %ge3A_417 : vector<16xi32>
      %add3A_419 = arith.constant 4096 : i32
      %add3A_420 = arith.addi %mul3A_2, %add3A_419 : i32
      %lt3A_421 = vector.broadcast %add3A_420 : i32 to vector<16xi32>
      %lt3A_422 = arith.cmpi slt, %get3A_397, %lt3A_421 : vector<16xi32>
      %and3A_423 = arith.andi %ge3A_418, %lt3A_422 : vector<16xi1>
      %or3A = arith.ori %and3A_402, %and3A_409 : vector<16xi1>
      %or3A_424 = arith.ori %and3A_416, %and3A_423 : vector<16xi1>
      %or3A_425 = arith.ori %or3A, %or3A_424 : vector<16xi1>
      %reduce_or3A = arith.constant 1.000000e+00 : f32
      %reduce_or3A_426 = arith.constant 0.000000e+00 : f32
      %reduce_or3A_427 = vector.broadcast %reduce_or3A : f32 to vector<16xf32>
      %reduce_or3A_428 = vector.broadcast %reduce_or3A_426 : f32 to vector<16xf32>
      %reduce_or3A_429 = arith.select %or3A_425, %reduce_or3A_427, %reduce_or3A_428 : vector<16xi1>, vector<16xf32>
      %reduce_or3A_430 = arith.constant true
      %reduce_or3A_431 = vector.broadcast %reduce_or3A_430 : i1 to vector<16xi1>
      %reduce_or3A_432 = tpu.scan <max>, %reduce_or3A_429 masked %reduce_or3A_431 : vector<16xf32>, vector<16xi1> -> vector<16xf32>
      %reduce_or3A_433 = vector.extract %reduce_or3A_432[15] : f32 from vector<16xf32>
      %reduce_or3A_434 = arith.constant 0.000000e+00 : f32
      %reduce_or3A_435 = arith.cmpf ogt, %reduce_or3A_433, %reduce_or3A_434 : f32
      %convert_element_type3A = arith.extui %reduce_or3A_435 : i1 to i32
      %cond3A = arith.constant 0 : i32
      %cond3A_436 = arith.cmpi ne, %convert_element_type3A, %cond3A : i32
      scf.if %cond3A_436 {
        %sub3A_437 = vector.broadcast %mul3A_2 : i32 to vector<16xi32>
        %sub3A_438 = arith.subi %get3A_379, %sub3A_437 : vector<16xi32>
        %jit3A_439 = arith.constant 0 : i32
        %broadcast_in_dim3A_440 = vector.broadcast %jit3A_439 : i32 to vector<16xi32>
        %select_n3A_441 = arith.select %and3A_402, %sub3A_438, %broadcast_in_dim3A_440 : vector<16xi1>, vector<16xi32>
        %add3A_442 = arith.constant 25600 : i32
        %add3A_443 = arith.addi %add3A_442, %mul3A_374 : i32
        %add3A_444 = arith.constant 0 : i32
        %add3A_445 = arith.addi %add3A_443, %add3A_444 : i32
        %add3A_446 = vector.broadcast %add3A_445 : i32 to vector<16xi32>
        %add3A_447 = arith.addi %add3A_446, %iota3A : vector<16xi32>
        tpu.vector_store_idx %arg13[%select_n3A_441], %add3A_447 masked %and3A_402 : memref<4096xi32, #tpu.memory_space<vmem>>[vector<16xi32>], vector<16xi32>, vector<16xi1>
        %sub3A_448 = vector.broadcast %mul3A_2 : i32 to vector<16xi32>
        %sub3A_449 = arith.subi %get3A_385, %sub3A_448 : vector<16xi32>
        %jit3A_450 = arith.constant 0 : i32
        %broadcast_in_dim3A_451 = vector.broadcast %jit3A_450 : i32 to vector<16xi32>
        %select_n3A_452 = arith.select %and3A_409, %sub3A_449, %broadcast_in_dim3A_451 : vector<16xi1>, vector<16xi32>
        %add3A_453 = arith.constant 25600 : i32
        %add3A_454 = arith.addi %add3A_453, %mul3A_374 : i32
        %add3A_455 = arith.constant 16 : i32
        %add3A_456 = arith.addi %add3A_454, %add3A_455 : i32
        %add3A_457 = vector.broadcast %add3A_456 : i32 to vector<16xi32>
        %add3A_458 = arith.addi %add3A_457, %iota3A : vector<16xi32>
        tpu.vector_store_idx %arg13[%select_n3A_452], %add3A_458 masked %and3A_409 : memref<4096xi32, #tpu.memory_space<vmem>>[vector<16xi32>], vector<16xi32>, vector<16xi1>
        %sub3A_459 = vector.broadcast %mul3A_2 : i32 to vector<16xi32>
        %sub3A_460 = arith.subi %get3A_391, %sub3A_459 : vector<16xi32>
        %jit3A_461 = arith.constant 0 : i32
        %broadcast_in_dim3A_462 = vector.broadcast %jit3A_461 : i32 to vector<16xi32>
        %select_n3A_463 = arith.select %and3A_416, %sub3A_460, %broadcast_in_dim3A_462 : vector<16xi1>, vector<16xi32>
        %add3A_464 = arith.constant 25600 : i32
        %add3A_465 = arith.addi %add3A_464, %mul3A_374 : i32
        %add3A_466 = arith.constant 32 : i32
        %add3A_467 = arith.addi %add3A_465, %add3A_466 : i32
        %add3A_468 = vector.broadcast %add3A_467 : i32 to vector<16xi32>
        %add3A_469 = arith.addi %add3A_468, %iota3A : vector<16xi32>
        tpu.vector_store_idx %arg13[%select_n3A_463], %add3A_469 masked %and3A_416 : memref<4096xi32, #tpu.memory_space<vmem>>[vector<16xi32>], vector<16xi32>, vector<16xi1>
        %sub3A_470 = vector.broadcast %mul3A_2 : i32 to vector<16xi32>
        %sub3A_471 = arith.subi %get3A_397, %sub3A_470 : vector<16xi32>
        %jit3A_472 = arith.constant 0 : i32
        %broadcast_in_dim3A_473 = vector.broadcast %jit3A_472 : i32 to vector<16xi32>
        %select_n3A_474 = arith.select %and3A_423, %sub3A_471, %broadcast_in_dim3A_473 : vector<16xi1>, vector<16xi32>
        %add3A_475 = arith.constant 25600 : i32
        %add3A_476 = arith.addi %add3A_475, %mul3A_374 : i32
        %add3A_477 = arith.constant 48 : i32
        %add3A_478 = arith.addi %add3A_476, %add3A_477 : i32
        %add3A_479 = vector.broadcast %add3A_478 : i32 to vector<16xi32>
        %add3A_480 = arith.addi %add3A_479, %iota3A : vector<16xi32>
        tpu.vector_store_idx %arg13[%select_n3A_474], %add3A_480 masked %and3A_423 : memref<4096xi32, #tpu.memory_space<vmem>>[vector<16xi32>], vector<16xi32>, vector<16xi1>
      } else {
      }
    }
    %scan3A_51 = arith.constant 400 : i32
    %dma_wait3A_52 = arith.constant 0 : i32
    %dma_wait3A_53 = tpu.memref_slice %arg12[%dma_wait3A_52] : memref<51200xi32, #tpu.memory_space<vmem>> -> memref<25600xi32, #tpu.memory_space<vmem>>
    %dma_wait3A_54 = arith.constant 0 : i32
    %dma_wait3A_55 = tpu.memref_slice %arg2[%dma_wait3A_54] : memref<204800xi32, #tpu.memory_space<hbm>> -> memref<25600xi32, #tpu.memory_space<hbm>>
    %dma_wait3A_56 = arith.constant 0 : i32
    %dma_wait3A_57 = tpu.memref_slice %arg12[%dma_wait3A_56] : memref<51200xi32, #tpu.memory_space<vmem>> -> memref<25600xi32, #tpu.memory_space<vmem>>
    %dma_wait3A_58 = arith.constant 0 : i32
    %dma_wait3A_59 = tpu.memref_slice %arg2[%dma_wait3A_58] : memref<204800xi32, #tpu.memory_space<hbm>> -> memref<25600xi32, #tpu.memory_space<hbm>>
    tpu.wait_dma2 semaphore(%arg18 : memref<!tpu.dma_semaphore, #tpu.memory_space<semaphore_mem>>) src(%dma_wait3A_59 : memref<25600xi32, #tpu.memory_space<hbm>>) dst(%dma_wait3A_57 : memref<25600xi32, #tpu.memory_space<vmem>>)
    %dma_start3A_60 = arith.constant 25600 : i32
    %dma_start3A_61 = tpu.memref_slice %arg12[%dma_start3A_60] : memref<51200xi32, #tpu.memory_space<vmem>> -> memref<25600xi32, #tpu.memory_space<vmem>>
    %dma_start3A_62 = arith.constant 76800 : i32
    %dma_start3A_63 = tpu.memref_slice %arg2[%dma_start3A_62] : memref<204800xi32, #tpu.memory_space<hbm>> -> memref<25600xi32, #tpu.memory_space<hbm>>
    %dma_start3A_64 = arith.constant 25600 : i32
    %dma_start3A_65 = tpu.memref_slice %arg12[%dma_start3A_64] : memref<51200xi32, #tpu.memory_space<vmem>> -> memref<25600xi32, #tpu.memory_space<vmem>>
    %dma_start3A_66 = arith.constant 76800 : i32
    %dma_start3A_67 = tpu.memref_slice %arg2[%dma_start3A_66] : memref<204800xi32, #tpu.memory_space<hbm>> -> memref<25600xi32, #tpu.memory_space<hbm>>
    tpu.enqueue_dma source(%dma_start3A_67 : memref<25600xi32, #tpu.memory_space<hbm>>) target(%dma_start3A_65 : memref<25600xi32, #tpu.memory_space<vmem>>) target_semaphore(%arg18 : memref<!tpu.dma_semaphore, #tpu.memory_space<semaphore_mem>>)
    %scan3A_68 = arith.constant 0 : i32
    %scan3A_69 = arith.constant 0 : i32
    %scan3A_70 = arith.constant 400 : i32
    %scan3A_71 = arith.addi %scan3A_69, %scan3A_70 : i32
    %scan3A_72 = arith.constant 1 : i32
    scf.for %scan3A_372 = %scan3A_69 to %scan3A_71 step %scan3A_72  : i32 {
      %mul3A_373 = arith.constant 64 : i32
      %mul3A_374 = arith.muli %scan3A_372, %mul3A_373 : i32
      %add3A_375 = arith.constant 0 : i32
      %add3A_376 = arith.addi %add3A_375, %mul3A_374 : i32
      %add3A_377 = arith.constant 0 : i32
      %add3A_378 = arith.addi %add3A_376, %add3A_377 : i32
      %get3A = arith.index_cast %add3A_378 : i32 to index
      %get3A_379 = tpu.vector_load %arg12[%get3A] {strides = array<i32>} : memref<51200xi32, #tpu.memory_space<vmem>>, vector<16xi32>,
      %add3A_380 = arith.constant 0 : i32
      %add3A_381 = arith.addi %add3A_380, %mul3A_374 : i32
      %add3A_382 = arith.constant 16 : i32
      %add3A_383 = arith.addi %add3A_381, %add3A_382 : i32
      %get3A_384 = arith.index_cast %add3A_383 : i32 to index
      %get3A_385 = tpu.vector_load %arg12[%get3A_384] {strides = array<i32>} : memref<51200xi32, #tpu.memory_space<vmem>>, vector<16xi32>,
      %add3A_386 = arith.constant 0 : i32
      %add3A_387 = arith.addi %add3A_386, %mul3A_374 : i32
      %add3A_388 = arith.constant 32 : i32
      %add3A_389 = arith.addi %add3A_387, %add3A_388 : i32
      %get3A_390 = arith.index_cast %add3A_389 : i32 to index
      %get3A_391 = tpu.vector_load %arg12[%get3A_390] {strides = array<i32>} : memref<51200xi32, #tpu.memory_space<vmem>>, vector<16xi32>,
      %add3A_392 = arith.constant 0 : i32
      %add3A_393 = arith.addi %add3A_392, %mul3A_374 : i32
      %add3A_394 = arith.constant 48 : i32
      %add3A_395 = arith.addi %add3A_393, %add3A_394 : i32
      %get3A_396 = arith.index_cast %add3A_395 : i32 to index
      %get3A_397 = tpu.vector_load %arg12[%get3A_396] {strides = array<i32>} : memref<51200xi32, #tpu.memory_space<vmem>>, vector<16xi32>,
      %ge3A = vector.broadcast %mul3A_2 : i32 to vector<16xi32>
      %ge3A_398 = arith.cmpi sge, %get3A_379, %ge3A : vector<16xi32>
      %add3A_399 = arith.constant 4096 : i32
      %add3A_400 = arith.addi %mul3A_2, %add3A_399 : i32
      %lt3A = vector.broadcast %add3A_400 : i32 to vector<16xi32>
      %lt3A_401 = arith.cmpi slt, %get3A_379, %lt3A : vector<16xi32>
      %and3A_402 = arith.andi %ge3A_398, %lt3A_401 : vector<16xi1>
      %ge3A_403 = vector.broadcast %mul3A_2 : i32 to vector<16xi32>
      %ge3A_404 = arith.cmpi sge, %get3A_385, %ge3A_403 : vector<16xi32>
      %add3A_405 = arith.constant 4096 : i32
      %add3A_406 = arith.addi %mul3A_2, %add3A_405 : i32
      %lt3A_407 = vector.broadcast %add3A_406 : i32 to vector<16xi32>
      %lt3A_408 = arith.cmpi slt, %get3A_385, %lt3A_407 : vector<16xi32>
      %and3A_409 = arith.andi %ge3A_404, %lt3A_408 : vector<16xi1>
      %ge3A_410 = vector.broadcast %mul3A_2 : i32 to vector<16xi32>
      %ge3A_411 = arith.cmpi sge, %get3A_391, %ge3A_410 : vector<16xi32>
      %add3A_412 = arith.constant 4096 : i32
      %add3A_413 = arith.addi %mul3A_2, %add3A_412 : i32
      %lt3A_414 = vector.broadcast %add3A_413 : i32 to vector<16xi32>
      %lt3A_415 = arith.cmpi slt, %get3A_391, %lt3A_414 : vector<16xi32>
      %and3A_416 = arith.andi %ge3A_411, %lt3A_415 : vector<16xi1>
      %ge3A_417 = vector.broadcast %mul3A_2 : i32 to vector<16xi32>
      %ge3A_418 = arith.cmpi sge, %get3A_397, %ge3A_417 : vector<16xi32>
      %add3A_419 = arith.constant 4096 : i32
      %add3A_420 = arith.addi %mul3A_2, %add3A_419 : i32
      %lt3A_421 = vector.broadcast %add3A_420 : i32 to vector<16xi32>
      %lt3A_422 = arith.cmpi slt, %get3A_397, %lt3A_421 : vector<16xi32>
      %and3A_423 = arith.andi %ge3A_418, %lt3A_422 : vector<16xi1>
      %or3A = arith.ori %and3A_402, %and3A_409 : vector<16xi1>
      %or3A_424 = arith.ori %and3A_416, %and3A_423 : vector<16xi1>
      %or3A_425 = arith.ori %or3A, %or3A_424 : vector<16xi1>
      %reduce_or3A = arith.constant 1.000000e+00 : f32
      %reduce_or3A_426 = arith.constant 0.000000e+00 : f32
      %reduce_or3A_427 = vector.broadcast %reduce_or3A : f32 to vector<16xf32>
      %reduce_or3A_428 = vector.broadcast %reduce_or3A_426 : f32 to vector<16xf32>
      %reduce_or3A_429 = arith.select %or3A_425, %reduce_or3A_427, %reduce_or3A_428 : vector<16xi1>, vector<16xf32>
      %reduce_or3A_430 = arith.constant true
      %reduce_or3A_431 = vector.broadcast %reduce_or3A_430 : i1 to vector<16xi1>
      %reduce_or3A_432 = tpu.scan <max>, %reduce_or3A_429 masked %reduce_or3A_431 : vector<16xf32>, vector<16xi1> -> vector<16xf32>
      %reduce_or3A_433 = vector.extract %reduce_or3A_432[15] : f32 from vector<16xf32>
      %reduce_or3A_434 = arith.constant 0.000000e+00 : f32
      %reduce_or3A_435 = arith.cmpf ogt, %reduce_or3A_433, %reduce_or3A_434 : f32
      %convert_element_type3A = arith.extui %reduce_or3A_435 : i1 to i32
      %cond3A = arith.constant 0 : i32
      %cond3A_436 = arith.cmpi ne, %convert_element_type3A, %cond3A : i32
      scf.if %cond3A_436 {
        %sub3A_437 = vector.broadcast %mul3A_2 : i32 to vector<16xi32>
        %sub3A_438 = arith.subi %get3A_379, %sub3A_437 : vector<16xi32>
        %jit3A_439 = arith.constant 0 : i32
        %broadcast_in_dim3A_440 = vector.broadcast %jit3A_439 : i32 to vector<16xi32>
        %select_n3A_441 = arith.select %and3A_402, %sub3A_438, %broadcast_in_dim3A_440 : vector<16xi1>, vector<16xi32>
        %add3A_442 = arith.constant 51200 : i32
        %add3A_443 = arith.addi %add3A_442, %mul3A_374 : i32
        %add3A_444 = arith.constant 0 : i32
        %add3A_445 = arith.addi %add3A_443, %add3A_444 : i32
        %add3A_446 = vector.broadcast %add3A_445 : i32 to vector<16xi32>
        %add3A_447 = arith.addi %add3A_446, %iota3A : vector<16xi32>
        tpu.vector_store_idx %arg13[%select_n3A_441], %add3A_447 masked %and3A_402 : memref<4096xi32, #tpu.memory_space<vmem>>[vector<16xi32>], vector<16xi32>, vector<16xi1>
        %sub3A_448 = vector.broadcast %mul3A_2 : i32 to vector<16xi32>
        %sub3A_449 = arith.subi %get3A_385, %sub3A_448 : vector<16xi32>
        %jit3A_450 = arith.constant 0 : i32
        %broadcast_in_dim3A_451 = vector.broadcast %jit3A_450 : i32 to vector<16xi32>
        %select_n3A_452 = arith.select %and3A_409, %sub3A_449, %broadcast_in_dim3A_451 : vector<16xi1>, vector<16xi32>
        %add3A_453 = arith.constant 51200 : i32
        %add3A_454 = arith.addi %add3A_453, %mul3A_374 : i32
        %add3A_455 = arith.constant 16 : i32
        %add3A_456 = arith.addi %add3A_454, %add3A_455 : i32
        %add3A_457 = vector.broadcast %add3A_456 : i32 to vector<16xi32>
        %add3A_458 = arith.addi %add3A_457, %iota3A : vector<16xi32>
        tpu.vector_store_idx %arg13[%select_n3A_452], %add3A_458 masked %and3A_409 : memref<4096xi32, #tpu.memory_space<vmem>>[vector<16xi32>], vector<16xi32>, vector<16xi1>
        %sub3A_459 = vector.broadcast %mul3A_2 : i32 to vector<16xi32>
        %sub3A_460 = arith.subi %get3A_391, %sub3A_459 : vector<16xi32>
        %jit3A_461 = arith.constant 0 : i32
        %broadcast_in_dim3A_462 = vector.broadcast %jit3A_461 : i32 to vector<16xi32>
        %select_n3A_463 = arith.select %and3A_416, %sub3A_460, %broadcast_in_dim3A_462 : vector<16xi1>, vector<16xi32>
        %add3A_464 = arith.constant 51200 : i32
        %add3A_465 = arith.addi %add3A_464, %mul3A_374 : i32
        %add3A_466 = arith.constant 32 : i32
        %add3A_467 = arith.addi %add3A_465, %add3A_466 : i32
        %add3A_468 = vector.broadcast %add3A_467 : i32 to vector<16xi32>
        %add3A_469 = arith.addi %add3A_468, %iota3A : vector<16xi32>
        tpu.vector_store_idx %arg13[%select_n3A_463], %add3A_469 masked %and3A_416 : memref<4096xi32, #tpu.memory_space<vmem>>[vector<16xi32>], vector<16xi32>, vector<16xi1>
        %sub3A_470 = vector.broadcast %mul3A_2 : i32 to vector<16xi32>
        %sub3A_471 = arith.subi %get3A_397, %sub3A_470 : vector<16xi32>
        %jit3A_472 = arith.constant 0 : i32
        %broadcast_in_dim3A_473 = vector.broadcast %jit3A_472 : i32 to vector<16xi32>
        %select_n3A_474 = arith.select %and3A_423, %sub3A_471, %broadcast_in_dim3A_473 : vector<16xi1>, vector<16xi32>
        %add3A_475 = arith.constant 51200 : i32
        %add3A_476 = arith.addi %add3A_475, %mul3A_374 : i32
        %add3A_477 = arith.constant 48 : i32
        %add3A_478 = arith.addi %add3A_476, %add3A_477 : i32
        %add3A_479 = vector.broadcast %add3A_478 : i32 to vector<16xi32>
        %add3A_480 = arith.addi %add3A_479, %iota3A : vector<16xi32>
        tpu.vector_store_idx %arg13[%select_n3A_474], %add3A_480 masked %and3A_423 : memref<4096xi32, #tpu.memory_space<vmem>>[vector<16xi32>], vector<16xi32>, vector<16xi1>
      } else {
      }
    }
    %scan3A_73 = arith.constant 400 : i32
    %dma_wait3A_74 = arith.constant 25600 : i32
    %dma_wait3A_75 = tpu.memref_slice %arg12[%dma_wait3A_74] : memref<51200xi32, #tpu.memory_space<vmem>> -> memref<25600xi32, #tpu.memory_space<vmem>>
    %dma_wait3A_76 = arith.constant 0 : i32
    %dma_wait3A_77 = tpu.memref_slice %arg2[%dma_wait3A_76] : memref<204800xi32, #tpu.memory_space<hbm>> -> memref<25600xi32, #tpu.memory_space<hbm>>
    %dma_wait3A_78 = arith.constant 25600 : i32
    %dma_wait3A_79 = tpu.memref_slice %arg12[%dma_wait3A_78] : memref<51200xi32, #tpu.memory_space<vmem>> -> memref<25600xi32, #tpu.memory_space<vmem>>
    %dma_wait3A_80 = arith.constant 0 : i32
    %dma_wait3A_81 = tpu.memref_slice %arg2[%dma_wait3A_80] : memref<204800xi32, #tpu.memory_space<hbm>> -> memref<25600xi32, #tpu.memory_space<hbm>>
    tpu.wait_dma2 semaphore(%arg18 : memref<!tpu.dma_semaphore, #tpu.memory_space<semaphore_mem>>) src(%dma_wait3A_81 : memref<25600xi32, #tpu.memory_space<hbm>>) dst(%dma_wait3A_79 : memref<25600xi32, #tpu.memory_space<vmem>>)
    %dma_start3A_82 = arith.constant 0 : i32
    %dma_start3A_83 = tpu.memref_slice %arg12[%dma_start3A_82] : memref<51200xi32, #tpu.memory_space<vmem>> -> memref<25600xi32, #tpu.memory_space<vmem>>
    %dma_start3A_84 = arith.constant 102400 : i32
    %dma_start3A_85 = tpu.memref_slice %arg2[%dma_start3A_84] : memref<204800xi32, #tpu.memory_space<hbm>> -> memref<25600xi32, #tpu.memory_space<hbm>>
    %dma_start3A_86 = arith.constant 0 : i32
    %dma_start3A_87 = tpu.memref_slice %arg12[%dma_start3A_86] : memref<51200xi32, #tpu.memory_space<vmem>> -> memref<25600xi32, #tpu.memory_space<vmem>>
    %dma_start3A_88 = arith.constant 102400 : i32
    %dma_start3A_89 = tpu.memref_slice %arg2[%dma_start3A_88] : memref<204800xi32, #tpu.memory_space<hbm>> -> memref<25600xi32, #tpu.memory_space<hbm>>
    tpu.enqueue_dma source(%dma_start3A_89 : memref<25600xi32, #tpu.memory_space<hbm>>) target(%dma_start3A_87 : memref<25600xi32, #tpu.memory_space<vmem>>) target_semaphore(%arg18 : memref<!tpu.dma_semaphore, #tpu.memory_space<semaphore_mem>>)
    %scan3A_90 = arith.constant 0 : i32
    %scan3A_91 = arith.constant 0 : i32
    %scan3A_92 = arith.constant 400 : i32
    %scan3A_93 = arith.addi %scan3A_91, %scan3A_92 : i32
    %scan3A_94 = arith.constant 1 : i32
    scf.for %scan3A_372 = %scan3A_91 to %scan3A_93 step %scan3A_94  : i32 {
      %mul3A_373 = arith.constant 64 : i32
      %mul3A_374 = arith.muli %scan3A_372, %mul3A_373 : i32
      %add3A_375 = arith.constant 25600 : i32
      %add3A_376 = arith.addi %add3A_375, %mul3A_374 : i32
      %add3A_377 = arith.constant 0 : i32
      %add3A_378 = arith.addi %add3A_376, %add3A_377 : i32
      %get3A = arith.index_cast %add3A_378 : i32 to index
      %get3A_379 = tpu.vector_load %arg12[%get3A] {strides = array<i32>} : memref<51200xi32, #tpu.memory_space<vmem>>, vector<16xi32>,
      %add3A_380 = arith.constant 25600 : i32
      %add3A_381 = arith.addi %add3A_380, %mul3A_374 : i32
      %add3A_382 = arith.constant 16 : i32
      %add3A_383 = arith.addi %add3A_381, %add3A_382 : i32
      %get3A_384 = arith.index_cast %add3A_383 : i32 to index
      %get3A_385 = tpu.vector_load %arg12[%get3A_384] {strides = array<i32>} : memref<51200xi32, #tpu.memory_space<vmem>>, vector<16xi32>,
      %add3A_386 = arith.constant 25600 : i32
      %add3A_387 = arith.addi %add3A_386, %mul3A_374 : i32
      %add3A_388 = arith.constant 32 : i32
      %add3A_389 = arith.addi %add3A_387, %add3A_388 : i32
      %get3A_390 = arith.index_cast %add3A_389 : i32 to index
      %get3A_391 = tpu.vector_load %arg12[%get3A_390] {strides = array<i32>} : memref<51200xi32, #tpu.memory_space<vmem>>, vector<16xi32>,
      %add3A_392 = arith.constant 25600 : i32
      %add3A_393 = arith.addi %add3A_392, %mul3A_374 : i32
      %add3A_394 = arith.constant 48 : i32
      %add3A_395 = arith.addi %add3A_393, %add3A_394 : i32
      %get3A_396 = arith.index_cast %add3A_395 : i32 to index
      %get3A_397 = tpu.vector_load %arg12[%get3A_396] {strides = array<i32>} : memref<51200xi32, #tpu.memory_space<vmem>>, vector<16xi32>,
      %ge3A = vector.broadcast %mul3A_2 : i32 to vector<16xi32>
      %ge3A_398 = arith.cmpi sge, %get3A_379, %ge3A : vector<16xi32>
      %add3A_399 = arith.constant 4096 : i32
      %add3A_400 = arith.addi %mul3A_2, %add3A_399 : i32
      %lt3A = vector.broadcast %add3A_400 : i32 to vector<16xi32>
      %lt3A_401 = arith.cmpi slt, %get3A_379, %lt3A : vector<16xi32>
      %and3A_402 = arith.andi %ge3A_398, %lt3A_401 : vector<16xi1>
      %ge3A_403 = vector.broadcast %mul3A_2 : i32 to vector<16xi32>
      %ge3A_404 = arith.cmpi sge, %get3A_385, %ge3A_403 : vector<16xi32>
      %add3A_405 = arith.constant 4096 : i32
      %add3A_406 = arith.addi %mul3A_2, %add3A_405 : i32
      %lt3A_407 = vector.broadcast %add3A_406 : i32 to vector<16xi32>
      %lt3A_408 = arith.cmpi slt, %get3A_385, %lt3A_407 : vector<16xi32>
      %and3A_409 = arith.andi %ge3A_404, %lt3A_408 : vector<16xi1>
      %ge3A_410 = vector.broadcast %mul3A_2 : i32 to vector<16xi32>
      %ge3A_411 = arith.cmpi sge, %get3A_391, %ge3A_410 : vector<16xi32>
      %add3A_412 = arith.constant 4096 : i32
      %add3A_413 = arith.addi %mul3A_2, %add3A_412 : i32
      %lt3A_414 = vector.broadcast %add3A_413 : i32 to vector<16xi32>
      %lt3A_415 = arith.cmpi slt, %get3A_391, %lt3A_414 : vector<16xi32>
      %and3A_416 = arith.andi %ge3A_411, %lt3A_415 : vector<16xi1>
      %ge3A_417 = vector.broadcast %mul3A_2 : i32 to vector<16xi32>
      %ge3A_418 = arith.cmpi sge, %get3A_397, %ge3A_417 : vector<16xi32>
      %add3A_419 = arith.constant 4096 : i32
      %add3A_420 = arith.addi %mul3A_2, %add3A_419 : i32
      %lt3A_421 = vector.broadcast %add3A_420 : i32 to vector<16xi32>
      %lt3A_422 = arith.cmpi slt, %get3A_397, %lt3A_421 : vector<16xi32>
      %and3A_423 = arith.andi %ge3A_418, %lt3A_422 : vector<16xi1>
      %or3A = arith.ori %and3A_402, %and3A_409 : vector<16xi1>
      %or3A_424 = arith.ori %and3A_416, %and3A_423 : vector<16xi1>
      %or3A_425 = arith.ori %or3A, %or3A_424 : vector<16xi1>
      %reduce_or3A = arith.constant 1.000000e+00 : f32
      %reduce_or3A_426 = arith.constant 0.000000e+00 : f32
      %reduce_or3A_427 = vector.broadcast %reduce_or3A : f32 to vector<16xf32>
      %reduce_or3A_428 = vector.broadcast %reduce_or3A_426 : f32 to vector<16xf32>
      %reduce_or3A_429 = arith.select %or3A_425, %reduce_or3A_427, %reduce_or3A_428 : vector<16xi1>, vector<16xf32>
      %reduce_or3A_430 = arith.constant true
      %reduce_or3A_431 = vector.broadcast %reduce_or3A_430 : i1 to vector<16xi1>
      %reduce_or3A_432 = tpu.scan <max>, %reduce_or3A_429 masked %reduce_or3A_431 : vector<16xf32>, vector<16xi1> -> vector<16xf32>
      %reduce_or3A_433 = vector.extract %reduce_or3A_432[15] : f32 from vector<16xf32>
      %reduce_or3A_434 = arith.constant 0.000000e+00 : f32
      %reduce_or3A_435 = arith.cmpf ogt, %reduce_or3A_433, %reduce_or3A_434 : f32
      %convert_element_type3A = arith.extui %reduce_or3A_435 : i1 to i32
      %cond3A = arith.constant 0 : i32
      %cond3A_436 = arith.cmpi ne, %convert_element_type3A, %cond3A : i32
      scf.if %cond3A_436 {
        %sub3A_437 = vector.broadcast %mul3A_2 : i32 to vector<16xi32>
        %sub3A_438 = arith.subi %get3A_379, %sub3A_437 : vector<16xi32>
        %jit3A_439 = arith.constant 0 : i32
        %broadcast_in_dim3A_440 = vector.broadcast %jit3A_439 : i32 to vector<16xi32>
        %select_n3A_441 = arith.select %and3A_402, %sub3A_438, %broadcast_in_dim3A_440 : vector<16xi1>, vector<16xi32>
        %add3A_442 = arith.constant 76800 : i32
        %add3A_443 = arith.addi %add3A_442, %mul3A_374 : i32
        %add3A_444 = arith.constant 0 : i32
        %add3A_445 = arith.addi %add3A_443, %add3A_444 : i32
        %add3A_446 = vector.broadcast %add3A_445 : i32 to vector<16xi32>
        %add3A_447 = arith.addi %add3A_446, %iota3A : vector<16xi32>
        tpu.vector_store_idx %arg13[%select_n3A_441], %add3A_447 masked %and3A_402 : memref<4096xi32, #tpu.memory_space<vmem>>[vector<16xi32>], vector<16xi32>, vector<16xi1>
        %sub3A_448 = vector.broadcast %mul3A_2 : i32 to vector<16xi32>
        %sub3A_449 = arith.subi %get3A_385, %sub3A_448 : vector<16xi32>
        %jit3A_450 = arith.constant 0 : i32
        %broadcast_in_dim3A_451 = vector.broadcast %jit3A_450 : i32 to vector<16xi32>
        %select_n3A_452 = arith.select %and3A_409, %sub3A_449, %broadcast_in_dim3A_451 : vector<16xi1>, vector<16xi32>
        %add3A_453 = arith.constant 76800 : i32
        %add3A_454 = arith.addi %add3A_453, %mul3A_374 : i32
        %add3A_455 = arith.constant 16 : i32
        %add3A_456 = arith.addi %add3A_454, %add3A_455 : i32
        %add3A_457 = vector.broadcast %add3A_456 : i32 to vector<16xi32>
        %add3A_458 = arith.addi %add3A_457, %iota3A : vector<16xi32>
        tpu.vector_store_idx %arg13[%select_n3A_452], %add3A_458 masked %and3A_409 : memref<4096xi32, #tpu.memory_space<vmem>>[vector<16xi32>], vector<16xi32>, vector<16xi1>
        %sub3A_459 = vector.broadcast %mul3A_2 : i32 to vector<16xi32>
        %sub3A_460 = arith.subi %get3A_391, %sub3A_459 : vector<16xi32>
        %jit3A_461 = arith.constant 0 : i32
        %broadcast_in_dim3A_462 = vector.broadcast %jit3A_461 : i32 to vector<16xi32>
        %select_n3A_463 = arith.select %and3A_416, %sub3A_460, %broadcast_in_dim3A_462 : vector<16xi1>, vector<16xi32>
        %add3A_464 = arith.constant 76800 : i32
        %add3A_465 = arith.addi %add3A_464, %mul3A_374 : i32
        %add3A_466 = arith.constant 32 : i32
        %add3A_467 = arith.addi %add3A_465, %add3A_466 : i32
        %add3A_468 = vector.broadcast %add3A_467 : i32 to vector<16xi32>
        %add3A_469 = arith.addi %add3A_468, %iota3A : vector<16xi32>
        tpu.vector_store_idx %arg13[%select_n3A_463], %add3A_469 masked %and3A_416 : memref<4096xi32, #tpu.memory_space<vmem>>[vector<16xi32>], vector<16xi32>, vector<16xi1>
        %sub3A_470 = vector.broadcast %mul3A_2 : i32 to vector<16xi32>
        %sub3A_471 = arith.subi %get3A_397, %sub3A_470 : vector<16xi32>
        %jit3A_472 = arith.constant 0 : i32
        %broadcast_in_dim3A_473 = vector.broadcast %jit3A_472 : i32 to vector<16xi32>
        %select_n3A_474 = arith.select %and3A_423, %sub3A_471, %broadcast_in_dim3A_473 : vector<16xi1>, vector<16xi32>
        %add3A_475 = arith.constant 76800 : i32
        %add3A_476 = arith.addi %add3A_475, %mul3A_374 : i32
        %add3A_477 = arith.constant 48 : i32
        %add3A_478 = arith.addi %add3A_476, %add3A_477 : i32
        %add3A_479 = vector.broadcast %add3A_478 : i32 to vector<16xi32>
        %add3A_480 = arith.addi %add3A_479, %iota3A : vector<16xi32>
        tpu.vector_store_idx %arg13[%select_n3A_474], %add3A_480 masked %and3A_423 : memref<4096xi32, #tpu.memory_space<vmem>>[vector<16xi32>], vector<16xi32>, vector<16xi1>
      } else {
      }
    }
    %scan3A_95 = arith.constant 400 : i32
    %dma_wait3A_96 = arith.constant 0 : i32
    %dma_wait3A_97 = tpu.memref_slice %arg12[%dma_wait3A_96] : memref<51200xi32, #tpu.memory_space<vmem>> -> memref<25600xi32, #tpu.memory_space<vmem>>
    %dma_wait3A_98 = arith.constant 0 : i32
    %dma_wait3A_99 = tpu.memref_slice %arg2[%dma_wait3A_98] : memref<204800xi32, #tpu.memory_space<hbm>> -> memref<25600xi32, #tpu.memory_space<hbm>>
    %dma_wait3A_100 = arith.constant 0 : i32
    %dma_wait3A_101 = tpu.memref_slice %arg12[%dma_wait3A_100] : memref<51200xi32, #tpu.memory_space<vmem>> -> memref<25600xi32, #tpu.memory_space<vmem>>
    %dma_wait3A_102 = arith.constant 0 : i32
    %dma_wait3A_103 = tpu.memref_slice %arg2[%dma_wait3A_102] : memref<204800xi32, #tpu.memory_space<hbm>> -> memref<25600xi32, #tpu.memory_space<hbm>>
    tpu.wait_dma2 semaphore(%arg18 : memref<!tpu.dma_semaphore, #tpu.memory_space<semaphore_mem>>) src(%dma_wait3A_103 : memref<25600xi32, #tpu.memory_space<hbm>>) dst(%dma_wait3A_101 : memref<25600xi32, #tpu.memory_space<vmem>>)
    %dma_start3A_104 = arith.constant 25600 : i32
    %dma_start3A_105 = tpu.memref_slice %arg12[%dma_start3A_104] : memref<51200xi32, #tpu.memory_space<vmem>> -> memref<25600xi32, #tpu.memory_space<vmem>>
    %dma_start3A_106 = arith.constant 128000 : i32
    %dma_start3A_107 = tpu.memref_slice %arg2[%dma_start3A_106] : memref<204800xi32, #tpu.memory_space<hbm>> -> memref<25600xi32, #tpu.memory_space<hbm>>
    %dma_start3A_108 = arith.constant 25600 : i32
    %dma_start3A_109 = tpu.memref_slice %arg12[%dma_start3A_108] : memref<51200xi32, #tpu.memory_space<vmem>> -> memref<25600xi32, #tpu.memory_space<vmem>>
    %dma_start3A_110 = arith.constant 128000 : i32
    %dma_start3A_111 = tpu.memref_slice %arg2[%dma_start3A_110] : memref<204800xi32, #tpu.memory_space<hbm>> -> memref<25600xi32, #tpu.memory_space<hbm>>
    tpu.enqueue_dma source(%dma_start3A_111 : memref<25600xi32, #tpu.memory_space<hbm>>) target(%dma_start3A_109 : memref<25600xi32, #tpu.memory_space<vmem>>) target_semaphore(%arg18 : memref<!tpu.dma_semaphore, #tpu.memory_space<semaphore_mem>>)
    %scan3A_112 = arith.constant 0 : i32
    %scan3A_113 = arith.constant 0 : i32
    %scan3A_114 = arith.constant 400 : i32
    %scan3A_115 = arith.addi %scan3A_113, %scan3A_114 : i32
    %scan3A_116 = arith.constant 1 : i32
    scf.for %scan3A_372 = %scan3A_113 to %scan3A_115 step %scan3A_116  : i32 {
      %mul3A_373 = arith.constant 64 : i32
      %mul3A_374 = arith.muli %scan3A_372, %mul3A_373 : i32
      %add3A_375 = arith.constant 0 : i32
      %add3A_376 = arith.addi %add3A_375, %mul3A_374 : i32
      %add3A_377 = arith.constant 0 : i32
      %add3A_378 = arith.addi %add3A_376, %add3A_377 : i32
      %get3A = arith.index_cast %add3A_378 : i32 to index
      %get3A_379 = tpu.vector_load %arg12[%get3A] {strides = array<i32>} : memref<51200xi32, #tpu.memory_space<vmem>>, vector<16xi32>,
      %add3A_380 = arith.constant 0 : i32
      %add3A_381 = arith.addi %add3A_380, %mul3A_374 : i32
      %add3A_382 = arith.constant 16 : i32
      %add3A_383 = arith.addi %add3A_381, %add3A_382 : i32
      %get3A_384 = arith.index_cast %add3A_383 : i32 to index
      %get3A_385 = tpu.vector_load %arg12[%get3A_384] {strides = array<i32>} : memref<51200xi32, #tpu.memory_space<vmem>>, vector<16xi32>,
      %add3A_386 = arith.constant 0 : i32
      %add3A_387 = arith.addi %add3A_386, %mul3A_374 : i32
      %add3A_388 = arith.constant 32 : i32
      %add3A_389 = arith.addi %add3A_387, %add3A_388 : i32
      %get3A_390 = arith.index_cast %add3A_389 : i32 to index
      %get3A_391 = tpu.vector_load %arg12[%get3A_390] {strides = array<i32>} : memref<51200xi32, #tpu.memory_space<vmem>>, vector<16xi32>,
      %add3A_392 = arith.constant 0 : i32
      %add3A_393 = arith.addi %add3A_392, %mul3A_374 : i32
      %add3A_394 = arith.constant 48 : i32
      %add3A_395 = arith.addi %add3A_393, %add3A_394 : i32
      %get3A_396 = arith.index_cast %add3A_395 : i32 to index
      %get3A_397 = tpu.vector_load %arg12[%get3A_396] {strides = array<i32>} : memref<51200xi32, #tpu.memory_space<vmem>>, vector<16xi32>,
      %ge3A = vector.broadcast %mul3A_2 : i32 to vector<16xi32>
      %ge3A_398 = arith.cmpi sge, %get3A_379, %ge3A : vector<16xi32>
      %add3A_399 = arith.constant 4096 : i32
      %add3A_400 = arith.addi %mul3A_2, %add3A_399 : i32
      %lt3A = vector.broadcast %add3A_400 : i32 to vector<16xi32>
      %lt3A_401 = arith.cmpi slt, %get3A_379, %lt3A : vector<16xi32>
      %and3A_402 = arith.andi %ge3A_398, %lt3A_401 : vector<16xi1>
      %ge3A_403 = vector.broadcast %mul3A_2 : i32 to vector<16xi32>
      %ge3A_404 = arith.cmpi sge, %get3A_385, %ge3A_403 : vector<16xi32>
      %add3A_405 = arith.constant 4096 : i32
      %add3A_406 = arith.addi %mul3A_2, %add3A_405 : i32
      %lt3A_407 = vector.broadcast %add3A_406 : i32 to vector<16xi32>
      %lt3A_408 = arith.cmpi slt, %get3A_385, %lt3A_407 : vector<16xi32>
      %and3A_409 = arith.andi %ge3A_404, %lt3A_408 : vector<16xi1>
      %ge3A_410 = vector.broadcast %mul3A_2 : i32 to vector<16xi32>
      %ge3A_411 = arith.cmpi sge, %get3A_391, %ge3A_410 : vector<16xi32>
      %add3A_412 = arith.constant 4096 : i32
      %add3A_413 = arith.addi %mul3A_2, %add3A_412 : i32
      %lt3A_414 = vector.broadcast %add3A_413 : i32 to vector<16xi32>
      %lt3A_415 = arith.cmpi slt, %get3A_391, %lt3A_414 : vector<16xi32>
      %and3A_416 = arith.andi %ge3A_411, %lt3A_415 : vector<16xi1>
      %ge3A_417 = vector.broadcast %mul3A_2 : i32 to vector<16xi32>
      %ge3A_418 = arith.cmpi sge, %get3A_397, %ge3A_417 : vector<16xi32>
      %add3A_419 = arith.constant 4096 : i32
      %add3A_420 = arith.addi %mul3A_2, %add3A_419 : i32
      %lt3A_421 = vector.broadcast %add3A_420 : i32 to vector<16xi32>
      %lt3A_422 = arith.cmpi slt, %get3A_397, %lt3A_421 : vector<16xi32>
      %and3A_423 = arith.andi %ge3A_418, %lt3A_422 : vector<16xi1>
      %or3A = arith.ori %and3A_402, %and3A_409 : vector<16xi1>
      %or3A_424 = arith.ori %and3A_416, %and3A_423 : vector<16xi1>
      %or3A_425 = arith.ori %or3A, %or3A_424 : vector<16xi1>
      %reduce_or3A = arith.constant 1.000000e+00 : f32
      %reduce_or3A_426 = arith.constant 0.000000e+00 : f32
      %reduce_or3A_427 = vector.broadcast %reduce_or3A : f32 to vector<16xf32>
      %reduce_or3A_428 = vector.broadcast %reduce_or3A_426 : f32 to vector<16xf32>
      %reduce_or3A_429 = arith.select %or3A_425, %reduce_or3A_427, %reduce_or3A_428 : vector<16xi1>, vector<16xf32>
      %reduce_or3A_430 = arith.constant true
      %reduce_or3A_431 = vector.broadcast %reduce_or3A_430 : i1 to vector<16xi1>
      %reduce_or3A_432 = tpu.scan <max>, %reduce_or3A_429 masked %reduce_or3A_431 : vector<16xf32>, vector<16xi1> -> vector<16xf32>
      %reduce_or3A_433 = vector.extract %reduce_or3A_432[15] : f32 from vector<16xf32>
      %reduce_or3A_434 = arith.constant 0.000000e+00 : f32
      %reduce_or3A_435 = arith.cmpf ogt, %reduce_or3A_433, %reduce_or3A_434 : f32
      %convert_element_type3A = arith.extui %reduce_or3A_435 : i1 to i32
      %cond3A = arith.constant 0 : i32
      %cond3A_436 = arith.cmpi ne, %convert_element_type3A, %cond3A : i32
      scf.if %cond3A_436 {
        %sub3A_437 = vector.broadcast %mul3A_2 : i32 to vector<16xi32>
        %sub3A_438 = arith.subi %get3A_379, %sub3A_437 : vector<16xi32>
        %jit3A_439 = arith.constant 0 : i32
        %broadcast_in_dim3A_440 = vector.broadcast %jit3A_439 : i32 to vector<16xi32>
        %select_n3A_441 = arith.select %and3A_402, %sub3A_438, %broadcast_in_dim3A_440 : vector<16xi1>, vector<16xi32>
        %add3A_442 = arith.constant 102400 : i32
        %add3A_443 = arith.addi %add3A_442, %mul3A_374 : i32
        %add3A_444 = arith.constant 0 : i32
        %add3A_445 = arith.addi %add3A_443, %add3A_444 : i32
        %add3A_446 = vector.broadcast %add3A_445 : i32 to vector<16xi32>
        %add3A_447 = arith.addi %add3A_446, %iota3A : vector<16xi32>
        tpu.vector_store_idx %arg13[%select_n3A_441], %add3A_447 masked %and3A_402 : memref<4096xi32, #tpu.memory_space<vmem>>[vector<16xi32>], vector<16xi32>, vector<16xi1>
        %sub3A_448 = vector.broadcast %mul3A_2 : i32 to vector<16xi32>
        %sub3A_449 = arith.subi %get3A_385, %sub3A_448 : vector<16xi32>
        %jit3A_450 = arith.constant 0 : i32
        %broadcast_in_dim3A_451 = vector.broadcast %jit3A_450 : i32 to vector<16xi32>
        %select_n3A_452 = arith.select %and3A_409, %sub3A_449, %broadcast_in_dim3A_451 : vector<16xi1>, vector<16xi32>
        %add3A_453 = arith.constant 102400 : i32
        %add3A_454 = arith.addi %add3A_453, %mul3A_374 : i32
        %add3A_455 = arith.constant 16 : i32
        %add3A_456 = arith.addi %add3A_454, %add3A_455 : i32
        %add3A_457 = vector.broadcast %add3A_456 : i32 to vector<16xi32>
        %add3A_458 = arith.addi %add3A_457, %iota3A : vector<16xi32>
        tpu.vector_store_idx %arg13[%select_n3A_452], %add3A_458 masked %and3A_409 : memref<4096xi32, #tpu.memory_space<vmem>>[vector<16xi32>], vector<16xi32>, vector<16xi1>
        %sub3A_459 = vector.broadcast %mul3A_2 : i32 to vector<16xi32>
        %sub3A_460 = arith.subi %get3A_391, %sub3A_459 : vector<16xi32>
        %jit3A_461 = arith.constant 0 : i32
        %broadcast_in_dim3A_462 = vector.broadcast %jit3A_461 : i32 to vector<16xi32>
        %select_n3A_463 = arith.select %and3A_416, %sub3A_460, %broadcast_in_dim3A_462 : vector<16xi1>, vector<16xi32>
        %add3A_464 = arith.constant 102400 : i32
        %add3A_465 = arith.addi %add3A_464, %mul3A_374 : i32
        %add3A_466 = arith.constant 32 : i32
        %add3A_467 = arith.addi %add3A_465, %add3A_466 : i32
        %add3A_468 = vector.broadcast %add3A_467 : i32 to vector<16xi32>
        %add3A_469 = arith.addi %add3A_468, %iota3A : vector<16xi32>
        tpu.vector_store_idx %arg13[%select_n3A_463], %add3A_469 masked %and3A_416 : memref<4096xi32, #tpu.memory_space<vmem>>[vector<16xi32>], vector<16xi32>, vector<16xi1>
        %sub3A_470 = vector.broadcast %mul3A_2 : i32 to vector<16xi32>
        %sub3A_471 = arith.subi %get3A_397, %sub3A_470 : vector<16xi32>
        %jit3A_472 = arith.constant 0 : i32
        %broadcast_in_dim3A_473 = vector.broadcast %jit3A_472 : i32 to vector<16xi32>
        %select_n3A_474 = arith.select %and3A_423, %sub3A_471, %broadcast_in_dim3A_473 : vector<16xi1>, vector<16xi32>
        %add3A_475 = arith.constant 102400 : i32
        %add3A_476 = arith.addi %add3A_475, %mul3A_374 : i32
        %add3A_477 = arith.constant 48 : i32
        %add3A_478 = arith.addi %add3A_476, %add3A_477 : i32
        %add3A_479 = vector.broadcast %add3A_478 : i32 to vector<16xi32>
        %add3A_480 = arith.addi %add3A_479, %iota3A : vector<16xi32>
        tpu.vector_store_idx %arg13[%select_n3A_474], %add3A_480 masked %and3A_423 : memref<4096xi32, #tpu.memory_space<vmem>>[vector<16xi32>], vector<16xi32>, vector<16xi1>
      } else {
      }
    }
    %scan3A_117 = arith.constant 400 : i32
    %dma_wait3A_118 = arith.constant 25600 : i32
    %dma_wait3A_119 = tpu.memref_slice %arg12[%dma_wait3A_118] : memref<51200xi32, #tpu.memory_space<vmem>> -> memref<25600xi32, #tpu.memory_space<vmem>>
    %dma_wait3A_120 = arith.constant 0 : i32
    %dma_wait3A_121 = tpu.memref_slice %arg2[%dma_wait3A_120] : memref<204800xi32, #tpu.memory_space<hbm>> -> memref<25600xi32, #tpu.memory_space<hbm>>
    %dma_wait3A_122 = arith.constant 25600 : i32
    %dma_wait3A_123 = tpu.memref_slice %arg12[%dma_wait3A_122] : memref<51200xi32, #tpu.memory_space<vmem>> -> memref<25600xi32, #tpu.memory_space<vmem>>
    %dma_wait3A_124 = arith.constant 0 : i32
    %dma_wait3A_125 = tpu.memref_slice %arg2[%dma_wait3A_124] : memref<204800xi32, #tpu.memory_space<hbm>> -> memref<25600xi32, #tpu.memory_space<hbm>>
    tpu.wait_dma2 semaphore(%arg18 : memref<!tpu.dma_semaphore, #tpu.memory_space<semaphore_mem>>) src(%dma_wait3A_125 : memref<25600xi32, #tpu.memory_space<hbm>>) dst(%dma_wait3A_123 : memref<25600xi32, #tpu.memory_space<vmem>>)
    %dma_start3A_126 = arith.constant 0 : i32
    %dma_start3A_127 = tpu.memref_slice %arg12[%dma_start3A_126] : memref<51200xi32, #tpu.memory_space<vmem>> -> memref<25600xi32, #tpu.memory_space<vmem>>
    %dma_start3A_128 = arith.constant 153600 : i32
    %dma_start3A_129 = tpu.memref_slice %arg2[%dma_start3A_128] : memref<204800xi32, #tpu.memory_space<hbm>> -> memref<25600xi32, #tpu.memory_space<hbm>>
    %dma_start3A_130 = arith.constant 0 : i32
    %dma_start3A_131 = tpu.memref_slice %arg12[%dma_start3A_130] : memref<51200xi32, #tpu.memory_space<vmem>> -> memref<25600xi32, #tpu.memory_space<vmem>>
    %dma_start3A_132 = arith.constant 153600 : i32
    %dma_start3A_133 = tpu.memref_slice %arg2[%dma_start3A_132] : memref<204800xi32, #tpu.memory_space<hbm>> -> memref<25600xi32, #tpu.memory_space<hbm>>
    tpu.enqueue_dma source(%dma_start3A_133 : memref<25600xi32, #tpu.memory_space<hbm>>) target(%dma_start3A_131 : memref<25600xi32, #tpu.memory_space<vmem>>) target_semaphore(%arg18 : memref<!tpu.dma_semaphore, #tpu.memory_space<semaphore_mem>>)
    %scan3A_134 = arith.constant 0 : i32
    %scan3A_135 = arith.constant 0 : i32
    %scan3A_136 = arith.constant 400 : i32
    %scan3A_137 = arith.addi %scan3A_135, %scan3A_136 : i32
    %scan3A_138 = arith.constant 1 : i32
    scf.for %scan3A_372 = %scan3A_135 to %scan3A_137 step %scan3A_138  : i32 {
      %mul3A_373 = arith.constant 64 : i32
      %mul3A_374 = arith.muli %scan3A_372, %mul3A_373 : i32
      %add3A_375 = arith.constant 25600 : i32
      %add3A_376 = arith.addi %add3A_375, %mul3A_374 : i32
      %add3A_377 = arith.constant 0 : i32
      %add3A_378 = arith.addi %add3A_376, %add3A_377 : i32
      %get3A = arith.index_cast %add3A_378 : i32 to index
      %get3A_379 = tpu.vector_load %arg12[%get3A] {strides = array<i32>} : memref<51200xi32, #tpu.memory_space<vmem>>, vector<16xi32>,
      %add3A_380 = arith.constant 25600 : i32
      %add3A_381 = arith.addi %add3A_380, %mul3A_374 : i32
      %add3A_382 = arith.constant 16 : i32
      %add3A_383 = arith.addi %add3A_381, %add3A_382 : i32
      %get3A_384 = arith.index_cast %add3A_383 : i32 to index
      %get3A_385 = tpu.vector_load %arg12[%get3A_384] {strides = array<i32>} : memref<51200xi32, #tpu.memory_space<vmem>>, vector<16xi32>,
      %add3A_386 = arith.constant 25600 : i32
      %add3A_387 = arith.addi %add3A_386, %mul3A_374 : i32
      %add3A_388 = arith.constant 32 : i32
      %add3A_389 = arith.addi %add3A_387, %add3A_388 : i32
      %get3A_390 = arith.index_cast %add3A_389 : i32 to index
      %get3A_391 = tpu.vector_load %arg12[%get3A_390] {strides = array<i32>} : memref<51200xi32, #tpu.memory_space<vmem>>, vector<16xi32>,
      %add3A_392 = arith.constant 25600 : i32
      %add3A_393 = arith.addi %add3A_392, %mul3A_374 : i32
      %add3A_394 = arith.constant 48 : i32
      %add3A_395 = arith.addi %add3A_393, %add3A_394 : i32
      %get3A_396 = arith.index_cast %add3A_395 : i32 to index
      %get3A_397 = tpu.vector_load %arg12[%get3A_396] {strides = array<i32>} : memref<51200xi32, #tpu.memory_space<vmem>>, vector<16xi32>,
      %ge3A = vector.broadcast %mul3A_2 : i32 to vector<16xi32>
      %ge3A_398 = arith.cmpi sge, %get3A_379, %ge3A : vector<16xi32>
      %add3A_399 = arith.constant 4096 : i32
      %add3A_400 = arith.addi %mul3A_2, %add3A_399 : i32
      %lt3A = vector.broadcast %add3A_400 : i32 to vector<16xi32>
      %lt3A_401 = arith.cmpi slt, %get3A_379, %lt3A : vector<16xi32>
      %and3A_402 = arith.andi %ge3A_398, %lt3A_401 : vector<16xi1>
      %ge3A_403 = vector.broadcast %mul3A_2 : i32 to vector<16xi32>
      %ge3A_404 = arith.cmpi sge, %get3A_385, %ge3A_403 : vector<16xi32>
      %add3A_405 = arith.constant 4096 : i32
      %add3A_406 = arith.addi %mul3A_2, %add3A_405 : i32
      %lt3A_407 = vector.broadcast %add3A_406 : i32 to vector<16xi32>
      %lt3A_408 = arith.cmpi slt, %get3A_385, %lt3A_407 : vector<16xi32>
      %and3A_409 = arith.andi %ge3A_404, %lt3A_408 : vector<16xi1>
      %ge3A_410 = vector.broadcast %mul3A_2 : i32 to vector<16xi32>
      %ge3A_411 = arith.cmpi sge, %get3A_391, %ge3A_410 : vector<16xi32>
      %add3A_412 = arith.constant 4096 : i32
      %add3A_413 = arith.addi %mul3A_2, %add3A_412 : i32
      %lt3A_414 = vector.broadcast %add3A_413 : i32 to vector<16xi32>
      %lt3A_415 = arith.cmpi slt, %get3A_391, %lt3A_414 : vector<16xi32>
      %and3A_416 = arith.andi %ge3A_411, %lt3A_415 : vector<16xi1>
      %ge3A_417 = vector.broadcast %mul3A_2 : i32 to vector<16xi32>
      %ge3A_418 = arith.cmpi sge, %get3A_397, %ge3A_417 : vector<16xi32>
      %add3A_419 = arith.constant 4096 : i32
      %add3A_420 = arith.addi %mul3A_2, %add3A_419 : i32
      %lt3A_421 = vector.broadcast %add3A_420 : i32 to vector<16xi32>
      %lt3A_422 = arith.cmpi slt, %get3A_397, %lt3A_421 : vector<16xi32>
      %and3A_423 = arith.andi %ge3A_418, %lt3A_422 : vector<16xi1>
      %or3A = arith.ori %and3A_402, %and3A_409 : vector<16xi1>
      %or3A_424 = arith.ori %and3A_416, %and3A_423 : vector<16xi1>
      %or3A_425 = arith.ori %or3A, %or3A_424 : vector<16xi1>
      %reduce_or3A = arith.constant 1.000000e+00 : f32
      %reduce_or3A_426 = arith.constant 0.000000e+00 : f32
      %reduce_or3A_427 = vector.broadcast %reduce_or3A : f32 to vector<16xf32>
      %reduce_or3A_428 = vector.broadcast %reduce_or3A_426 : f32 to vector<16xf32>
      %reduce_or3A_429 = arith.select %or3A_425, %reduce_or3A_427, %reduce_or3A_428 : vector<16xi1>, vector<16xf32>
      %reduce_or3A_430 = arith.constant true
      %reduce_or3A_431 = vector.broadcast %reduce_or3A_430 : i1 to vector<16xi1>
      %reduce_or3A_432 = tpu.scan <max>, %reduce_or3A_429 masked %reduce_or3A_431 : vector<16xf32>, vector<16xi1> -> vector<16xf32>
      %reduce_or3A_433 = vector.extract %reduce_or3A_432[15] : f32 from vector<16xf32>
      %reduce_or3A_434 = arith.constant 0.000000e+00 : f32
      %reduce_or3A_435 = arith.cmpf ogt, %reduce_or3A_433, %reduce_or3A_434 : f32
      %convert_element_type3A = arith.extui %reduce_or3A_435 : i1 to i32
      %cond3A = arith.constant 0 : i32
      %cond3A_436 = arith.cmpi ne, %convert_element_type3A, %cond3A : i32
      scf.if %cond3A_436 {
        %sub3A_437 = vector.broadcast %mul3A_2 : i32 to vector<16xi32>
        %sub3A_438 = arith.subi %get3A_379, %sub3A_437 : vector<16xi32>
        %jit3A_439 = arith.constant 0 : i32
        %broadcast_in_dim3A_440 = vector.broadcast %jit3A_439 : i32 to vector<16xi32>
        %select_n3A_441 = arith.select %and3A_402, %sub3A_438, %broadcast_in_dim3A_440 : vector<16xi1>, vector<16xi32>
        %add3A_442 = arith.constant 128000 : i32
        %add3A_443 = arith.addi %add3A_442, %mul3A_374 : i32
        %add3A_444 = arith.constant 0 : i32
        %add3A_445 = arith.addi %add3A_443, %add3A_444 : i32
        %add3A_446 = vector.broadcast %add3A_445 : i32 to vector<16xi32>
        %add3A_447 = arith.addi %add3A_446, %iota3A : vector<16xi32>
        tpu.vector_store_idx %arg13[%select_n3A_441], %add3A_447 masked %and3A_402 : memref<4096xi32, #tpu.memory_space<vmem>>[vector<16xi32>], vector<16xi32>, vector<16xi1>
        %sub3A_448 = vector.broadcast %mul3A_2 : i32 to vector<16xi32>
        %sub3A_449 = arith.subi %get3A_385, %sub3A_448 : vector<16xi32>
        %jit3A_450 = arith.constant 0 : i32
        %broadcast_in_dim3A_451 = vector.broadcast %jit3A_450 : i32 to vector<16xi32>
        %select_n3A_452 = arith.select %and3A_409, %sub3A_449, %broadcast_in_dim3A_451 : vector<16xi1>, vector<16xi32>
        %add3A_453 = arith.constant 128000 : i32
        %add3A_454 = arith.addi %add3A_453, %mul3A_374 : i32
        %add3A_455 = arith.constant 16 : i32
        %add3A_456 = arith.addi %add3A_454, %add3A_455 : i32
        %add3A_457 = vector.broadcast %add3A_456 : i32 to vector<16xi32>
        %add3A_458 = arith.addi %add3A_457, %iota3A : vector<16xi32>
        tpu.vector_store_idx %arg13[%select_n3A_452], %add3A_458 masked %and3A_409 : memref<4096xi32, #tpu.memory_space<vmem>>[vector<16xi32>], vector<16xi32>, vector<16xi1>
        %sub3A_459 = vector.broadcast %mul3A_2 : i32 to vector<16xi32>
        %sub3A_460 = arith.subi %get3A_391, %sub3A_459 : vector<16xi32>
        %jit3A_461 = arith.constant 0 : i32
        %broadcast_in_dim3A_462 = vector.broadcast %jit3A_461 : i32 to vector<16xi32>
        %select_n3A_463 = arith.select %and3A_416, %sub3A_460, %broadcast_in_dim3A_462 : vector<16xi1>, vector<16xi32>
        %add3A_464 = arith.constant 128000 : i32
        %add3A_465 = arith.addi %add3A_464, %mul3A_374 : i32
        %add3A_466 = arith.constant 32 : i32
        %add3A_467 = arith.addi %add3A_465, %add3A_466 : i32
        %add3A_468 = vector.broadcast %add3A_467 : i32 to vector<16xi32>
        %add3A_469 = arith.addi %add3A_468, %iota3A : vector<16xi32>
        tpu.vector_store_idx %arg13[%select_n3A_463], %add3A_469 masked %and3A_416 : memref<4096xi32, #tpu.memory_space<vmem>>[vector<16xi32>], vector<16xi32>, vector<16xi1>
        %sub3A_470 = vector.broadcast %mul3A_2 : i32 to vector<16xi32>
        %sub3A_471 = arith.subi %get3A_397, %sub3A_470 : vector<16xi32>
        %jit3A_472 = arith.constant 0 : i32
        %broadcast_in_dim3A_473 = vector.broadcast %jit3A_472 : i32 to vector<16xi32>
        %select_n3A_474 = arith.select %and3A_423, %sub3A_471, %broadcast_in_dim3A_473 : vector<16xi1>, vector<16xi32>
        %add3A_475 = arith.constant 128000 : i32
        %add3A_476 = arith.addi %add3A_475, %mul3A_374 : i32
        %add3A_477 = arith.constant 48 : i32
        %add3A_478 = arith.addi %add3A_476, %add3A_477 : i32
        %add3A_479 = vector.broadcast %add3A_478 : i32 to vector<16xi32>
        %add3A_480 = arith.addi %add3A_479, %iota3A : vector<16xi32>
        tpu.vector_store_idx %arg13[%select_n3A_474], %add3A_480 masked %and3A_423 : memref<4096xi32, #tpu.memory_space<vmem>>[vector<16xi32>], vector<16xi32>, vector<16xi1>
      } else {
      }
    }
    %scan3A_139 = arith.constant 400 : i32
    %dma_wait3A_140 = arith.constant 0 : i32
    %dma_wait3A_141 = tpu.memref_slice %arg12[%dma_wait3A_140] : memref<51200xi32, #tpu.memory_space<vmem>> -> memref<25600xi32, #tpu.memory_space<vmem>>
    %dma_wait3A_142 = arith.constant 0 : i32
    %dma_wait3A_143 = tpu.memref_slice %arg2[%dma_wait3A_142] : memref<204800xi32, #tpu.memory_space<hbm>> -> memref<25600xi32, #tpu.memory_space<hbm>>
    %dma_wait3A_144 = arith.constant 0 : i32
    %dma_wait3A_145 = tpu.memref_slice %arg12[%dma_wait3A_144] : memref<51200xi32, #tpu.memory_space<vmem>> -> memref<25600xi32, #tpu.memory_space<vmem>>
    %dma_wait3A_146 = arith.constant 0 : i32
    %dma_wait3A_147 = tpu.memref_slice %arg2[%dma_wait3A_146] : memref<204800xi32, #tpu.memory_space<hbm>> -> memref<25600xi32, #tpu.memory_space<hbm>>
    tpu.wait_dma2 semaphore(%arg18 : memref<!tpu.dma_semaphore, #tpu.memory_space<semaphore_mem>>) src(%dma_wait3A_147 : memref<25600xi32, #tpu.memory_space<hbm>>) dst(%dma_wait3A_145 : memref<25600xi32, #tpu.memory_space<vmem>>)
    %dma_start3A_148 = arith.constant 25600 : i32
    %dma_start3A_149 = tpu.memref_slice %arg12[%dma_start3A_148] : memref<51200xi32, #tpu.memory_space<vmem>> -> memref<25600xi32, #tpu.memory_space<vmem>>
    %dma_start3A_150 = arith.constant 179200 : i32
    %dma_start3A_151 = tpu.memref_slice %arg2[%dma_start3A_150] : memref<204800xi32, #tpu.memory_space<hbm>> -> memref<25600xi32, #tpu.memory_space<hbm>>
    %dma_start3A_152 = arith.constant 25600 : i32
    %dma_start3A_153 = tpu.memref_slice %arg12[%dma_start3A_152] : memref<51200xi32, #tpu.memory_space<vmem>> -> memref<25600xi32, #tpu.memory_space<vmem>>
    %dma_start3A_154 = arith.constant 179200 : i32
    %dma_start3A_155 = tpu.memref_slice %arg2[%dma_start3A_154] : memref<204800xi32, #tpu.memory_space<hbm>> -> memref<25600xi32, #tpu.memory_space<hbm>>
    tpu.enqueue_dma source(%dma_start3A_155 : memref<25600xi32, #tpu.memory_space<hbm>>) target(%dma_start3A_153 : memref<25600xi32, #tpu.memory_space<vmem>>) target_semaphore(%arg18 : memref<!tpu.dma_semaphore, #tpu.memory_space<semaphore_mem>>)
    %scan3A_156 = arith.constant 0 : i32
    %scan3A_157 = arith.constant 0 : i32
    %scan3A_158 = arith.constant 400 : i32
    %scan3A_159 = arith.addi %scan3A_157, %scan3A_158 : i32
    %scan3A_160 = arith.constant 1 : i32
    scf.for %scan3A_372 = %scan3A_157 to %scan3A_159 step %scan3A_160  : i32 {
      %mul3A_373 = arith.constant 64 : i32
      %mul3A_374 = arith.muli %scan3A_372, %mul3A_373 : i32
      %add3A_375 = arith.constant 0 : i32
      %add3A_376 = arith.addi %add3A_375, %mul3A_374 : i32
      %add3A_377 = arith.constant 0 : i32
      %add3A_378 = arith.addi %add3A_376, %add3A_377 : i32
      %get3A = arith.index_cast %add3A_378 : i32 to index
      %get3A_379 = tpu.vector_load %arg12[%get3A] {strides = array<i32>} : memref<51200xi32, #tpu.memory_space<vmem>>, vector<16xi32>,
      %add3A_380 = arith.constant 0 : i32
      %add3A_381 = arith.addi %add3A_380, %mul3A_374 : i32
      %add3A_382 = arith.constant 16 : i32
      %add3A_383 = arith.addi %add3A_381, %add3A_382 : i32
      %get3A_384 = arith.index_cast %add3A_383 : i32 to index
      %get3A_385 = tpu.vector_load %arg12[%get3A_384] {strides = array<i32>} : memref<51200xi32, #tpu.memory_space<vmem>>, vector<16xi32>,
      %add3A_386 = arith.constant 0 : i32
      %add3A_387 = arith.addi %add3A_386, %mul3A_374 : i32
      %add3A_388 = arith.constant 32 : i32
      %add3A_389 = arith.addi %add3A_387, %add3A_388 : i32
      %get3A_390 = arith.index_cast %add3A_389 : i32 to index
      %get3A_391 = tpu.vector_load %arg12[%get3A_390] {strides = array<i32>} : memref<51200xi32, #tpu.memory_space<vmem>>, vector<16xi32>,
      %add3A_392 = arith.constant 0 : i32
      %add3A_393 = arith.addi %add3A_392, %mul3A_374 : i32
      %add3A_394 = arith.constant 48 : i32
      %add3A_395 = arith.addi %add3A_393, %add3A_394 : i32
      %get3A_396 = arith.index_cast %add3A_395 : i32 to index
      %get3A_397 = tpu.vector_load %arg12[%get3A_396] {strides = array<i32>} : memref<51200xi32, #tpu.memory_space<vmem>>, vector<16xi32>,
      %ge3A = vector.broadcast %mul3A_2 : i32 to vector<16xi32>
      %ge3A_398 = arith.cmpi sge, %get3A_379, %ge3A : vector<16xi32>
      %add3A_399 = arith.constant 4096 : i32
      %add3A_400 = arith.addi %mul3A_2, %add3A_399 : i32
      %lt3A = vector.broadcast %add3A_400 : i32 to vector<16xi32>
      %lt3A_401 = arith.cmpi slt, %get3A_379, %lt3A : vector<16xi32>
      %and3A_402 = arith.andi %ge3A_398, %lt3A_401 : vector<16xi1>
      %ge3A_403 = vector.broadcast %mul3A_2 : i32 to vector<16xi32>
      %ge3A_404 = arith.cmpi sge, %get3A_385, %ge3A_403 : vector<16xi32>
      %add3A_405 = arith.constant 4096 : i32
      %add3A_406 = arith.addi %mul3A_2, %add3A_405 : i32
      %lt3A_407 = vector.broadcast %add3A_406 : i32 to vector<16xi32>
      %lt3A_408 = arith.cmpi slt, %get3A_385, %lt3A_407 : vector<16xi32>
      %and3A_409 = arith.andi %ge3A_404, %lt3A_408 : vector<16xi1>
      %ge3A_410 = vector.broadcast %mul3A_2 : i32 to vector<16xi32>
      %ge3A_411 = arith.cmpi sge, %get3A_391, %ge3A_410 : vector<16xi32>
      %add3A_412 = arith.constant 4096 : i32
      %add3A_413 = arith.addi %mul3A_2, %add3A_412 : i32
      %lt3A_414 = vector.broadcast %add3A_413 : i32 to vector<16xi32>
      %lt3A_415 = arith.cmpi slt, %get3A_391, %lt3A_414 : vector<16xi32>
      %and3A_416 = arith.andi %ge3A_411, %lt3A_415 : vector<16xi1>
      %ge3A_417 = vector.broadcast %mul3A_2 : i32 to vector<16xi32>
      %ge3A_418 = arith.cmpi sge, %get3A_397, %ge3A_417 : vector<16xi32>
      %add3A_419 = arith.constant 4096 : i32
      %add3A_420 = arith.addi %mul3A_2, %add3A_419 : i32
      %lt3A_421 = vector.broadcast %add3A_420 : i32 to vector<16xi32>
      %lt3A_422 = arith.cmpi slt, %get3A_397, %lt3A_421 : vector<16xi32>
      %and3A_423 = arith.andi %ge3A_418, %lt3A_422 : vector<16xi1>
      %or3A = arith.ori %and3A_402, %and3A_409 : vector<16xi1>
      %or3A_424 = arith.ori %and3A_416, %and3A_423 : vector<16xi1>
      %or3A_425 = arith.ori %or3A, %or3A_424 : vector<16xi1>
      %reduce_or3A = arith.constant 1.000000e+00 : f32
      %reduce_or3A_426 = arith.constant 0.000000e+00 : f32
      %reduce_or3A_427 = vector.broadcast %reduce_or3A : f32 to vector<16xf32>
      %reduce_or3A_428 = vector.broadcast %reduce_or3A_426 : f32 to vector<16xf32>
      %reduce_or3A_429 = arith.select %or3A_425, %reduce_or3A_427, %reduce_or3A_428 : vector<16xi1>, vector<16xf32>
      %reduce_or3A_430 = arith.constant true
      %reduce_or3A_431 = vector.broadcast %reduce_or3A_430 : i1 to vector<16xi1>
      %reduce_or3A_432 = tpu.scan <max>, %reduce_or3A_429 masked %reduce_or3A_431 : vector<16xf32>, vector<16xi1> -> vector<16xf32>
      %reduce_or3A_433 = vector.extract %reduce_or3A_432[15] : f32 from vector<16xf32>
      %reduce_or3A_434 = arith.constant 0.000000e+00 : f32
      %reduce_or3A_435 = arith.cmpf ogt, %reduce_or3A_433, %reduce_or3A_434 : f32
      %convert_element_type3A = arith.extui %reduce_or3A_435 : i1 to i32
      %cond3A = arith.constant 0 : i32
      %cond3A_436 = arith.cmpi ne, %convert_element_type3A, %cond3A : i32
      scf.if %cond3A_436 {
        %sub3A_437 = vector.broadcast %mul3A_2 : i32 to vector<16xi32>
        %sub3A_438 = arith.subi %get3A_379, %sub3A_437 : vector<16xi32>
        %jit3A_439 = arith.constant 0 : i32
        %broadcast_in_dim3A_440 = vector.broadcast %jit3A_439 : i32 to vector<16xi32>
        %select_n3A_441 = arith.select %and3A_402, %sub3A_438, %broadcast_in_dim3A_440 : vector<16xi1>, vector<16xi32>
        %add3A_442 = arith.constant 153600 : i32
        %add3A_443 = arith.addi %add3A_442, %mul3A_374 : i32
        %add3A_444 = arith.constant 0 : i32
        %add3A_445 = arith.addi %add3A_443, %add3A_444 : i32
        %add3A_446 = vector.broadcast %add3A_445 : i32 to vector<16xi32>
        %add3A_447 = arith.addi %add3A_446, %iota3A : vector<16xi32>
        tpu.vector_store_idx %arg13[%select_n3A_441], %add3A_447 masked %and3A_402 : memref<4096xi32, #tpu.memory_space<vmem>>[vector<16xi32>], vector<16xi32>, vector<16xi1>
        %sub3A_448 = vector.broadcast %mul3A_2 : i32 to vector<16xi32>
        %sub3A_449 = arith.subi %get3A_385, %sub3A_448 : vector<16xi32>
        %jit3A_450 = arith.constant 0 : i32
        %broadcast_in_dim3A_451 = vector.broadcast %jit3A_450 : i32 to vector<16xi32>
        %select_n3A_452 = arith.select %and3A_409, %sub3A_449, %broadcast_in_dim3A_451 : vector<16xi1>, vector<16xi32>
        %add3A_453 = arith.constant 153600 : i32
        %add3A_454 = arith.addi %add3A_453, %mul3A_374 : i32
        %add3A_455 = arith.constant 16 : i32
        %add3A_456 = arith.addi %add3A_454, %add3A_455 : i32
        %add3A_457 = vector.broadcast %add3A_456 : i32 to vector<16xi32>
        %add3A_458 = arith.addi %add3A_457, %iota3A : vector<16xi32>
        tpu.vector_store_idx %arg13[%select_n3A_452], %add3A_458 masked %and3A_409 : memref<4096xi32, #tpu.memory_space<vmem>>[vector<16xi32>], vector<16xi32>, vector<16xi1>
        %sub3A_459 = vector.broadcast %mul3A_2 : i32 to vector<16xi32>
        %sub3A_460 = arith.subi %get3A_391, %sub3A_459 : vector<16xi32>
        %jit3A_461 = arith.constant 0 : i32
        %broadcast_in_dim3A_462 = vector.broadcast %jit3A_461 : i32 to vector<16xi32>
        %select_n3A_463 = arith.select %and3A_416, %sub3A_460, %broadcast_in_dim3A_462 : vector<16xi1>, vector<16xi32>
        %add3A_464 = arith.constant 153600 : i32
        %add3A_465 = arith.addi %add3A_464, %mul3A_374 : i32
        %add3A_466 = arith.constant 32 : i32
        %add3A_467 = arith.addi %add3A_465, %add3A_466 : i32
        %add3A_468 = vector.broadcast %add3A_467 : i32 to vector<16xi32>
        %add3A_469 = arith.addi %add3A_468, %iota3A : vector<16xi32>
        tpu.vector_store_idx %arg13[%select_n3A_463], %add3A_469 masked %and3A_416 : memref<4096xi32, #tpu.memory_space<vmem>>[vector<16xi32>], vector<16xi32>, vector<16xi1>
        %sub3A_470 = vector.broadcast %mul3A_2 : i32 to vector<16xi32>
        %sub3A_471 = arith.subi %get3A_397, %sub3A_470 : vector<16xi32>
        %jit3A_472 = arith.constant 0 : i32
        %broadcast_in_dim3A_473 = vector.broadcast %jit3A_472 : i32 to vector<16xi32>
        %select_n3A_474 = arith.select %and3A_423, %sub3A_471, %broadcast_in_dim3A_473 : vector<16xi1>, vector<16xi32>
        %add3A_475 = arith.constant 153600 : i32
        %add3A_476 = arith.addi %add3A_475, %mul3A_374 : i32
        %add3A_477 = arith.constant 48 : i32
        %add3A_478 = arith.addi %add3A_476, %add3A_477 : i32
        %add3A_479 = vector.broadcast %add3A_478 : i32 to vector<16xi32>
        %add3A_480 = arith.addi %add3A_479, %iota3A : vector<16xi32>
        tpu.vector_store_idx %arg13[%select_n3A_474], %add3A_480 masked %and3A_423 : memref<4096xi32, #tpu.memory_space<vmem>>[vector<16xi32>], vector<16xi32>, vector<16xi1>
      } else {
      }
    }
    %scan3A_161 = arith.constant 400 : i32
    %dma_wait3A_162 = arith.constant 25600 : i32
    %dma_wait3A_163 = tpu.memref_slice %arg12[%dma_wait3A_162] : memref<51200xi32, #tpu.memory_space<vmem>> -> memref<25600xi32, #tpu.memory_space<vmem>>
    %dma_wait3A_164 = arith.constant 0 : i32
    %dma_wait3A_165 = tpu.memref_slice %arg2[%dma_wait3A_164] : memref<204800xi32, #tpu.memory_space<hbm>> -> memref<25600xi32, #tpu.memory_space<hbm>>
    %dma_wait3A_166 = arith.constant 25600 : i32
    %dma_wait3A_167 = tpu.memref_slice %arg12[%dma_wait3A_166] : memref<51200xi32, #tpu.memory_space<vmem>> -> memref<25600xi32, #tpu.memory_space<vmem>>
    %dma_wait3A_168 = arith.constant 0 : i32
    %dma_wait3A_169 = tpu.memref_slice %arg2[%dma_wait3A_168] : memref<204800xi32, #tpu.memory_space<hbm>> -> memref<25600xi32, #tpu.memory_space<hbm>>
    tpu.wait_dma2 semaphore(%arg18 : memref<!tpu.dma_semaphore, #tpu.memory_space<semaphore_mem>>) src(%dma_wait3A_169 : memref<25600xi32, #tpu.memory_space<hbm>>) dst(%dma_wait3A_167 : memref<25600xi32, #tpu.memory_space<vmem>>)
    %scan3A_170 = arith.constant 0 : i32
    %scan3A_171 = arith.constant 0 : i32
    %scan3A_172 = arith.constant 400 : i32
    %scan3A_173 = arith.addi %scan3A_171, %scan3A_172 : i32
    %scan3A_174 = arith.constant 1 : i32
    scf.for %scan3A_372 = %scan3A_171 to %scan3A_173 step %scan3A_174  : i32 {
      %mul3A_373 = arith.constant 64 : i32
      %mul3A_374 = arith.muli %scan3A_372, %mul3A_373 : i32
      %add3A_375 = arith.constant 25600 : i32
      %add3A_376 = arith.addi %add3A_375, %mul3A_374 : i32
      %add3A_377 = arith.constant 0 : i32
      %add3A_378 = arith.addi %add3A_376, %add3A_377 : i32
      %get3A = arith.index_cast %add3A_378 : i32 to index
      %get3A_379 = tpu.vector_load %arg12[%get3A] {strides = array<i32>} : memref<51200xi32, #tpu.memory_space<vmem>>, vector<16xi32>,
      %add3A_380 = arith.constant 25600 : i32
      %add3A_381 = arith.addi %add3A_380, %mul3A_374 : i32
      %add3A_382 = arith.constant 16 : i32
      %add3A_383 = arith.addi %add3A_381, %add3A_382 : i32
      %get3A_384 = arith.index_cast %add3A_383 : i32 to index
      %get3A_385 = tpu.vector_load %arg12[%get3A_384] {strides = array<i32>} : memref<51200xi32, #tpu.memory_space<vmem>>, vector<16xi32>,
      %add3A_386 = arith.constant 25600 : i32
      %add3A_387 = arith.addi %add3A_386, %mul3A_374 : i32
      %add3A_388 = arith.constant 32 : i32
      %add3A_389 = arith.addi %add3A_387, %add3A_388 : i32
      %get3A_390 = arith.index_cast %add3A_389 : i32 to index
      %get3A_391 = tpu.vector_load %arg12[%get3A_390] {strides = array<i32>} : memref<51200xi32, #tpu.memory_space<vmem>>, vector<16xi32>,
      %add3A_392 = arith.constant 25600 : i32
      %add3A_393 = arith.addi %add3A_392, %mul3A_374 : i32
      %add3A_394 = arith.constant 48 : i32
      %add3A_395 = arith.addi %add3A_393, %add3A_394 : i32
      %get3A_396 = arith.index_cast %add3A_395 : i32 to index
      %get3A_397 = tpu.vector_load %arg12[%get3A_396] {strides = array<i32>} : memref<51200xi32, #tpu.memory_space<vmem>>, vector<16xi32>,
      %ge3A = vector.broadcast %mul3A_2 : i32 to vector<16xi32>
      %ge3A_398 = arith.cmpi sge, %get3A_379, %ge3A : vector<16xi32>
      %add3A_399 = arith.constant 4096 : i32
      %add3A_400 = arith.addi %mul3A_2, %add3A_399 : i32
      %lt3A = vector.broadcast %add3A_400 : i32 to vector<16xi32>
      %lt3A_401 = arith.cmpi slt, %get3A_379, %lt3A : vector<16xi32>
      %and3A_402 = arith.andi %ge3A_398, %lt3A_401 : vector<16xi1>
      %ge3A_403 = vector.broadcast %mul3A_2 : i32 to vector<16xi32>
      %ge3A_404 = arith.cmpi sge, %get3A_385, %ge3A_403 : vector<16xi32>
      %add3A_405 = arith.constant 4096 : i32
      %add3A_406 = arith.addi %mul3A_2, %add3A_405 : i32
      %lt3A_407 = vector.broadcast %add3A_406 : i32 to vector<16xi32>
      %lt3A_408 = arith.cmpi slt, %get3A_385, %lt3A_407 : vector<16xi32>
      %and3A_409 = arith.andi %ge3A_404, %lt3A_408 : vector<16xi1>
      %ge3A_410 = vector.broadcast %mul3A_2 : i32 to vector<16xi32>
      %ge3A_411 = arith.cmpi sge, %get3A_391, %ge3A_410 : vector<16xi32>
      %add3A_412 = arith.constant 4096 : i32
      %add3A_413 = arith.addi %mul3A_2, %add3A_412 : i32
      %lt3A_414 = vector.broadcast %add3A_413 : i32 to vector<16xi32>
      %lt3A_415 = arith.cmpi slt, %get3A_391, %lt3A_414 : vector<16xi32>
      %and3A_416 = arith.andi %ge3A_411, %lt3A_415 : vector<16xi1>
      %ge3A_417 = vector.broadcast %mul3A_2 : i32 to vector<16xi32>
      %ge3A_418 = arith.cmpi sge, %get3A_397, %ge3A_417 : vector<16xi32>
      %add3A_419 = arith.constant 4096 : i32
      %add3A_420 = arith.addi %mul3A_2, %add3A_419 : i32
      %lt3A_421 = vector.broadcast %add3A_420 : i32 to vector<16xi32>
      %lt3A_422 = arith.cmpi slt, %get3A_397, %lt3A_421 : vector<16xi32>
      %and3A_423 = arith.andi %ge3A_418, %lt3A_422 : vector<16xi1>
      %or3A = arith.ori %and3A_402, %and3A_409 : vector<16xi1>
      %or3A_424 = arith.ori %and3A_416, %and3A_423 : vector<16xi1>
      %or3A_425 = arith.ori %or3A, %or3A_424 : vector<16xi1>
      %reduce_or3A = arith.constant 1.000000e+00 : f32
      %reduce_or3A_426 = arith.constant 0.000000e+00 : f32
      %reduce_or3A_427 = vector.broadcast %reduce_or3A : f32 to vector<16xf32>
      %reduce_or3A_428 = vector.broadcast %reduce_or3A_426 : f32 to vector<16xf32>
      %reduce_or3A_429 = arith.select %or3A_425, %reduce_or3A_427, %reduce_or3A_428 : vector<16xi1>, vector<16xf32>
      %reduce_or3A_430 = arith.constant true
      %reduce_or3A_431 = vector.broadcast %reduce_or3A_430 : i1 to vector<16xi1>
      %reduce_or3A_432 = tpu.scan <max>, %reduce_or3A_429 masked %reduce_or3A_431 : vector<16xf32>, vector<16xi1> -> vector<16xf32>
      %reduce_or3A_433 = vector.extract %reduce_or3A_432[15] : f32 from vector<16xf32>
      %reduce_or3A_434 = arith.constant 0.000000e+00 : f32
      %reduce_or3A_435 = arith.cmpf ogt, %reduce_or3A_433, %reduce_or3A_434 : f32
      %convert_element_type3A = arith.extui %reduce_or3A_435 : i1 to i32
      %cond3A = arith.constant 0 : i32
      %cond3A_436 = arith.cmpi ne, %convert_element_type3A, %cond3A : i32
      scf.if %cond3A_436 {
        %sub3A_437 = vector.broadcast %mul3A_2 : i32 to vector<16xi32>
        %sub3A_438 = arith.subi %get3A_379, %sub3A_437 : vector<16xi32>
        %jit3A_439 = arith.constant 0 : i32
        %broadcast_in_dim3A_440 = vector.broadcast %jit3A_439 : i32 to vector<16xi32>
        %select_n3A_441 = arith.select %and3A_402, %sub3A_438, %broadcast_in_dim3A_440 : vector<16xi1>, vector<16xi32>
        %add3A_442 = arith.constant 179200 : i32
        %add3A_443 = arith.addi %add3A_442, %mul3A_374 : i32
        %add3A_444 = arith.constant 0 : i32
        %add3A_445 = arith.addi %add3A_443, %add3A_444 : i32
        %add3A_446 = vector.broadcast %add3A_445 : i32 to vector<16xi32>
        %add3A_447 = arith.addi %add3A_446, %iota3A : vector<16xi32>
        tpu.vector_store_idx %arg13[%select_n3A_441], %add3A_447 masked %and3A_402 : memref<4096xi32, #tpu.memory_space<vmem>>[vector<16xi32>], vector<16xi32>, vector<16xi1>
        %sub3A_448 = vector.broadcast %mul3A_2 : i32 to vector<16xi32>
        %sub3A_449 = arith.subi %get3A_385, %sub3A_448 : vector<16xi32>
        %jit3A_450 = arith.constant 0 : i32
        %broadcast_in_dim3A_451 = vector.broadcast %jit3A_450 : i32 to vector<16xi32>
        %select_n3A_452 = arith.select %and3A_409, %sub3A_449, %broadcast_in_dim3A_451 : vector<16xi1>, vector<16xi32>
        %add3A_453 = arith.constant 179200 : i32
        %add3A_454 = arith.addi %add3A_453, %mul3A_374 : i32
        %add3A_455 = arith.constant 16 : i32
        %add3A_456 = arith.addi %add3A_454, %add3A_455 : i32
        %add3A_457 = vector.broadcast %add3A_456 : i32 to vector<16xi32>
        %add3A_458 = arith.addi %add3A_457, %iota3A : vector<16xi32>
        tpu.vector_store_idx %arg13[%select_n3A_452], %add3A_458 masked %and3A_409 : memref<4096xi32, #tpu.memory_space<vmem>>[vector<16xi32>], vector<16xi32>, vector<16xi1>
        %sub3A_459 = vector.broadcast %mul3A_2 : i32 to vector<16xi32>
        %sub3A_460 = arith.subi %get3A_391, %sub3A_459 : vector<16xi32>
        %jit3A_461 = arith.constant 0 : i32
        %broadcast_in_dim3A_462 = vector.broadcast %jit3A_461 : i32 to vector<16xi32>
        %select_n3A_463 = arith.select %and3A_416, %sub3A_460, %broadcast_in_dim3A_462 : vector<16xi1>, vector<16xi32>
        %add3A_464 = arith.constant 179200 : i32
        %add3A_465 = arith.addi %add3A_464, %mul3A_374 : i32
        %add3A_466 = arith.constant 32 : i32
        %add3A_467 = arith.addi %add3A_465, %add3A_466 : i32
        %add3A_468 = vector.broadcast %add3A_467 : i32 to vector<16xi32>
        %add3A_469 = arith.addi %add3A_468, %iota3A : vector<16xi32>
        tpu.vector_store_idx %arg13[%select_n3A_463], %add3A_469 masked %and3A_416 : memref<4096xi32, #tpu.memory_space<vmem>>[vector<16xi32>], vector<16xi32>, vector<16xi1>
        %sub3A_470 = vector.broadcast %mul3A_2 : i32 to vector<16xi32>
        %sub3A_471 = arith.subi %get3A_397, %sub3A_470 : vector<16xi32>
        %jit3A_472 = arith.constant 0 : i32
        %broadcast_in_dim3A_473 = vector.broadcast %jit3A_472 : i32 to vector<16xi32>
        %select_n3A_474 = arith.select %and3A_423, %sub3A_471, %broadcast_in_dim3A_473 : vector<16xi1>, vector<16xi32>
        %add3A_475 = arith.constant 179200 : i32
        %add3A_476 = arith.addi %add3A_475, %mul3A_374 : i32
        %add3A_477 = arith.constant 48 : i32
        %add3A_478 = arith.addi %add3A_476, %add3A_477 : i32
        %add3A_479 = vector.broadcast %add3A_478 : i32 to vector<16xi32>
        %add3A_480 = arith.addi %add3A_479, %iota3A : vector<16xi32>
        tpu.vector_store_idx %arg13[%select_n3A_474], %add3A_480 masked %and3A_423 : memref<4096xi32, #tpu.memory_space<vmem>>[vector<16xi32>], vector<16xi32>, vector<16xi1>
      } else {
      }
    }
    %scan3A_175 = arith.constant 400 : i32
    %broadcast_in_dim3A = arith.constant 0.000000e+00 : f32
    %broadcast_in_dim3A_176 = vector.broadcast %broadcast_in_dim3A : f32 to vector<16xf32>
    %scan3A_177 = arith.constant 0 : i32
    %scan3A_178 = arith.constant 0 : i32
    %scan3A_179 = arith.constant 448 : i32
    %scan3A_180 = arith.addi %scan3A_178, %scan3A_179 : i32
    %scan3A_181 = arith.constant 1 : i32
    scf.for %scan3A_372 = %scan3A_178 to %scan3A_180 step %scan3A_181  : i32 {
      %mul3A_373 = arith.constant 64 : i32
      %mul3A_374 = arith.muli %scan3A_372, %mul3A_373 : i32
      %add3A_375 = arith.constant 0 : i32
      %add3A_376 = arith.addi %mul3A_374, %add3A_375 : i32
      %swap3A_377 = arith.index_cast %add3A_376 : i32 to index
      %swap3A_378 = tpu.vector_load %arg17[%swap3A_377] {strides = array<i32>} : memref<28672xf32, #tpu.memory_space<vmem>>, vector<16xf32>,
      tpu.vector_store %arg17[%swap3A_377], %broadcast_in_dim3A_176 {strides = array<i32>} : memref<28672xf32, #tpu.memory_space<vmem>>, vector<16xf32>,
      %mul3A_379 = arith.constant 64 : i32
      %mul3A_380 = arith.muli %scan3A_372, %mul3A_379 : i32
      %add3A_381 = arith.constant 16 : i32
      %add3A_382 = arith.addi %mul3A_380, %add3A_381 : i32
      %swap3A_383 = arith.index_cast %add3A_382 : i32 to index
      %swap3A_384 = tpu.vector_load %arg17[%swap3A_383] {strides = array<i32>} : memref<28672xf32, #tpu.memory_space<vmem>>, vector<16xf32>,
      tpu.vector_store %arg17[%swap3A_383], %broadcast_in_dim3A_176 {strides = array<i32>} : memref<28672xf32, #tpu.memory_space<vmem>>, vector<16xf32>,
      %mul3A_385 = arith.constant 64 : i32
      %mul3A_386 = arith.muli %scan3A_372, %mul3A_385 : i32
      %add3A_387 = arith.constant 32 : i32
      %add3A_388 = arith.addi %mul3A_386, %add3A_387 : i32
      %swap3A_389 = arith.index_cast %add3A_388 : i32 to index
      %swap3A_390 = tpu.vector_load %arg17[%swap3A_389] {strides = array<i32>} : memref<28672xf32, #tpu.memory_space<vmem>>, vector<16xf32>,
      tpu.vector_store %arg17[%swap3A_389], %broadcast_in_dim3A_176 {strides = array<i32>} : memref<28672xf32, #tpu.memory_space<vmem>>, vector<16xf32>,
      %mul3A_391 = arith.constant 64 : i32
      %mul3A_392 = arith.muli %scan3A_372, %mul3A_391 : i32
      %add3A_393 = arith.constant 48 : i32
      %add3A_394 = arith.addi %mul3A_392, %add3A_393 : i32
      %swap3A_395 = arith.index_cast %add3A_394 : i32 to index
      %swap3A_396 = tpu.vector_load %arg17[%swap3A_395] {strides = array<i32>} : memref<28672xf32, #tpu.memory_space<vmem>>, vector<16xf32>,
      tpu.vector_store %arg17[%swap3A_395], %broadcast_in_dim3A_176 {strides = array<i32>} : memref<28672xf32, #tpu.memory_space<vmem>>, vector<16xf32>,
    }
    %scan3A_182 = arith.constant 448 : i32
    %scan3A_183 = arith.constant 0 : i32
    %scan3A_184 = arith.constant 0 : i32
    %scan3A_185 = arith.constant 256 : i32
    %scan3A_186 = arith.addi %scan3A_184, %scan3A_185 : i32
    %scan3A_187 = arith.constant 1 : i32
    %scan3A_188 = scf.for %scan3A_372 = %scan3A_184 to %scan3A_186 step %scan3A_187 iter_args(%scan3A_373 = %scan3A_183) -> (i32)  : i32 {
      %mul3A_374 = arith.constant 16 : i32
      %mul3A_375 = arith.muli %scan3A_372, %mul3A_374 : i32
      %get3A = arith.index_cast %mul3A_375 : i32 to index
      %get3A_376 = tpu.vector_load %arg13[%get3A] {strides = array<i32>} : memref<4096xi32, #tpu.memory_space<vmem>>, vector<16xi32>,
      %lt3A = arith.constant 200000 : i32
      %lt3A_377 = vector.broadcast %lt3A : i32 to vector<16xi32>
      %lt3A_378 = arith.cmpi slt, %get3A_376, %lt3A_377 : vector<16xi32>
      %convert_element_type3A = arith.extui %lt3A_378 : vector<16xi1> to vector<16xi32>
      %broadcast_in_dim3A_379 = arith.constant true
      %broadcast_in_dim3A_380 = vector.broadcast %broadcast_in_dim3A_379 : i1 to vector<16xi1>
      %masked_cumsum3A = tpu.scan <sum>, %convert_element_type3A masked %broadcast_in_dim3A_380 : vector<16xi32>, vector<16xi1> -> vector<16xi32>
      %sub3A_381 = arith.constant 1 : i32
      %sub3A_382 = arith.subi %scan3A_373, %sub3A_381 : i32
      %add3A_383 = vector.broadcast %sub3A_382 : i32 to vector<16xi32>
      %add3A_384 = arith.addi %add3A_383, %masked_cumsum3A : vector<16xi32>
      %mul3A_385 = arith.constant 16 : i32
      %mul3A_386 = arith.muli %scan3A_372, %mul3A_385 : i32
      %add3A_387 = vector.broadcast %mul3A_386 : i32 to vector<16xi32>
      %add3A_388 = arith.addi %add3A_387, %iota3A : vector<16xi32>
      tpu.vector_store_idx %arg14[%add3A_384], %add3A_388 masked %lt3A_378 : memref<4224xi32, #tpu.memory_space<vmem>>[vector<16xi32>], vector<16xi32>, vector<16xi1>
      tpu.vector_store_idx %arg15[%add3A_384], %get3A_376 masked %lt3A_378 : memref<4224xi32, #tpu.memory_space<vmem>>[vector<16xi32>], vector<16xi32>, vector<16xi1>
      %convert_element_type3A_389 = arith.extui %lt3A_378 : vector<16xi1> to vector<16xi32>
      %reduce_sum3A = arith.constant true
      %reduce_sum3A_390 = vector.broadcast %reduce_sum3A : i1 to vector<16xi1>
      %reduce_sum3A_391 = tpu.scan <sum>, %convert_element_type3A_389 masked %reduce_sum3A_390 : vector<16xi32>, vector<16xi1> -> vector<16xi32>
      %reduce_sum3A_392 = vector.extract %reduce_sum3A_391[15] : i32 from vector<16xi32>
      %add3A_393 = arith.addi %scan3A_373, %reduce_sum3A_392 : i32
      scf.yield %add3A_393 : i32
    }
    %scan3A_189 = arith.constant 256 : i32
    %broadcast_in_dim3A_190 = arith.constant 200000 : i32
    %broadcast_in_dim3A_191 = vector.broadcast %broadcast_in_dim3A_190 : i32 to vector<16xi32>
    %add3A_192 = arith.constant 0 : i32
    %add3A_193 = arith.addi %scan3A_188, %add3A_192 : i32
    %swap3A = arith.index_cast %add3A_193 : i32 to index
    %swap3A_194 = tpu.vector_load %arg15[%swap3A] {strides = array<i32>} : memref<4224xi32, #tpu.memory_space<vmem>>, vector<16xi32>,
    tpu.vector_store %arg15[%swap3A], %broadcast_in_dim3A_191 {strides = array<i32>} : memref<4224xi32, #tpu.memory_space<vmem>>, vector<16xi32>,
    %add3A_195 = arith.constant 16 : i32
    %add3A_196 = arith.addi %scan3A_188, %add3A_195 : i32
    %swap3A_197 = arith.index_cast %add3A_196 : i32 to index
    %swap3A_198 = tpu.vector_load %arg15[%swap3A_197] {strides = array<i32>} : memref<4224xi32, #tpu.memory_space<vmem>>, vector<16xi32>,
    tpu.vector_store %arg15[%swap3A_197], %broadcast_in_dim3A_191 {strides = array<i32>} : memref<4224xi32, #tpu.memory_space<vmem>>, vector<16xi32>,
    %add3A_199 = arith.constant 32 : i32
    %add3A_200 = arith.addi %scan3A_188, %add3A_199 : i32
    %swap3A_201 = arith.index_cast %add3A_200 : i32 to index
    %swap3A_202 = tpu.vector_load %arg15[%swap3A_201] {strides = array<i32>} : memref<4224xi32, #tpu.memory_space<vmem>>, vector<16xi32>,
    tpu.vector_store %arg15[%swap3A_201], %broadcast_in_dim3A_191 {strides = array<i32>} : memref<4224xi32, #tpu.memory_space<vmem>>, vector<16xi32>,
    %add3A_203 = arith.constant 48 : i32
    %add3A_204 = arith.addi %scan3A_188, %add3A_203 : i32
    %swap3A_205 = arith.index_cast %add3A_204 : i32 to index
    %swap3A_206 = tpu.vector_load %arg15[%swap3A_205] {strides = array<i32>} : memref<4224xi32, #tpu.memory_space<vmem>>, vector<16xi32>,
    tpu.vector_store %arg15[%swap3A_205], %broadcast_in_dim3A_191 {strides = array<i32>} : memref<4224xi32, #tpu.memory_space<vmem>>, vector<16xi32>,
    %add3A_207 = arith.constant 64 : i32
    %add3A_208 = arith.addi %scan3A_188, %add3A_207 : i32
    %swap3A_209 = arith.index_cast %add3A_208 : i32 to index
    %swap3A_210 = tpu.vector_load %arg15[%swap3A_209] {strides = array<i32>} : memref<4224xi32, #tpu.memory_space<vmem>>, vector<16xi32>,
    tpu.vector_store %arg15[%swap3A_209], %broadcast_in_dim3A_191 {strides = array<i32>} : memref<4224xi32, #tpu.memory_space<vmem>>, vector<16xi32>,
    %add3A_211 = arith.constant 80 : i32
    %add3A_212 = arith.addi %scan3A_188, %add3A_211 : i32
    %swap3A_213 = arith.index_cast %add3A_212 : i32 to index
    %swap3A_214 = tpu.vector_load %arg15[%swap3A_213] {strides = array<i32>} : memref<4224xi32, #tpu.memory_space<vmem>>, vector<16xi32>,
    tpu.vector_store %arg15[%swap3A_213], %broadcast_in_dim3A_191 {strides = array<i32>} : memref<4224xi32, #tpu.memory_space<vmem>>, vector<16xi32>,
    %add3A_215 = arith.constant 96 : i32
    %add3A_216 = arith.addi %scan3A_188, %add3A_215 : i32
    %swap3A_217 = arith.index_cast %add3A_216 : i32 to index
    %swap3A_218 = tpu.vector_load %arg15[%swap3A_217] {strides = array<i32>} : memref<4224xi32, #tpu.memory_space<vmem>>, vector<16xi32>,
    tpu.vector_store %arg15[%swap3A_217], %broadcast_in_dim3A_191 {strides = array<i32>} : memref<4224xi32, #tpu.memory_space<vmem>>, vector<16xi32>,
    %add3A_219 = arith.constant 112 : i32
    %add3A_220 = arith.addi %scan3A_188, %add3A_219 : i32
    %swap3A_221 = arith.index_cast %add3A_220 : i32 to index
    %swap3A_222 = tpu.vector_load %arg15[%swap3A_221] {strides = array<i32>} : memref<4224xi32, #tpu.memory_space<vmem>>, vector<16xi32>,
    tpu.vector_store %arg15[%swap3A_221], %broadcast_in_dim3A_191 {strides = array<i32>} : memref<4224xi32, #tpu.memory_space<vmem>>, vector<16xi32>,
    %add3A_223 = arith.constant 127 : i32
    %add3A_224 = arith.addi %scan3A_188, %add3A_223 : i32
    %jit3A = arith.constant 128 : i32
    %div3A = arith.divsi %add3A_224, %jit3A : i32
    %sign3A = arith.constant 0 : i32
    %sign3A_225 = arith.cmpi sgt, %add3A_224, %sign3A : i32
    %sign3A_226 = arith.extui %sign3A_225 : i1 to i32
    %sign3A_227 = arith.constant 0 : i32
    %sign3A_228 = arith.cmpi slt, %add3A_224, %sign3A_227 : i32
    %sign3A_229 = arith.extui %sign3A_228 : i1 to i32
    %sign3A_230 = arith.subi %sign3A_226, %sign3A_229 : i32
    %sign3A_231 = arith.constant 0 : i32
    %sign3A_232 = arith.cmpi sgt, %jit3A, %sign3A_231 : i32
    %sign3A_233 = arith.extui %sign3A_232 : i1 to i32
    %sign3A_234 = arith.constant 0 : i32
    %sign3A_235 = arith.cmpi slt, %jit3A, %sign3A_234 : i32
    %sign3A_236 = arith.extui %sign3A_235 : i1 to i32
    %sign3A_237 = arith.subi %sign3A_233, %sign3A_236 : i32
    %ne3A = arith.cmpi ne, %sign3A_230, %sign3A_237 : i32
    %rem3A = arith.remsi %add3A_224, %jit3A : i32
    %ne3A_238 = arith.constant 0 : i32
    %ne3A_239 = arith.cmpi ne, %rem3A, %ne3A_238 : i32
    %and3A = arith.andi %ne3A, %ne3A_239 : i1
    %sub3A = arith.constant 1 : i32
    %sub3A_240 = arith.subi %div3A, %sub3A : i32
    %select_n3A = arith.select %and3A, %sub3A_240, %div3A : i32
    %while3A = arith.constant 0 : i32
    %while3A_241 = arith.constant 0 : i32
    %while3A_242 = arith.subi %select_n3A, %while3A_241 : i32
    %while3A_243 = arith.addi %while3A_241, %while3A_242 : i32
    %while3A_244 = arith.constant 1 : i32
    %while3A_245 = arith.divsi %while3A_242, %while3A_244 : i32
    %while3A_246 = arith.muli %while3A_245, %while3A_244 : i32
    %while3A_247 = arith.addi %while3A_241, %while3A_246 : i32
    %while3A_248 = arith.constant 1 : i32
    scf.for %while3A_372 = %while3A_241 to %while3A_247 step %while3A_248  : i32 {
      %mul3A_373 = arith.constant 128 : i32
      %mul3A_374 = arith.muli %while3A_372, %mul3A_373 : i32
      %mul3A_375 = arith.constant 128 : i32
      %mul3A_376 = arith.muli %while3A_372, %mul3A_375 : i32
      %add3A_377 = arith.constant 0 : i32
      %add3A_378 = arith.addi %add3A_377, %mul3A_376 : i32
      %dma_start3A_379 = tpu.memref_slice %arg16[%add3A_378] : memref<28672xf32, #tpu.memory_space<vmem>> -> memref<128xf32, #tpu.memory_space<vmem>>
      %dma_start3A_380 = tpu.memref_slice %arg15[%mul3A_374] : memref<4224xi32, #tpu.memory_space<vmem>> -> memref<128xi32, #tpu.memory_space<vmem>>
      %dma_start3A_381 = arith.constant 0 : i32
      %dma_start3A_382 = tpu.memref_slice %arg3[%dma_start3A_381] : memref<204800xf32, #tpu.memory_space<hbm>> -> memref<204800xf32, #tpu.memory_space<hbm>>
      tpu.enqueue_indirect_dma source(%dma_start3A_382 : memref<204800xf32, #tpu.memory_space<hbm>>) target(%dma_start3A_379 : memref<128xf32, #tpu.memory_space<vmem>>) offsets(%dma_start3A_380 : memref<128xi32, #tpu.memory_space<vmem>>) semaphore(%arg19 : memref<!tpu.dma_semaphore, #tpu.memory_space<semaphore_mem>>)
    }
    %while3A_249 = arith.constant 1 : i32
    scf.for %while3A_372 = %while3A_247 to %while3A_243 step %while3A_249  : i32 {
      %mul3A_373 = arith.constant 128 : i32
      %mul3A_374 = arith.muli %while3A_372, %mul3A_373 : i32
      %mul3A_375 = arith.constant 128 : i32
      %mul3A_376 = arith.muli %while3A_372, %mul3A_375 : i32
      %add3A_377 = arith.constant 0 : i32
      %add3A_378 = arith.addi %add3A_377, %mul3A_376 : i32
      %dma_start3A_379 = tpu.memref_slice %arg16[%add3A_378] : memref<28672xf32, #tpu.memory_space<vmem>> -> memref<128xf32, #tpu.memory_space<vmem>>
      %dma_start3A_380 = tpu.memref_slice %arg15[%mul3A_374] : memref<4224xi32, #tpu.memory_space<vmem>> -> memref<128xi32, #tpu.memory_space<vmem>>
      %dma_start3A_381 = arith.constant 0 : i32
      %dma_start3A_382 = tpu.memref_slice %arg3[%dma_start3A_381] : memref<204800xf32, #tpu.memory_space<hbm>> -> memref<204800xf32, #tpu.memory_space<hbm>>
      tpu.enqueue_indirect_dma source(%dma_start3A_382 : memref<204800xf32, #tpu.memory_space<hbm>>) target(%dma_start3A_379 : memref<128xf32, #tpu.memory_space<vmem>>) offsets(%dma_start3A_380 : memref<128xi32, #tpu.memory_space<vmem>>) semaphore(%arg19 : memref<!tpu.dma_semaphore, #tpu.memory_space<semaphore_mem>>)
    }
    %while3A_250 = arith.constant 0 : i32
    %while3A_251 = arith.constant 0 : i32
    %while3A_252 = arith.subi %select_n3A, %while3A_251 : i32
    %while3A_253 = arith.addi %while3A_251, %while3A_252 : i32
    %while3A_254 = arith.constant 1 : i32
    %while3A_255 = arith.divsi %while3A_252, %while3A_254 : i32
    %while3A_256 = arith.muli %while3A_255, %while3A_254 : i32
    %while3A_257 = arith.addi %while3A_251, %while3A_256 : i32
    %while3A_258 = arith.constant 1 : i32
    scf.for %while3A_372 = %while3A_251 to %while3A_257 step %while3A_258  : i32 {
      %mul3A_373 = arith.constant 128 : i32
      %mul3A_374 = arith.muli %while3A_372, %mul3A_373 : i32
      %mul3A_375 = arith.constant 128 : i32
      %mul3A_376 = arith.muli %while3A_372, %mul3A_375 : i32
      %add3A_377 = arith.constant 4096 : i32
      %add3A_378 = arith.addi %add3A_377, %mul3A_376 : i32
      %dma_start3A_379 = tpu.memref_slice %arg16[%add3A_378] : memref<28672xf32, #tpu.memory_space<vmem>> -> memref<128xf32, #tpu.memory_space<vmem>>
      %dma_start3A_380 = tpu.memref_slice %arg15[%mul3A_374] : memref<4224xi32, #tpu.memory_space<vmem>> -> memref<128xi32, #tpu.memory_space<vmem>>
      %dma_start3A_381 = arith.constant 0 : i32
      %dma_start3A_382 = tpu.memref_slice %arg4[%dma_start3A_381] : memref<204800xf32, #tpu.memory_space<hbm>> -> memref<204800xf32, #tpu.memory_space<hbm>>
      tpu.enqueue_indirect_dma source(%dma_start3A_382 : memref<204800xf32, #tpu.memory_space<hbm>>) target(%dma_start3A_379 : memref<128xf32, #tpu.memory_space<vmem>>) offsets(%dma_start3A_380 : memref<128xi32, #tpu.memory_space<vmem>>) semaphore(%arg19 : memref<!tpu.dma_semaphore, #tpu.memory_space<semaphore_mem>>)
    }
    %while3A_259 = arith.constant 1 : i32
    scf.for %while3A_372 = %while3A_257 to %while3A_253 step %while3A_259  : i32 {
      %mul3A_373 = arith.constant 128 : i32
      %mul3A_374 = arith.muli %while3A_372, %mul3A_373 : i32
      %mul3A_375 = arith.constant 128 : i32
      %mul3A_376 = arith.muli %while3A_372, %mul3A_375 : i32
      %add3A_377 = arith.constant 4096 : i32
      %add3A_378 = arith.addi %add3A_377, %mul3A_376 : i32
      %dma_start3A_379 = tpu.memref_slice %arg16[%add3A_378] : memref<28672xf32, #tpu.memory_space<vmem>> -> memref<128xf32, #tpu.memory_space<vmem>>
      %dma_start3A_380 = tpu.memref_slice %arg15[%mul3A_374] : memref<4224xi32, #tpu.memory_space<vmem>> -> memref<128xi32, #tpu.memory_space<vmem>>
      %dma_start3A_381 = arith.constant 0 : i32
      %dma_start3A_382 = tpu.memref_slice %arg4[%dma_start3A_381] : memref<204800xf32, #tpu.memory_space<hbm>> -> memref<204800xf32, #tpu.memory_space<hbm>>
      tpu.enqueue_indirect_dma source(%dma_start3A_382 : memref<204800xf32, #tpu.memory_space<hbm>>) target(%dma_start3A_379 : memref<128xf32, #tpu.memory_space<vmem>>) offsets(%dma_start3A_380 : memref<128xi32, #tpu.memory_space<vmem>>) semaphore(%arg19 : memref<!tpu.dma_semaphore, #tpu.memory_space<semaphore_mem>>)
    }
    %while3A_260 = arith.constant 0 : i32
    %while3A_261 = arith.constant 0 : i32
    %while3A_262 = arith.subi %select_n3A, %while3A_261 : i32
    %while3A_263 = arith.addi %while3A_261, %while3A_262 : i32
    %while3A_264 = arith.constant 1 : i32
    %while3A_265 = arith.divsi %while3A_262, %while3A_264 : i32
    %while3A_266 = arith.muli %while3A_265, %while3A_264 : i32
    %while3A_267 = arith.addi %while3A_261, %while3A_266 : i32
    %while3A_268 = arith.constant 1 : i32
    scf.for %while3A_372 = %while3A_261 to %while3A_267 step %while3A_268  : i32 {
      %mul3A_373 = arith.constant 128 : i32
      %mul3A_374 = arith.muli %while3A_372, %mul3A_373 : i32
      %mul3A_375 = arith.constant 128 : i32
      %mul3A_376 = arith.muli %while3A_372, %mul3A_375 : i32
      %add3A_377 = arith.constant 8192 : i32
      %add3A_378 = arith.addi %add3A_377, %mul3A_376 : i32
      %dma_start3A_379 = tpu.memref_slice %arg16[%add3A_378] : memref<28672xf32, #tpu.memory_space<vmem>> -> memref<128xf32, #tpu.memory_space<vmem>>
      %dma_start3A_380 = tpu.memref_slice %arg15[%mul3A_374] : memref<4224xi32, #tpu.memory_space<vmem>> -> memref<128xi32, #tpu.memory_space<vmem>>
      %dma_start3A_381 = arith.constant 0 : i32
      %dma_start3A_382 = tpu.memref_slice %arg5[%dma_start3A_381] : memref<204800xf32, #tpu.memory_space<hbm>> -> memref<204800xf32, #tpu.memory_space<hbm>>
      tpu.enqueue_indirect_dma source(%dma_start3A_382 : memref<204800xf32, #tpu.memory_space<hbm>>) target(%dma_start3A_379 : memref<128xf32, #tpu.memory_space<vmem>>) offsets(%dma_start3A_380 : memref<128xi32, #tpu.memory_space<vmem>>) semaphore(%arg19 : memref<!tpu.dma_semaphore, #tpu.memory_space<semaphore_mem>>)
    }
    %while3A_269 = arith.constant 1 : i32
    scf.for %while3A_372 = %while3A_267 to %while3A_263 step %while3A_269  : i32 {
      %mul3A_373 = arith.constant 128 : i32
      %mul3A_374 = arith.muli %while3A_372, %mul3A_373 : i32
      %mul3A_375 = arith.constant 128 : i32
      %mul3A_376 = arith.muli %while3A_372, %mul3A_375 : i32
      %add3A_377 = arith.constant 8192 : i32
      %add3A_378 = arith.addi %add3A_377, %mul3A_376 : i32
      %dma_start3A_379 = tpu.memref_slice %arg16[%add3A_378] : memref<28672xf32, #tpu.memory_space<vmem>> -> memref<128xf32, #tpu.memory_space<vmem>>
      %dma_start3A_380 = tpu.memref_slice %arg15[%mul3A_374] : memref<4224xi32, #tpu.memory_space<vmem>> -> memref<128xi32, #tpu.memory_space<vmem>>
      %dma_start3A_381 = arith.constant 0 : i32
      %dma_start3A_382 = tpu.memref_slice %arg5[%dma_start3A_381] : memref<204800xf32, #tpu.memory_space<hbm>> -> memref<204800xf32, #tpu.memory_space<hbm>>
      tpu.enqueue_indirect_dma source(%dma_start3A_382 : memref<204800xf32, #tpu.memory_space<hbm>>) target(%dma_start3A_379 : memref<128xf32, #tpu.memory_space<vmem>>) offsets(%dma_start3A_380 : memref<128xi32, #tpu.memory_space<vmem>>) semaphore(%arg19 : memref<!tpu.dma_semaphore, #tpu.memory_space<semaphore_mem>>)
    }
    %while3A_270 = arith.constant 0 : i32
    %while3A_271 = arith.constant 0 : i32
    %while3A_272 = arith.subi %select_n3A, %while3A_271 : i32
    %while3A_273 = arith.addi %while3A_271, %while3A_272 : i32
    %while3A_274 = arith.constant 1 : i32
    %while3A_275 = arith.divsi %while3A_272, %while3A_274 : i32
    %while3A_276 = arith.muli %while3A_275, %while3A_274 : i32
    %while3A_277 = arith.addi %while3A_271, %while3A_276 : i32
    %while3A_278 = arith.constant 1 : i32
    scf.for %while3A_372 = %while3A_271 to %while3A_277 step %while3A_278  : i32 {
      %mul3A_373 = arith.constant 128 : i32
      %mul3A_374 = arith.muli %while3A_372, %mul3A_373 : i32
      %mul3A_375 = arith.constant 128 : i32
      %mul3A_376 = arith.muli %while3A_372, %mul3A_375 : i32
      %add3A_377 = arith.constant 12288 : i32
      %add3A_378 = arith.addi %add3A_377, %mul3A_376 : i32
      %dma_start3A_379 = tpu.memref_slice %arg16[%add3A_378] : memref<28672xf32, #tpu.memory_space<vmem>> -> memref<128xf32, #tpu.memory_space<vmem>>
      %dma_start3A_380 = tpu.memref_slice %arg15[%mul3A_374] : memref<4224xi32, #tpu.memory_space<vmem>> -> memref<128xi32, #tpu.memory_space<vmem>>
      %dma_start3A_381 = arith.constant 0 : i32
      %dma_start3A_382 = tpu.memref_slice %arg6[%dma_start3A_381] : memref<204800xf32, #tpu.memory_space<hbm>> -> memref<204800xf32, #tpu.memory_space<hbm>>
      tpu.enqueue_indirect_dma source(%dma_start3A_382 : memref<204800xf32, #tpu.memory_space<hbm>>) target(%dma_start3A_379 : memref<128xf32, #tpu.memory_space<vmem>>) offsets(%dma_start3A_380 : memref<128xi32, #tpu.memory_space<vmem>>) semaphore(%arg19 : memref<!tpu.dma_semaphore, #tpu.memory_space<semaphore_mem>>)
    }
    %while3A_279 = arith.constant 1 : i32
    scf.for %while3A_372 = %while3A_277 to %while3A_273 step %while3A_279  : i32 {
      %mul3A_373 = arith.constant 128 : i32
      %mul3A_374 = arith.muli %while3A_372, %mul3A_373 : i32
      %mul3A_375 = arith.constant 128 : i32
      %mul3A_376 = arith.muli %while3A_372, %mul3A_375 : i32
      %add3A_377 = arith.constant 12288 : i32
      %add3A_378 = arith.addi %add3A_377, %mul3A_376 : i32
      %dma_start3A_379 = tpu.memref_slice %arg16[%add3A_378] : memref<28672xf32, #tpu.memory_space<vmem>> -> memref<128xf32, #tpu.memory_space<vmem>>
      %dma_start3A_380 = tpu.memref_slice %arg15[%mul3A_374] : memref<4224xi32, #tpu.memory_space<vmem>> -> memref<128xi32, #tpu.memory_space<vmem>>
      %dma_start3A_381 = arith.constant 0 : i32
      %dma_start3A_382 = tpu.memref_slice %arg6[%dma_start3A_381] : memref<204800xf32, #tpu.memory_space<hbm>> -> memref<204800xf32, #tpu.memory_space<hbm>>
      tpu.enqueue_indirect_dma source(%dma_start3A_382 : memref<204800xf32, #tpu.memory_space<hbm>>) target(%dma_start3A_379 : memref<128xf32, #tpu.memory_space<vmem>>) offsets(%dma_start3A_380 : memref<128xi32, #tpu.memory_space<vmem>>) semaphore(%arg19 : memref<!tpu.dma_semaphore, #tpu.memory_space<semaphore_mem>>)
    }
    %while3A_280 = arith.constant 0 : i32
    %while3A_281 = arith.constant 0 : i32
    %while3A_282 = arith.subi %select_n3A, %while3A_281 : i32
    %while3A_283 = arith.addi %while3A_281, %while3A_282 : i32
    %while3A_284 = arith.constant 1 : i32
    %while3A_285 = arith.divsi %while3A_282, %while3A_284 : i32
    %while3A_286 = arith.muli %while3A_285, %while3A_284 : i32
    %while3A_287 = arith.addi %while3A_281, %while3A_286 : i32
    %while3A_288 = arith.constant 1 : i32
    scf.for %while3A_372 = %while3A_281 to %while3A_287 step %while3A_288  : i32 {
      %mul3A_373 = arith.constant 128 : i32
      %mul3A_374 = arith.muli %while3A_372, %mul3A_373 : i32
      %mul3A_375 = arith.constant 128 : i32
      %mul3A_376 = arith.muli %while3A_372, %mul3A_375 : i32
      %add3A_377 = arith.constant 16384 : i32
      %add3A_378 = arith.addi %add3A_377, %mul3A_376 : i32
      %dma_start3A_379 = tpu.memref_slice %arg16[%add3A_378] : memref<28672xf32, #tpu.memory_space<vmem>> -> memref<128xf32, #tpu.memory_space<vmem>>
      %dma_start3A_380 = tpu.memref_slice %arg15[%mul3A_374] : memref<4224xi32, #tpu.memory_space<vmem>> -> memref<128xi32, #tpu.memory_space<vmem>>
      %dma_start3A_381 = arith.constant 0 : i32
      %dma_start3A_382 = tpu.memref_slice %arg7[%dma_start3A_381] : memref<204800xf32, #tpu.memory_space<hbm>> -> memref<204800xf32, #tpu.memory_space<hbm>>
      tpu.enqueue_indirect_dma source(%dma_start3A_382 : memref<204800xf32, #tpu.memory_space<hbm>>) target(%dma_start3A_379 : memref<128xf32, #tpu.memory_space<vmem>>) offsets(%dma_start3A_380 : memref<128xi32, #tpu.memory_space<vmem>>) semaphore(%arg19 : memref<!tpu.dma_semaphore, #tpu.memory_space<semaphore_mem>>)
    }
    %while3A_289 = arith.constant 1 : i32
    scf.for %while3A_372 = %while3A_287 to %while3A_283 step %while3A_289  : i32 {
      %mul3A_373 = arith.constant 128 : i32
      %mul3A_374 = arith.muli %while3A_372, %mul3A_373 : i32
      %mul3A_375 = arith.constant 128 : i32
      %mul3A_376 = arith.muli %while3A_372, %mul3A_375 : i32
      %add3A_377 = arith.constant 16384 : i32
      %add3A_378 = arith.addi %add3A_377, %mul3A_376 : i32
      %dma_start3A_379 = tpu.memref_slice %arg16[%add3A_378] : memref<28672xf32, #tpu.memory_space<vmem>> -> memref<128xf32, #tpu.memory_space<vmem>>
      %dma_start3A_380 = tpu.memref_slice %arg15[%mul3A_374] : memref<4224xi32, #tpu.memory_space<vmem>> -> memref<128xi32, #tpu.memory_space<vmem>>
      %dma_start3A_381 = arith.constant 0 : i32
      %dma_start3A_382 = tpu.memref_slice %arg7[%dma_start3A_381] : memref<204800xf32, #tpu.memory_space<hbm>> -> memref<204800xf32, #tpu.memory_space<hbm>>
      tpu.enqueue_indirect_dma source(%dma_start3A_382 : memref<204800xf32, #tpu.memory_space<hbm>>) target(%dma_start3A_379 : memref<128xf32, #tpu.memory_space<vmem>>) offsets(%dma_start3A_380 : memref<128xi32, #tpu.memory_space<vmem>>) semaphore(%arg19 : memref<!tpu.dma_semaphore, #tpu.memory_space<semaphore_mem>>)
    }
    %while3A_290 = arith.constant 0 : i32
    %while3A_291 = arith.constant 0 : i32
    %while3A_292 = arith.subi %select_n3A, %while3A_291 : i32
    %while3A_293 = arith.addi %while3A_291, %while3A_292 : i32
    %while3A_294 = arith.constant 1 : i32
    %while3A_295 = arith.divsi %while3A_292, %while3A_294 : i32
    %while3A_296 = arith.muli %while3A_295, %while3A_294 : i32
    %while3A_297 = arith.addi %while3A_291, %while3A_296 : i32
    %while3A_298 = arith.constant 1 : i32
    scf.for %while3A_372 = %while3A_291 to %while3A_297 step %while3A_298  : i32 {
      %mul3A_373 = arith.constant 128 : i32
      %mul3A_374 = arith.muli %while3A_372, %mul3A_373 : i32
      %mul3A_375 = arith.constant 128 : i32
      %mul3A_376 = arith.muli %while3A_372, %mul3A_375 : i32
      %add3A_377 = arith.constant 20480 : i32
      %add3A_378 = arith.addi %add3A_377, %mul3A_376 : i32
      %dma_start3A_379 = tpu.memref_slice %arg16[%add3A_378] : memref<28672xf32, #tpu.memory_space<vmem>> -> memref<128xf32, #tpu.memory_space<vmem>>
      %dma_start3A_380 = tpu.memref_slice %arg15[%mul3A_374] : memref<4224xi32, #tpu.memory_space<vmem>> -> memref<128xi32, #tpu.memory_space<vmem>>
      %dma_start3A_381 = arith.constant 0 : i32
      %dma_start3A_382 = tpu.memref_slice %arg8[%dma_start3A_381] : memref<204800xf32, #tpu.memory_space<hbm>> -> memref<204800xf32, #tpu.memory_space<hbm>>
      tpu.enqueue_indirect_dma source(%dma_start3A_382 : memref<204800xf32, #tpu.memory_space<hbm>>) target(%dma_start3A_379 : memref<128xf32, #tpu.memory_space<vmem>>) offsets(%dma_start3A_380 : memref<128xi32, #tpu.memory_space<vmem>>) semaphore(%arg19 : memref<!tpu.dma_semaphore, #tpu.memory_space<semaphore_mem>>)
    }
    %while3A_299 = arith.constant 1 : i32
    scf.for %while3A_372 = %while3A_297 to %while3A_293 step %while3A_299  : i32 {
      %mul3A_373 = arith.constant 128 : i32
      %mul3A_374 = arith.muli %while3A_372, %mul3A_373 : i32
      %mul3A_375 = arith.constant 128 : i32
      %mul3A_376 = arith.muli %while3A_372, %mul3A_375 : i32
      %add3A_377 = arith.constant 20480 : i32
      %add3A_378 = arith.addi %add3A_377, %mul3A_376 : i32
      %dma_start3A_379 = tpu.memref_slice %arg16[%add3A_378] : memref<28672xf32, #tpu.memory_space<vmem>> -> memref<128xf32, #tpu.memory_space<vmem>>
      %dma_start3A_380 = tpu.memref_slice %arg15[%mul3A_374] : memref<4224xi32, #tpu.memory_space<vmem>> -> memref<128xi32, #tpu.memory_space<vmem>>
      %dma_start3A_381 = arith.constant 0 : i32
      %dma_start3A_382 = tpu.memref_slice %arg8[%dma_start3A_381] : memref<204800xf32, #tpu.memory_space<hbm>> -> memref<204800xf32, #tpu.memory_space<hbm>>
      tpu.enqueue_indirect_dma source(%dma_start3A_382 : memref<204800xf32, #tpu.memory_space<hbm>>) target(%dma_start3A_379 : memref<128xf32, #tpu.memory_space<vmem>>) offsets(%dma_start3A_380 : memref<128xi32, #tpu.memory_space<vmem>>) semaphore(%arg19 : memref<!tpu.dma_semaphore, #tpu.memory_space<semaphore_mem>>)
    }
    %while3A_300 = arith.constant 0 : i32
    %while3A_301 = arith.constant 0 : i32
    %while3A_302 = arith.subi %select_n3A, %while3A_301 : i32
    %while3A_303 = arith.addi %while3A_301, %while3A_302 : i32
    %while3A_304 = arith.constant 1 : i32
    %while3A_305 = arith.divsi %while3A_302, %while3A_304 : i32
    %while3A_306 = arith.muli %while3A_305, %while3A_304 : i32
    %while3A_307 = arith.addi %while3A_301, %while3A_306 : i32
    %while3A_308 = arith.constant 1 : i32
    scf.for %while3A_372 = %while3A_301 to %while3A_307 step %while3A_308  : i32 {
      %mul3A_373 = arith.constant 128 : i32
      %mul3A_374 = arith.muli %while3A_372, %mul3A_373 : i32
      %mul3A_375 = arith.constant 128 : i32
      %mul3A_376 = arith.muli %while3A_372, %mul3A_375 : i32
      %add3A_377 = arith.constant 24576 : i32
      %add3A_378 = arith.addi %add3A_377, %mul3A_376 : i32
      %dma_start3A_379 = tpu.memref_slice %arg16[%add3A_378] : memref<28672xf32, #tpu.memory_space<vmem>> -> memref<128xf32, #tpu.memory_space<vmem>>
      %dma_start3A_380 = tpu.memref_slice %arg15[%mul3A_374] : memref<4224xi32, #tpu.memory_space<vmem>> -> memref<128xi32, #tpu.memory_space<vmem>>
      %dma_start3A_381 = arith.constant 0 : i32
      %dma_start3A_382 = tpu.memref_slice %arg9[%dma_start3A_381] : memref<204800xf32, #tpu.memory_space<hbm>> -> memref<204800xf32, #tpu.memory_space<hbm>>
      tpu.enqueue_indirect_dma source(%dma_start3A_382 : memref<204800xf32, #tpu.memory_space<hbm>>) target(%dma_start3A_379 : memref<128xf32, #tpu.memory_space<vmem>>) offsets(%dma_start3A_380 : memref<128xi32, #tpu.memory_space<vmem>>) semaphore(%arg19 : memref<!tpu.dma_semaphore, #tpu.memory_space<semaphore_mem>>)
    }
    %while3A_309 = arith.constant 1 : i32
    scf.for %while3A_372 = %while3A_307 to %while3A_303 step %while3A_309  : i32 {
      %mul3A_373 = arith.constant 128 : i32
      %mul3A_374 = arith.muli %while3A_372, %mul3A_373 : i32
      %mul3A_375 = arith.constant 128 : i32
      %mul3A_376 = arith.muli %while3A_372, %mul3A_375 : i32
      %add3A_377 = arith.constant 24576 : i32
      %add3A_378 = arith.addi %add3A_377, %mul3A_376 : i32
      %dma_start3A_379 = tpu.memref_slice %arg16[%add3A_378] : memref<28672xf32, #tpu.memory_space<vmem>> -> memref<128xf32, #tpu.memory_space<vmem>>
      %dma_start3A_380 = tpu.memref_slice %arg15[%mul3A_374] : memref<4224xi32, #tpu.memory_space<vmem>> -> memref<128xi32, #tpu.memory_space<vmem>>
      %dma_start3A_381 = arith.constant 0 : i32
      %dma_start3A_382 = tpu.memref_slice %arg9[%dma_start3A_381] : memref<204800xf32, #tpu.memory_space<hbm>> -> memref<204800xf32, #tpu.memory_space<hbm>>
      tpu.enqueue_indirect_dma source(%dma_start3A_382 : memref<204800xf32, #tpu.memory_space<hbm>>) target(%dma_start3A_379 : memref<128xf32, #tpu.memory_space<vmem>>) offsets(%dma_start3A_380 : memref<128xi32, #tpu.memory_space<vmem>>) semaphore(%arg19 : memref<!tpu.dma_semaphore, #tpu.memory_space<semaphore_mem>>)
    }
    %mul3A_310 = arith.constant 7 : i32
    %mul3A_311 = arith.muli %mul3A_310, %select_n3A : i32
    %while3A_312 = arith.constant 0 : i32
    %while3A_313 = arith.constant 0 : i32
    %while3A_314 = arith.subi %mul3A_311, %while3A_313 : i32
    %while3A_315 = arith.addi %while3A_313, %while3A_314 : i32
    %while3A_316 = arith.constant 1 : i32
    %while3A_317 = arith.divsi %while3A_314, %while3A_316 : i32
    %while3A_318 = arith.muli %while3A_317, %while3A_316 : i32
    %while3A_319 = arith.addi %while3A_313, %while3A_318 : i32
    %while3A_320 = arith.constant 1 : i32
    scf.for %while3A_372 = %while3A_313 to %while3A_319 step %while3A_320  : i32 {
      %dma_wait3A_373 = arith.constant 0 : i32
      %dma_wait3A_374 = tpu.memref_slice %arg16[%dma_wait3A_373] : memref<28672xf32, #tpu.memory_space<vmem>> -> memref<128xf32, #tpu.memory_space<vmem>>
      %dma_wait3A_375 = arith.constant 0 : i32
      %dma_wait3A_376 = tpu.memref_slice %arg15[%dma_wait3A_375] : memref<4224xi32, #tpu.memory_space<vmem>> -> memref<128xi32, #tpu.memory_space<vmem>>
      %dma_wait3A_377 = arith.constant 0 : i32
      %dma_wait3A_378 = tpu.memref_slice %arg3[%dma_wait3A_377] : memref<204800xf32, #tpu.memory_space<hbm>> -> memref<204800xf32, #tpu.memory_space<hbm>>
      tpu.wait_indirect_dma semaphore(%arg19 : memref<!tpu.dma_semaphore, #tpu.memory_space<semaphore_mem>>) src(%dma_wait3A_378 : memref<204800xf32, #tpu.memory_space<hbm>>) dst(%dma_wait3A_374 : memref<128xf32, #tpu.memory_space<vmem>>)
    }
    %while3A_321 = arith.constant 1 : i32
    scf.for %while3A_372 = %while3A_319 to %while3A_315 step %while3A_321  : i32 {
      %dma_wait3A_373 = arith.constant 0 : i32
      %dma_wait3A_374 = tpu.memref_slice %arg16[%dma_wait3A_373] : memref<28672xf32, #tpu.memory_space<vmem>> -> memref<128xf32, #tpu.memory_space<vmem>>
      %dma_wait3A_375 = arith.constant 0 : i32
      %dma_wait3A_376 = tpu.memref_slice %arg15[%dma_wait3A_375] : memref<4224xi32, #tpu.memory_space<vmem>> -> memref<128xi32, #tpu.memory_space<vmem>>
      %dma_wait3A_377 = arith.constant 0 : i32
      %dma_wait3A_378 = tpu.memref_slice %arg3[%dma_wait3A_377] : memref<204800xf32, #tpu.memory_space<hbm>> -> memref<204800xf32, #tpu.memory_space<hbm>>
      tpu.wait_indirect_dma semaphore(%arg19 : memref<!tpu.dma_semaphore, #tpu.memory_space<semaphore_mem>>) src(%dma_wait3A_378 : memref<204800xf32, #tpu.memory_space<hbm>>) dst(%dma_wait3A_374 : memref<128xf32, #tpu.memory_space<vmem>>)
    }
    %add3A_322 = arith.constant 15 : i32
    %add3A_323 = arith.addi %scan3A_188, %add3A_322 : i32
    %jit3A_324 = arith.constant 16 : i32
    %div3A_325 = arith.divsi %add3A_323, %jit3A_324 : i32
    %sign3A_326 = arith.constant 0 : i32
    %sign3A_327 = arith.cmpi sgt, %add3A_323, %sign3A_326 : i32
    %sign3A_328 = arith.extui %sign3A_327 : i1 to i32
    %sign3A_329 = arith.constant 0 : i32
    %sign3A_330 = arith.cmpi slt, %add3A_323, %sign3A_329 : i32
    %sign3A_331 = arith.extui %sign3A_330 : i1 to i32
    %sign3A_332 = arith.subi %sign3A_328, %sign3A_331 : i32
    %sign3A_333 = arith.constant 0 : i32
    %sign3A_334 = arith.cmpi sgt, %jit3A_324, %sign3A_333 : i32
    %sign3A_335 = arith.extui %sign3A_334 : i1 to i32
    %sign3A_336 = arith.constant 0 : i32
    %sign3A_337 = arith.cmpi slt, %jit3A_324, %sign3A_336 : i32
    %sign3A_338 = arith.extui %sign3A_337 : i1 to i32
    %sign3A_339 = arith.subi %sign3A_335, %sign3A_338 : i32
    %ne3A_340 = arith.cmpi ne, %sign3A_332, %sign3A_339 : i32
    %rem3A_341 = arith.remsi %add3A_323, %jit3A_324 : i32
    %ne3A_342 = arith.constant 0 : i32
    %ne3A_343 = arith.cmpi ne, %rem3A_341, %ne3A_342 : i32
    %and3A_344 = arith.andi %ne3A_340, %ne3A_343 : i1
    %sub3A_345 = arith.constant 1 : i32
    %sub3A_346 = arith.subi %div3A_325, %sub3A_345 : i32
    %select_n3A_347 = arith.select %and3A_344, %sub3A_346, %div3A_325 : i32
    %while3A_348 = arith.constant 0 : i32
    %while3A_349 = arith.constant 0 : i32
    %while3A_350 = arith.subi %select_n3A_347, %while3A_349 : i32
    %while3A_351 = arith.addi %while3A_349, %while3A_350 : i32
    %while3A_352 = arith.constant 1 : i32
    %while3A_353 = arith.divsi %while3A_350, %while3A_352 : i32
    %while3A_354 = arith.muli %while3A_353, %while3A_352 : i32
    %while3A_355 = arith.addi %while3A_349, %while3A_354 : i32
    %while3A_356 = arith.constant 1 : i32
    scf.for %while3A_372 = %while3A_349 to %while3A_355 step %while3A_356  : i32 {
      %mul3A_373 = arith.constant 16 : i32
      %mul3A_374 = arith.muli %while3A_372, %mul3A_373 : i32
      %get3A = arith.index_cast %mul3A_374 : i32 to index
      %get3A_375 = tpu.vector_load %arg14[%get3A] {strides = array<i32>} : memref<4224xi32, #tpu.memory_space<vmem>>, vector<16xi32>,
      %mul3A_376 = arith.constant 16 : i32
      %mul3A_377 = arith.muli %while3A_372, %mul3A_376 : i32
      %add3A_378 = vector.broadcast %mul3A_377 : i32 to vector<16xi32>
      %add3A_379 = arith.addi %add3A_378, %iota3A : vector<16xi32>
      %lt3A = vector.broadcast %scan3A_188 : i32 to vector<16xi32>
      %lt3A_380 = arith.cmpi slt, %add3A_379, %lt3A : vector<16xi32>
      %mul3A_381 = arith.constant 16 : i32
      %mul3A_382 = arith.muli %while3A_372, %mul3A_381 : i32
      %add3A_383 = arith.constant 0 : i32
      %add3A_384 = arith.addi %add3A_383, %mul3A_382 : i32
      %get3A_385 = arith.index_cast %add3A_384 : i32 to index
      %get3A_386 = tpu.vector_load %arg16[%get3A_385] {strides = array<i32>} : memref<28672xf32, #tpu.memory_space<vmem>>, vector<16xf32>,
      %add3A_387 = arith.constant 0 : i32
      %add3A_388 = vector.broadcast %add3A_387 : i32 to vector<16xi32>
      %add3A_389 = arith.addi %add3A_388, %get3A_375 : vector<16xi32>
      tpu.vector_store_idx %arg17[%add3A_389], %get3A_386 masked %lt3A_380 : memref<28672xf32, #tpu.memory_space<vmem>>[vector<16xi32>], vector<16xf32>, vector<16xi1>
      %mul3A_390 = arith.constant 16 : i32
      %mul3A_391 = arith.muli %while3A_372, %mul3A_390 : i32
      %add3A_392 = arith.constant 4096 : i32
      %add3A_393 = arith.addi %add3A_392, %mul3A_391 : i32
      %get3A_394 = arith.index_cast %add3A_393 : i32 to index
      %get3A_395 = tpu.vector_load %arg16[%get3A_394] {strides = array<i32>} : memref<28672xf32, #tpu.memory_space<vmem>>, vector<16xf32>,
      %add3A_396 = arith.constant 4096 : i32
      %add3A_397 = vector.broadcast %add3A_396 : i32 to vector<16xi32>
      %add3A_398 = arith.addi %add3A_397, %get3A_375 : vector<16xi32>
      tpu.vector_store_idx %arg17[%add3A_398], %get3A_395 masked %lt3A_380 : memref<28672xf32, #tpu.memory_space<vmem>>[vector<16xi32>], vector<16xf32>, vector<16xi1>
      %mul3A_399 = arith.constant 16 : i32
      %mul3A_400 = arith.muli %while3A_372, %mul3A_399 : i32
      %add3A_401 = arith.constant 8192 : i32
      %add3A_402 = arith.addi %add3A_401, %mul3A_400 : i32
      %get3A_403 = arith.index_cast %add3A_402 : i32 to index
      %get3A_404 = tpu.vector_load %arg16[%get3A_403] {strides = array<i32>} : memref<28672xf32, #tpu.memory_space<vmem>>, vector<16xf32>,
      %add3A_405 = arith.constant 8192 : i32
      %add3A_406 = vector.broadcast %add3A_405 : i32 to vector<16xi32>
      %add3A_407 = arith.addi %add3A_406, %get3A_375 : vector<16xi32>
      tpu.vector_store_idx %arg17[%add3A_407], %get3A_404 masked %lt3A_380 : memref<28672xf32, #tpu.memory_space<vmem>>[vector<16xi32>], vector<16xf32>, vector<16xi1>
      %mul3A_408 = arith.constant 16 : i32
      %mul3A_409 = arith.muli %while3A_372, %mul3A_408 : i32
      %add3A_410 = arith.constant 12288 : i32
      %add3A_411 = arith.addi %add3A_410, %mul3A_409 : i32
      %get3A_412 = arith.index_cast %add3A_411 : i32 to index
      %get3A_413 = tpu.vector_load %arg16[%get3A_412] {strides = array<i32>} : memref<28672xf32, #tpu.memory_space<vmem>>, vector<16xf32>,
      %add3A_414 = arith.constant 12288 : i32
      %add3A_415 = vector.broadcast %add3A_414 : i32 to vector<16xi32>
      %add3A_416 = arith.addi %add3A_415, %get3A_375 : vector<16xi32>
      tpu.vector_store_idx %arg17[%add3A_416], %get3A_413 masked %lt3A_380 : memref<28672xf32, #tpu.memory_space<vmem>>[vector<16xi32>], vector<16xf32>, vector<16xi1>
      %mul3A_417 = arith.constant 16 : i32
      %mul3A_418 = arith.muli %while3A_372, %mul3A_417 : i32
      %add3A_419 = arith.constant 16384 : i32
      %add3A_420 = arith.addi %add3A_419, %mul3A_418 : i32
      %get3A_421 = arith.index_cast %add3A_420 : i32 to index
      %get3A_422 = tpu.vector_load %arg16[%get3A_421] {strides = array<i32>} : memref<28672xf32, #tpu.memory_space<vmem>>, vector<16xf32>,
      %add3A_423 = arith.constant 16384 : i32
      %add3A_424 = vector.broadcast %add3A_423 : i32 to vector<16xi32>
      %add3A_425 = arith.addi %add3A_424, %get3A_375 : vector<16xi32>
      tpu.vector_store_idx %arg17[%add3A_425], %get3A_422 masked %lt3A_380 : memref<28672xf32, #tpu.memory_space<vmem>>[vector<16xi32>], vector<16xf32>, vector<16xi1>
      %mul3A_426 = arith.constant 16 : i32
      %mul3A_427 = arith.muli %while3A_372, %mul3A_426 : i32
      %add3A_428 = arith.constant 20480 : i32
      %add3A_429 = arith.addi %add3A_428, %mul3A_427 : i32
      %get3A_430 = arith.index_cast %add3A_429 : i32 to index
      %get3A_431 = tpu.vector_load %arg16[%get3A_430] {strides = array<i32>} : memref<28672xf32, #tpu.memory_space<vmem>>, vector<16xf32>,
      %add3A_432 = arith.constant 20480 : i32
      %add3A_433 = vector.broadcast %add3A_432 : i32 to vector<16xi32>
      %add3A_434 = arith.addi %add3A_433, %get3A_375 : vector<16xi32>
      tpu.vector_store_idx %arg17[%add3A_434], %get3A_431 masked %lt3A_380 : memref<28672xf32, #tpu.memory_space<vmem>>[vector<16xi32>], vector<16xf32>, vector<16xi1>
      %mul3A_435 = arith.constant 16 : i32
      %mul3A_436 = arith.muli %while3A_372, %mul3A_435 : i32
      %add3A_437 = arith.constant 24576 : i32
      %add3A_438 = arith.addi %add3A_437, %mul3A_436 : i32
      %get3A_439 = arith.index_cast %add3A_438 : i32 to index
      %get3A_440 = tpu.vector_load %arg16[%get3A_439] {strides = array<i32>} : memref<28672xf32, #tpu.memory_space<vmem>>, vector<16xf32>,
      %add3A_441 = arith.constant 24576 : i32
      %add3A_442 = vector.broadcast %add3A_441 : i32 to vector<16xi32>
      %add3A_443 = arith.addi %add3A_442, %get3A_375 : vector<16xi32>
      tpu.vector_store_idx %arg17[%add3A_443], %get3A_440 masked %lt3A_380 : memref<28672xf32, #tpu.memory_space<vmem>>[vector<16xi32>], vector<16xf32>, vector<16xi1>
    }
    %while3A_357 = arith.constant 1 : i32
    scf.for %while3A_372 = %while3A_355 to %while3A_351 step %while3A_357  : i32 {
      %mul3A_373 = arith.constant 16 : i32
      %mul3A_374 = arith.muli %while3A_372, %mul3A_373 : i32
      %get3A = arith.index_cast %mul3A_374 : i32 to index
      %get3A_375 = tpu.vector_load %arg14[%get3A] {strides = array<i32>} : memref<4224xi32, #tpu.memory_space<vmem>>, vector<16xi32>,
      %mul3A_376 = arith.constant 16 : i32
      %mul3A_377 = arith.muli %while3A_372, %mul3A_376 : i32
      %add3A_378 = vector.broadcast %mul3A_377 : i32 to vector<16xi32>
      %add3A_379 = arith.addi %add3A_378, %iota3A : vector<16xi32>
      %lt3A = vector.broadcast %scan3A_188 : i32 to vector<16xi32>
      %lt3A_380 = arith.cmpi slt, %add3A_379, %lt3A : vector<16xi32>
      %mul3A_381 = arith.constant 16 : i32
      %mul3A_382 = arith.muli %while3A_372, %mul3A_381 : i32
      %add3A_383 = arith.constant 0 : i32
      %add3A_384 = arith.addi %add3A_383, %mul3A_382 : i32
      %get3A_385 = arith.index_cast %add3A_384 : i32 to index
      %get3A_386 = tpu.vector_load %arg16[%get3A_385] {strides = array<i32>} : memref<28672xf32, #tpu.memory_space<vmem>>, vector<16xf32>,
      %add3A_387 = arith.constant 0 : i32
      %add3A_388 = vector.broadcast %add3A_387 : i32 to vector<16xi32>
      %add3A_389 = arith.addi %add3A_388, %get3A_375 : vector<16xi32>
      tpu.vector_store_idx %arg17[%add3A_389], %get3A_386 masked %lt3A_380 : memref<28672xf32, #tpu.memory_space<vmem>>[vector<16xi32>], vector<16xf32>, vector<16xi1>
      %mul3A_390 = arith.constant 16 : i32
      %mul3A_391 = arith.muli %while3A_372, %mul3A_390 : i32
      %add3A_392 = arith.constant 4096 : i32
      %add3A_393 = arith.addi %add3A_392, %mul3A_391 : i32
      %get3A_394 = arith.index_cast %add3A_393 : i32 to index
      %get3A_395 = tpu.vector_load %arg16[%get3A_394] {strides = array<i32>} : memref<28672xf32, #tpu.memory_space<vmem>>, vector<16xf32>,
      %add3A_396 = arith.constant 4096 : i32
      %add3A_397 = vector.broadcast %add3A_396 : i32 to vector<16xi32>
      %add3A_398 = arith.addi %add3A_397, %get3A_375 : vector<16xi32>
      tpu.vector_store_idx %arg17[%add3A_398], %get3A_395 masked %lt3A_380 : memref<28672xf32, #tpu.memory_space<vmem>>[vector<16xi32>], vector<16xf32>, vector<16xi1>
      %mul3A_399 = arith.constant 16 : i32
      %mul3A_400 = arith.muli %while3A_372, %mul3A_399 : i32
      %add3A_401 = arith.constant 8192 : i32
      %add3A_402 = arith.addi %add3A_401, %mul3A_400 : i32
      %get3A_403 = arith.index_cast %add3A_402 : i32 to index
      %get3A_404 = tpu.vector_load %arg16[%get3A_403] {strides = array<i32>} : memref<28672xf32, #tpu.memory_space<vmem>>, vector<16xf32>,
      %add3A_405 = arith.constant 8192 : i32
      %add3A_406 = vector.broadcast %add3A_405 : i32 to vector<16xi32>
      %add3A_407 = arith.addi %add3A_406, %get3A_375 : vector<16xi32>
      tpu.vector_store_idx %arg17[%add3A_407], %get3A_404 masked %lt3A_380 : memref<28672xf32, #tpu.memory_space<vmem>>[vector<16xi32>], vector<16xf32>, vector<16xi1>
      %mul3A_408 = arith.constant 16 : i32
      %mul3A_409 = arith.muli %while3A_372, %mul3A_408 : i32
      %add3A_410 = arith.constant 12288 : i32
      %add3A_411 = arith.addi %add3A_410, %mul3A_409 : i32
      %get3A_412 = arith.index_cast %add3A_411 : i32 to index
      %get3A_413 = tpu.vector_load %arg16[%get3A_412] {strides = array<i32>} : memref<28672xf32, #tpu.memory_space<vmem>>, vector<16xf32>,
      %add3A_414 = arith.constant 12288 : i32
      %add3A_415 = vector.broadcast %add3A_414 : i32 to vector<16xi32>
      %add3A_416 = arith.addi %add3A_415, %get3A_375 : vector<16xi32>
      tpu.vector_store_idx %arg17[%add3A_416], %get3A_413 masked %lt3A_380 : memref<28672xf32, #tpu.memory_space<vmem>>[vector<16xi32>], vector<16xf32>, vector<16xi1>
      %mul3A_417 = arith.constant 16 : i32
      %mul3A_418 = arith.muli %while3A_372, %mul3A_417 : i32
      %add3A_419 = arith.constant 16384 : i32
      %add3A_420 = arith.addi %add3A_419, %mul3A_418 : i32
      %get3A_421 = arith.index_cast %add3A_420 : i32 to index
      %get3A_422 = tpu.vector_load %arg16[%get3A_421] {strides = array<i32>} : memref<28672xf32, #tpu.memory_space<vmem>>, vector<16xf32>,
      %add3A_423 = arith.constant 16384 : i32
      %add3A_424 = vector.broadcast %add3A_423 : i32 to vector<16xi32>
      %add3A_425 = arith.addi %add3A_424, %get3A_375 : vector<16xi32>
      tpu.vector_store_idx %arg17[%add3A_425], %get3A_422 masked %lt3A_380 : memref<28672xf32, #tpu.memory_space<vmem>>[vector<16xi32>], vector<16xf32>, vector<16xi1>
      %mul3A_426 = arith.constant 16 : i32
      %mul3A_427 = arith.muli %while3A_372, %mul3A_426 : i32
      %add3A_428 = arith.constant 20480 : i32
      %add3A_429 = arith.addi %add3A_428, %mul3A_427 : i32
      %get3A_430 = arith.index_cast %add3A_429 : i32 to index
      %get3A_431 = tpu.vector_load %arg16[%get3A_430] {strides = array<i32>} : memref<28672xf32, #tpu.memory_space<vmem>>, vector<16xf32>,
      %add3A_432 = arith.constant 20480 : i32
      %add3A_433 = vector.broadcast %add3A_432 : i32 to vector<16xi32>
      %add3A_434 = arith.addi %add3A_433, %get3A_375 : vector<16xi32>
      tpu.vector_store_idx %arg17[%add3A_434], %get3A_431 masked %lt3A_380 : memref<28672xf32, #tpu.memory_space<vmem>>[vector<16xi32>], vector<16xf32>, vector<16xi1>
      %mul3A_435 = arith.constant 16 : i32
      %mul3A_436 = arith.muli %while3A_372, %mul3A_435 : i32
      %add3A_437 = arith.constant 24576 : i32
      %add3A_438 = arith.addi %add3A_437, %mul3A_436 : i32
      %get3A_439 = arith.index_cast %add3A_438 : i32 to index
      %get3A_440 = tpu.vector_load %arg16[%get3A_439] {strides = array<i32>} : memref<28672xf32, #tpu.memory_space<vmem>>, vector<16xf32>,
      %add3A_441 = arith.constant 24576 : i32
      %add3A_442 = vector.broadcast %add3A_441 : i32 to vector<16xi32>
      %add3A_443 = arith.addi %add3A_442, %get3A_375 : vector<16xi32>
      tpu.vector_store_idx %arg17[%add3A_443], %get3A_440 masked %lt3A_380 : memref<28672xf32, #tpu.memory_space<vmem>>[vector<16xi32>], vector<16xf32>, vector<16xi1>
    }
    %add3A_358 = arith.constant 0 : i32
    %add3A_359 = arith.addi %add3A_358, %mul3A_2 : i32
    "tpu.region"() ({
      %run_scoped3A = tpu.sem_alloc : memref<!tpu.dma_semaphore, #tpu.memory_space<semaphore_mem>>
      %dma_start3A_372 = arith.constant 0 : i32
      %dma_start3A_373 = tpu.memref_slice %arg17[%dma_start3A_372] : memref<28672xf32, #tpu.memory_space<vmem>> -> memref<4096xf32, #tpu.memory_space<vmem>>
      %dma_start3A_374 = tpu.memref_slice %arg11[%add3A_359] : memref<917504xf32, #tpu.memory_space<hbm>> -> memref<4096xf32, #tpu.memory_space<hbm>>
      %dma_start3A_375 = tpu.memref_slice %arg11[%add3A_359] : memref<917504xf32, #tpu.memory_space<hbm>> -> memref<4096xf32, #tpu.memory_space<hbm>>
      %dma_start3A_376 = arith.constant 0 : i32
      %dma_start3A_377 = tpu.memref_slice %arg17[%dma_start3A_376] : memref<28672xf32, #tpu.memory_space<vmem>> -> memref<4096xf32, #tpu.memory_space<vmem>>
      tpu.enqueue_dma source(%dma_start3A_377 : memref<4096xf32, #tpu.memory_space<vmem>>) target(%dma_start3A_375 : memref<4096xf32, #tpu.memory_space<hbm>>) target_semaphore(%run_scoped3A : memref<!tpu.dma_semaphore, #tpu.memory_space<semaphore_mem>>)
      %dma_wait3A_378 = arith.constant 0 : i32
      %dma_wait3A_379 = tpu.memref_slice %arg17[%dma_wait3A_378] : memref<28672xf32, #tpu.memory_space<vmem>> -> memref<4096xf32, #tpu.memory_space<vmem>>
      %dma_wait3A_380 = tpu.memref_slice %arg11[%add3A_359] : memref<917504xf32, #tpu.memory_space<hbm>> -> memref<4096xf32, #tpu.memory_space<hbm>>
      %dma_wait3A_381 = tpu.memref_slice %arg11[%add3A_359] : memref<917504xf32, #tpu.memory_space<hbm>> -> memref<4096xf32, #tpu.memory_space<hbm>>
      %dma_wait3A_382 = arith.constant 0 : i32
      %dma_wait3A_383 = tpu.memref_slice %arg17[%dma_wait3A_382] : memref<28672xf32, #tpu.memory_space<vmem>> -> memref<4096xf32, #tpu.memory_space<vmem>>
      tpu.wait_dma2 semaphore(%run_scoped3A : memref<!tpu.dma_semaphore, #tpu.memory_space<semaphore_mem>>) src(%dma_wait3A_383 : memref<4096xf32, #tpu.memory_space<vmem>>) dst(%dma_wait3A_381 : memref<4096xf32, #tpu.memory_space<hbm>>)
      tpu.yield
    }) : () -> ()
    %add3A_360 = arith.constant 131072 : i32
    %add3A_361 = arith.addi %add3A_360, %mul3A_2 : i32
    "tpu.region"() ({
      %run_scoped3A = tpu.sem_alloc : memref<!tpu.dma_semaphore, #tpu.memory_space<semaphore_mem>>
      %dma_start3A_372 = arith.constant 4096 : i32
      %dma_start3A_373 = tpu.memref_slice %arg17[%dma_start3A_372] : memref<28672xf32, #tpu.memory_space<vmem>> -> memref<4096xf32, #tpu.memory_space<vmem>>
      %dma_start3A_374 = tpu.memref_slice %arg11[%add3A_361] : memref<917504xf32, #tpu.memory_space<hbm>> -> memref<4096xf32, #tpu.memory_space<hbm>>
      %dma_start3A_375 = tpu.memref_slice %arg11[%add3A_361] : memref<917504xf32, #tpu.memory_space<hbm>> -> memref<4096xf32, #tpu.memory_space<hbm>>
      %dma_start3A_376 = arith.constant 4096 : i32
      %dma_start3A_377 = tpu.memref_slice %arg17[%dma_start3A_376] : memref<28672xf32, #tpu.memory_space<vmem>> -> memref<4096xf32, #tpu.memory_space<vmem>>
      tpu.enqueue_dma source(%dma_start3A_377 : memref<4096xf32, #tpu.memory_space<vmem>>) target(%dma_start3A_375 : memref<4096xf32, #tpu.memory_space<hbm>>) target_semaphore(%run_scoped3A : memref<!tpu.dma_semaphore, #tpu.memory_space<semaphore_mem>>)
      %dma_wait3A_378 = arith.constant 4096 : i32
      %dma_wait3A_379 = tpu.memref_slice %arg17[%dma_wait3A_378] : memref<28672xf32, #tpu.memory_space<vmem>> -> memref<4096xf32, #tpu.memory_space<vmem>>
      %dma_wait3A_380 = tpu.memref_slice %arg11[%add3A_361] : memref<917504xf32, #tpu.memory_space<hbm>> -> memref<4096xf32, #tpu.memory_space<hbm>>
      %dma_wait3A_381 = tpu.memref_slice %arg11[%add3A_361] : memref<917504xf32, #tpu.memory_space<hbm>> -> memref<4096xf32, #tpu.memory_space<hbm>>
      %dma_wait3A_382 = arith.constant 4096 : i32
      %dma_wait3A_383 = tpu.memref_slice %arg17[%dma_wait3A_382] : memref<28672xf32, #tpu.memory_space<vmem>> -> memref<4096xf32, #tpu.memory_space<vmem>>
      tpu.wait_dma2 semaphore(%run_scoped3A : memref<!tpu.dma_semaphore, #tpu.memory_space<semaphore_mem>>) src(%dma_wait3A_383 : memref<4096xf32, #tpu.memory_space<vmem>>) dst(%dma_wait3A_381 : memref<4096xf32, #tpu.memory_space<hbm>>)
      tpu.yield
    }) : () -> ()
    %add3A_362 = arith.constant 262144 : i32
    %add3A_363 = arith.addi %add3A_362, %mul3A_2 : i32
    "tpu.region"() ({
      %run_scoped3A = tpu.sem_alloc : memref<!tpu.dma_semaphore, #tpu.memory_space<semaphore_mem>>
      %dma_start3A_372 = arith.constant 8192 : i32
      %dma_start3A_373 = tpu.memref_slice %arg17[%dma_start3A_372] : memref<28672xf32, #tpu.memory_space<vmem>> -> memref<4096xf32, #tpu.memory_space<vmem>>
      %dma_start3A_374 = tpu.memref_slice %arg11[%add3A_363] : memref<917504xf32, #tpu.memory_space<hbm>> -> memref<4096xf32, #tpu.memory_space<hbm>>
      %dma_start3A_375 = tpu.memref_slice %arg11[%add3A_363] : memref<917504xf32, #tpu.memory_space<hbm>> -> memref<4096xf32, #tpu.memory_space<hbm>>
      %dma_start3A_376 = arith.constant 8192 : i32
      %dma_start3A_377 = tpu.memref_slice %arg17[%dma_start3A_376] : memref<28672xf32, #tpu.memory_space<vmem>> -> memref<4096xf32, #tpu.memory_space<vmem>>
      tpu.enqueue_dma source(%dma_start3A_377 : memref<4096xf32, #tpu.memory_space<vmem>>) target(%dma_start3A_375 : memref<4096xf32, #tpu.memory_space<hbm>>) target_semaphore(%run_scoped3A : memref<!tpu.dma_semaphore, #tpu.memory_space<semaphore_mem>>)
      %dma_wait3A_378 = arith.constant 8192 : i32
      %dma_wait3A_379 = tpu.memref_slice %arg17[%dma_wait3A_378] : memref<28672xf32, #tpu.memory_space<vmem>> -> memref<4096xf32, #tpu.memory_space<vmem>>
      %dma_wait3A_380 = tpu.memref_slice %arg11[%add3A_363] : memref<917504xf32, #tpu.memory_space<hbm>> -> memref<4096xf32, #tpu.memory_space<hbm>>
      %dma_wait3A_381 = tpu.memref_slice %arg11[%add3A_363] : memref<917504xf32, #tpu.memory_space<hbm>> -> memref<4096xf32, #tpu.memory_space<hbm>>
      %dma_wait3A_382 = arith.constant 8192 : i32
      %dma_wait3A_383 = tpu.memref_slice %arg17[%dma_wait3A_382] : memref<28672xf32, #tpu.memory_space<vmem>> -> memref<4096xf32, #tpu.memory_space<vmem>>
      tpu.wait_dma2 semaphore(%run_scoped3A : memref<!tpu.dma_semaphore, #tpu.memory_space<semaphore_mem>>) src(%dma_wait3A_383 : memref<4096xf32, #tpu.memory_space<vmem>>) dst(%dma_wait3A_381 : memref<4096xf32, #tpu.memory_space<hbm>>)
      tpu.yield
    }) : () -> ()
    %add3A_364 = arith.constant 393216 : i32
    %add3A_365 = arith.addi %add3A_364, %mul3A_2 : i32
    "tpu.region"() ({
      %run_scoped3A = tpu.sem_alloc : memref<!tpu.dma_semaphore, #tpu.memory_space<semaphore_mem>>
      %dma_start3A_372 = arith.constant 12288 : i32
      %dma_start3A_373 = tpu.memref_slice %arg17[%dma_start3A_372] : memref<28672xf32, #tpu.memory_space<vmem>> -> memref<4096xf32, #tpu.memory_space<vmem>>
      %dma_start3A_374 = tpu.memref_slice %arg11[%add3A_365] : memref<917504xf32, #tpu.memory_space<hbm>> -> memref<4096xf32, #tpu.memory_space<hbm>>
      %dma_start3A_375 = tpu.memref_slice %arg11[%add3A_365] : memref<917504xf32, #tpu.memory_space<hbm>> -> memref<4096xf32, #tpu.memory_space<hbm>>
      %dma_start3A_376 = arith.constant 12288 : i32
      %dma_start3A_377 = tpu.memref_slice %arg17[%dma_start3A_376] : memref<28672xf32, #tpu.memory_space<vmem>> -> memref<4096xf32, #tpu.memory_space<vmem>>
      tpu.enqueue_dma source(%dma_start3A_377 : memref<4096xf32, #tpu.memory_space<vmem>>) target(%dma_start3A_375 : memref<4096xf32, #tpu.memory_space<hbm>>) target_semaphore(%run_scoped3A : memref<!tpu.dma_semaphore, #tpu.memory_space<semaphore_mem>>)
      %dma_wait3A_378 = arith.constant 12288 : i32
      %dma_wait3A_379 = tpu.memref_slice %arg17[%dma_wait3A_378] : memref<28672xf32, #tpu.memory_space<vmem>> -> memref<4096xf32, #tpu.memory_space<vmem>>
      %dma_wait3A_380 = tpu.memref_slice %arg11[%add3A_365] : memref<917504xf32, #tpu.memory_space<hbm>> -> memref<4096xf32, #tpu.memory_space<hbm>>
      %dma_wait3A_381 = tpu.memref_slice %arg11[%add3A_365] : memref<917504xf32, #tpu.memory_space<hbm>> -> memref<4096xf32, #tpu.memory_space<hbm>>
      %dma_wait3A_382 = arith.constant 12288 : i32
      %dma_wait3A_383 = tpu.memref_slice %arg17[%dma_wait3A_382] : memref<28672xf32, #tpu.memory_space<vmem>> -> memref<4096xf32, #tpu.memory_space<vmem>>
      tpu.wait_dma2 semaphore(%run_scoped3A : memref<!tpu.dma_semaphore, #tpu.memory_space<semaphore_mem>>) src(%dma_wait3A_383 : memref<4096xf32, #tpu.memory_space<vmem>>) dst(%dma_wait3A_381 : memref<4096xf32, #tpu.memory_space<hbm>>)
      tpu.yield
    }) : () -> ()
    %add3A_366 = arith.constant 524288 : i32
    %add3A_367 = arith.addi %add3A_366, %mul3A_2 : i32
    "tpu.region"() ({
      %run_scoped3A = tpu.sem_alloc : memref<!tpu.dma_semaphore, #tpu.memory_space<semaphore_mem>>
      %dma_start3A_372 = arith.constant 16384 : i32
      %dma_start3A_373 = tpu.memref_slice %arg17[%dma_start3A_372] : memref<28672xf32, #tpu.memory_space<vmem>> -> memref<4096xf32, #tpu.memory_space<vmem>>
      %dma_start3A_374 = tpu.memref_slice %arg11[%add3A_367] : memref<917504xf32, #tpu.memory_space<hbm>> -> memref<4096xf32, #tpu.memory_space<hbm>>
      %dma_start3A_375 = tpu.memref_slice %arg11[%add3A_367] : memref<917504xf32, #tpu.memory_space<hbm>> -> memref<4096xf32, #tpu.memory_space<hbm>>
      %dma_start3A_376 = arith.constant 16384 : i32
      %dma_start3A_377 = tpu.memref_slice %arg17[%dma_start3A_376] : memref<28672xf32, #tpu.memory_space<vmem>> -> memref<4096xf32, #tpu.memory_space<vmem>>
      tpu.enqueue_dma source(%dma_start3A_377 : memref<4096xf32, #tpu.memory_space<vmem>>) target(%dma_start3A_375 : memref<4096xf32, #tpu.memory_space<hbm>>) target_semaphore(%run_scoped3A : memref<!tpu.dma_semaphore, #tpu.memory_space<semaphore_mem>>)
      %dma_wait3A_378 = arith.constant 16384 : i32
      %dma_wait3A_379 = tpu.memref_slice %arg17[%dma_wait3A_378] : memref<28672xf32, #tpu.memory_space<vmem>> -> memref<4096xf32, #tpu.memory_space<vmem>>
      %dma_wait3A_380 = tpu.memref_slice %arg11[%add3A_367] : memref<917504xf32, #tpu.memory_space<hbm>> -> memref<4096xf32, #tpu.memory_space<hbm>>
      %dma_wait3A_381 = tpu.memref_slice %arg11[%add3A_367] : memref<917504xf32, #tpu.memory_space<hbm>> -> memref<4096xf32, #tpu.memory_space<hbm>>
      %dma_wait3A_382 = arith.constant 16384 : i32
      %dma_wait3A_383 = tpu.memref_slice %arg17[%dma_wait3A_382] : memref<28672xf32, #tpu.memory_space<vmem>> -> memref<4096xf32, #tpu.memory_space<vmem>>
      tpu.wait_dma2 semaphore(%run_scoped3A : memref<!tpu.dma_semaphore, #tpu.memory_space<semaphore_mem>>) src(%dma_wait3A_383 : memref<4096xf32, #tpu.memory_space<vmem>>) dst(%dma_wait3A_381 : memref<4096xf32, #tpu.memory_space<hbm>>)
      tpu.yield
    }) : () -> ()
    %add3A_368 = arith.constant 655360 : i32
    %add3A_369 = arith.addi %add3A_368, %mul3A_2 : i32
    "tpu.region"() ({
      %run_scoped3A = tpu.sem_alloc : memref<!tpu.dma_semaphore, #tpu.memory_space<semaphore_mem>>
      %dma_start3A_372 = arith.constant 20480 : i32
      %dma_start3A_373 = tpu.memref_slice %arg17[%dma_start3A_372] : memref<28672xf32, #tpu.memory_space<vmem>> -> memref<4096xf32, #tpu.memory_space<vmem>>
      %dma_start3A_374 = tpu.memref_slice %arg11[%add3A_369] : memref<917504xf32, #tpu.memory_space<hbm>> -> memref<4096xf32, #tpu.memory_space<hbm>>
      %dma_start3A_375 = tpu.memref_slice %arg11[%add3A_369] : memref<917504xf32, #tpu.memory_space<hbm>> -> memref<4096xf32, #tpu.memory_space<hbm>>
      %dma_start3A_376 = arith.constant 20480 : i32
      %dma_start3A_377 = tpu.memref_slice %arg17[%dma_start3A_376] : memref<28672xf32, #tpu.memory_space<vmem>> -> memref<4096xf32, #tpu.memory_space<vmem>>
      tpu.enqueue_dma source(%dma_start3A_377 : memref<4096xf32, #tpu.memory_space<vmem>>) target(%dma_start3A_375 : memref<4096xf32, #tpu.memory_space<hbm>>) target_semaphore(%run_scoped3A : memref<!tpu.dma_semaphore, #tpu.memory_space<semaphore_mem>>)
      %dma_wait3A_378 = arith.constant 20480 : i32
      %dma_wait3A_379 = tpu.memref_slice %arg17[%dma_wait3A_378] : memref<28672xf32, #tpu.memory_space<vmem>> -> memref<4096xf32, #tpu.memory_space<vmem>>
      %dma_wait3A_380 = tpu.memref_slice %arg11[%add3A_369] : memref<917504xf32, #tpu.memory_space<hbm>> -> memref<4096xf32, #tpu.memory_space<hbm>>
      %dma_wait3A_381 = tpu.memref_slice %arg11[%add3A_369] : memref<917504xf32, #tpu.memory_space<hbm>> -> memref<4096xf32, #tpu.memory_space<hbm>>
      %dma_wait3A_382 = arith.constant 20480 : i32
      %dma_wait3A_383 = tpu.memref_slice %arg17[%dma_wait3A_382] : memref<28672xf32, #tpu.memory_space<vmem>> -> memref<4096xf32, #tpu.memory_space<vmem>>
      tpu.wait_dma2 semaphore(%run_scoped3A : memref<!tpu.dma_semaphore, #tpu.memory_space<semaphore_mem>>) src(%dma_wait3A_383 : memref<4096xf32, #tpu.memory_space<vmem>>) dst(%dma_wait3A_381 : memref<4096xf32, #tpu.memory_space<hbm>>)
      tpu.yield
    }) : () -> ()
    %add3A_370 = arith.constant 786432 : i32
    %add3A_371 = arith.addi %add3A_370, %mul3A_2 : i32
    "tpu.region"() ({
      %run_scoped3A = tpu.sem_alloc : memref<!tpu.dma_semaphore, #tpu.memory_space<semaphore_mem>>
      %dma_start3A_372 = arith.constant 24576 : i32
      %dma_start3A_373 = tpu.memref_slice %arg17[%dma_start3A_372] : memref<28672xf32, #tpu.memory_space<vmem>> -> memref<4096xf32, #tpu.memory_space<vmem>>
      %dma_start3A_374 = tpu.memref_slice %arg11[%add3A_371] : memref<917504xf32, #tpu.memory_space<hbm>> -> memref<4096xf32, #tpu.memory_space<hbm>>
      %dma_start3A_375 = tpu.memref_slice %arg11[%add3A_371] : memref<917504xf32, #tpu.memory_space<hbm>> -> memref<4096xf32, #tpu.memory_space<hbm>>
      %dma_start3A_376 = arith.constant 24576 : i32
      %dma_start3A_377 = tpu.memref_slice %arg17[%dma_start3A_376] : memref<28672xf32, #tpu.memory_space<vmem>> -> memref<4096xf32, #tpu.memory_space<vmem>>
      tpu.enqueue_dma source(%dma_start3A_377 : memref<4096xf32, #tpu.memory_space<vmem>>) target(%dma_start3A_375 : memref<4096xf32, #tpu.memory_space<hbm>>) target_semaphore(%run_scoped3A : memref<!tpu.dma_semaphore, #tpu.memory_space<semaphore_mem>>)
      %dma_wait3A_378 = arith.constant 24576 : i32
      %dma_wait3A_379 = tpu.memref_slice %arg17[%dma_wait3A_378] : memref<28672xf32, #tpu.memory_space<vmem>> -> memref<4096xf32, #tpu.memory_space<vmem>>
      %dma_wait3A_380 = tpu.memref_slice %arg11[%add3A_371] : memref<917504xf32, #tpu.memory_space<hbm>> -> memref<4096xf32, #tpu.memory_space<hbm>>
      %dma_wait3A_381 = tpu.memref_slice %arg11[%add3A_371] : memref<917504xf32, #tpu.memory_space<hbm>> -> memref<4096xf32, #tpu.memory_space<hbm>>
      %dma_wait3A_382 = arith.constant 24576 : i32
      %dma_wait3A_383 = tpu.memref_slice %arg17[%dma_wait3A_382] : memref<28672xf32, #tpu.memory_space<vmem>> -> memref<4096xf32, #tpu.memory_space<vmem>>
      tpu.wait_dma2 semaphore(%run_scoped3A : memref<!tpu.dma_semaphore, #tpu.memory_space<semaphore_mem>>) src(%dma_wait3A_383 : memref<4096xf32, #tpu.memory_space<vmem>>) dst(%dma_wait3A_381 : memref<4096xf32, #tpu.memory_space<hbm>>)
      tpu.yield
    }) : () -> ()
    return
  }
}

module attributes {stable_mosaic.version = 14 : i64} {
  func.func @_point_math_kernel(%arg0: i32, %arg1: memref<5x4096xf32, #tpu.memory_space<vmem>>, %arg2: memref<1x4096xf32, #tpu.memory_space<vmem>>, %arg3: memref<1x4096xf32, #tpu.memory_space<vmem>>, %arg4: memref<1x4096xf32, #tpu.memory_space<vmem>>, %arg5: memref<1x4096xf32, #tpu.memory_space<vmem>>, %arg6: memref<1x4096xf32, #tpu.memory_space<vmem>>, %arg7: memref<1x4096xf32, #tpu.memory_space<vmem>>, %arg8: memref<1x4096xf32, #tpu.memory_space<vmem>>, %arg9: memref<2x4096xf32, #tpu.memory_space<vmem>>, %arg10: memref<1x4096xi32, #tpu.memory_space<vmem>>) attributes {dimension_semantics = [#tpu.dimension_semantics<arbitrary>], iteration_bounds = array<i64: 50>, scalar_prefetch = 0 : i64, scratch_operands = 0 : i64, tpu.core_type = #tpu.core_type<tc>, window_params = [{transform_indices = @transform_0, window_bounds = array<i64: 5, 4096>}, {transform_indices = @transform_1, window_bounds = array<i64: 1, 4096>}, {transform_indices = @transform_2, window_bounds = array<i64: 1, 4096>}, {transform_indices = @transform_3, window_bounds = array<i64: 1, 4096>}, {transform_indices = @transform_4, window_bounds = array<i64: 1, 4096>}, {transform_indices = @transform_5, window_bounds = array<i64: 1, 4096>}, {transform_indices = @transform_6, window_bounds = array<i64: 1, 4096>}, {transform_indices = @transform_7, window_bounds = array<i64: 1, 4096>}, {transform_indices = @transform_8, window_bounds = array<i64: 2, 4096>}, {transform_indices = @transform_9, window_bounds = array<i64: 1, 4096>}]} {
    %get3A = arith.constant 1 : index
    %get3A_0 = arith.constant 0 : index
    %get3A_1 = vector.load %arg1[%get3A, %get3A_0] : memref<5x4096xf32, #tpu.memory_space<vmem>>, vector<1x4096xf32>
    %get3A_2 = arith.constant 2 : index
    %get3A_3 = arith.constant 0 : index
    %get3A_4 = vector.load %arg1[%get3A_2, %get3A_3] : memref<5x4096xf32, #tpu.memory_space<vmem>>, vector<1x4096xf32>
    %get3A_5 = arith.constant 3 : index
    %get3A_6 = arith.constant 0 : index
    %get3A_7 = vector.load %arg1[%get3A_5, %get3A_6] : memref<5x4096xf32, #tpu.memory_space<vmem>>, vector<1x4096xf32>
    %get3A_8 = arith.constant 4 : index
    %get3A_9 = arith.constant 0 : index
    %get3A_10 = vector.load %arg1[%get3A_8, %get3A_9] : memref<5x4096xf32, #tpu.memory_space<vmem>>, vector<1x4096xf32>
    %mul3A = arith.mulf %get3A_1, %get3A_1 : vector<1x4096xf32>
    %mul3A_11 = arith.mulf %get3A_4, %get3A_4 : vector<1x4096xf32>
    %add3A = arith.addf %mul3A, %mul3A_11 : vector<1x4096xf32>
    %mul3A_12 = arith.mulf %get3A_7, %get3A_7 : vector<1x4096xf32>
    %add3A_13 = arith.addf %add3A, %mul3A_12 : vector<1x4096xf32>
    %sqrt3A = math.sqrt %add3A_13 : vector<1x4096xf32>
    %atan23A = math.atan2 %get3A_4, %get3A_1 : vector<1x4096xf32>
    %neg3A = arith.constant 0.000000e+00 : f32
    %neg3A_14 = vector.broadcast %neg3A : f32 to vector<1x4096xf32>
    %neg3A_15 = arith.subf %neg3A_14, %atan23A : vector<1x4096xf32>
    %max3A = arith.constant 9.99999974E-6 : f32
    %max3A_16 = vector.broadcast %max3A : f32 to vector<1x4096xf32>
    %max3A_17 = arith.maximumf %sqrt3A, %max3A_16 : vector<1x4096xf32>
    %div3A = arith.divf %get3A_7, %max3A_17 : vector<1x4096xf32>
    %mul3A_18 = arith.mulf %div3A, %div3A : vector<1x4096xf32>
    %sub3A = arith.constant 1.000000e+00 : f32
    %sub3A_19 = vector.broadcast %sub3A : f32 to vector<1x4096xf32>
    %sub3A_20 = arith.subf %sub3A_19, %mul3A_18 : vector<1x4096xf32>
    %sqrt3A_21 = math.sqrt %sub3A_20 : vector<1x4096xf32>
    %add3A_22 = arith.constant 1.000000e+00 : f32
    %add3A_23 = vector.broadcast %add3A_22 : f32 to vector<1x4096xf32>
    %add3A_24 = arith.addf %add3A_23, %sqrt3A_21 : vector<1x4096xf32>
    %atan23A_25 = math.atan2 %div3A, %add3A_24 : vector<1x4096xf32>
    %mul3A_26 = arith.constant 2.000000e+00 : f32
    %mul3A_27 = vector.broadcast %mul3A_26 : f32 to vector<1x4096xf32>
    %mul3A_28 = arith.mulf %mul3A_27, %atan23A_25 : vector<1x4096xf32>
    %neg3A_29 = arith.constant 0.000000e+00 : f32
    %neg3A_30 = vector.broadcast %neg3A_29 : f32 to vector<1x4096xf32>
    %neg3A_31 = arith.subf %neg3A_30, %mul3A_28 : vector<1x4096xf32>
    %sub3A_32 = arith.constant -3.14159274 : f32
    %sub3A_33 = vector.broadcast %sub3A_32 : f32 to vector<1x4096xf32>
    %sub3A_34 = arith.subf %neg3A_15, %sub3A_33 : vector<1x4096xf32>
    %div3A_35 = arith.constant 6.28318548 : f32
    %div3A_36 = vector.broadcast %div3A_35 : f32 to vector<1x4096xf32>
    %div3A_37 = arith.divf %sub3A_34, %div3A_36 : vector<1x4096xf32>
    %sub3A_38 = arith.constant -0.436332315 : f32
    %sub3A_39 = vector.broadcast %sub3A_38 : f32 to vector<1x4096xf32>
    %sub3A_40 = arith.subf %neg3A_31, %sub3A_39 : vector<1x4096xf32>
    %div3A_41 = arith.constant 0.488692194 : f32
    %div3A_42 = vector.broadcast %div3A_41 : f32 to vector<1x4096xf32>
    %div3A_43 = arith.divf %sub3A_40, %div3A_42 : vector<1x4096xf32>
    %ge3A = arith.constant 0.000000e+00 : f32
    %ge3A_44 = vector.broadcast %ge3A : f32 to vector<1x4096xf32>
    %ge3A_45 = arith.cmpf oge, %div3A_37, %ge3A_44 : vector<1x4096xf32>
    %lt3A = arith.constant 1.000000e+00 : f32
    %lt3A_46 = vector.broadcast %lt3A : f32 to vector<1x4096xf32>
    %lt3A_47 = arith.cmpf olt, %div3A_37, %lt3A_46 : vector<1x4096xf32>
    %and3A = arith.andi %ge3A_45, %lt3A_47 : vector<1x4096xi1>
    %ge3A_48 = arith.constant 0.000000e+00 : f32
    %ge3A_49 = vector.broadcast %ge3A_48 : f32 to vector<1x4096xf32>
    %ge3A_50 = arith.cmpf oge, %div3A_43, %ge3A_49 : vector<1x4096xf32>
    %and3A_51 = arith.andi %and3A, %ge3A_50 : vector<1x4096xi1>
    %lt3A_52 = arith.constant 1.000000e+00 : f32
    %lt3A_53 = vector.broadcast %lt3A_52 : f32 to vector<1x4096xf32>
    %lt3A_54 = arith.cmpf olt, %div3A_43, %lt3A_53 : vector<1x4096xf32>
    %and3A_55 = arith.andi %and3A_51, %lt3A_54 : vector<1x4096xi1>
    %mul3A_56 = arith.constant 2.048000e+03 : f32
    %mul3A_57 = vector.broadcast %mul3A_56 : f32 to vector<1x4096xf32>
    %mul3A_58 = arith.mulf %div3A_37, %mul3A_57 : vector<1x4096xf32>
    %convert_element_type3A = arith.fptosi %mul3A_58 : vector<1x4096xf32> to vector<1x4096xi32>
    %mul3A_59 = arith.constant 6.400000e+01 : f32
    %mul3A_60 = vector.broadcast %mul3A_59 : f32 to vector<1x4096xf32>
    %mul3A_61 = arith.mulf %div3A_43, %mul3A_60 : vector<1x4096xf32>
    %convert_element_type3A_62 = arith.fptosi %mul3A_61 : vector<1x4096xf32> to vector<1x4096xi32>
    %mul3A_63 = arith.constant 4096 : i32
    %mul3A_64 = arith.muli %arg0, %mul3A_63 : i32
    %iota3A = tpu.iota {dimensions = array<i32: 1>} : vector<1x4096xi32>
    %add3A_65 = vector.broadcast %mul3A_64 : i32 to vector<1x4096xi32>
    %add3A_66 = arith.addi %add3A_65, %iota3A : vector<1x4096xi32>
    %lt3A_67 = arith.constant 200000 : i32
    %lt3A_68 = vector.broadcast %lt3A_67 : i32 to vector<1x4096xi32>
    %lt3A_69 = arith.cmpi slt, %add3A_66, %lt3A_68 : vector<1x4096xi32>
    %and3A_70 = arith.andi %and3A_55, %lt3A_69 : vector<1x4096xi1>
    %mul3A_71 = arith.constant 2048 : i32
    %mul3A_72 = vector.broadcast %mul3A_71 : i32 to vector<1x4096xi32>
    %mul3A_73 = arith.muli %convert_element_type3A_62, %mul3A_72 : vector<1x4096xi32>
    %add3A_74 = arith.addi %mul3A_73, %convert_element_type3A : vector<1x4096xi32>
    %jit3A = arith.constant 131072 : i32
    %broadcast_in_dim3A = vector.broadcast %jit3A : i32 to vector<1x4096xi32>
    %select_n3A = arith.select %and3A_70, %add3A_74, %broadcast_in_dim3A : vector<1x4096xi1>, vector<1x4096xi32>
    %swap3A = arith.constant 0 : index
    %swap3A_75 = arith.constant 0 : index
    %swap3A_76 = vector.load %arg10[%swap3A, %swap3A_75] : memref<1x4096xi32, #tpu.memory_space<vmem>>, vector<1x4096xi32>
    tpu.vector_store %arg10[%swap3A, %swap3A_75], %select_n3A {strides = array<i32>} : memref<1x4096xi32, #tpu.memory_space<vmem>>, vector<1x4096xi32>,
    %broadcast_in_dim3A_77 = arith.constant 0.000000e+00 : f32
    %broadcast_in_dim3A_78 = vector.broadcast %broadcast_in_dim3A_77 : f32 to vector<1x4096xf32>
    %select_n3A_79 = arith.select %and3A_70, %sqrt3A, %broadcast_in_dim3A_78 : vector<1x4096xi1>, vector<1x4096xf32>
    %swap3A_80 = arith.constant 0 : index
    %swap3A_81 = arith.constant 0 : index
    %swap3A_82 = vector.load %arg2[%swap3A_80, %swap3A_81] : memref<1x4096xf32, #tpu.memory_space<vmem>>, vector<1x4096xf32>
    tpu.vector_store %arg2[%swap3A_80, %swap3A_81], %select_n3A_79 {strides = array<i32>} : memref<1x4096xf32, #tpu.memory_space<vmem>>, vector<1x4096xf32>,
    %select_n3A_83 = arith.select %and3A_70, %neg3A_15, %broadcast_in_dim3A_78 : vector<1x4096xi1>, vector<1x4096xf32>
    %swap3A_84 = arith.constant 0 : index
    %swap3A_85 = arith.constant 0 : index
    %swap3A_86 = vector.load %arg3[%swap3A_84, %swap3A_85] : memref<1x4096xf32, #tpu.memory_space<vmem>>, vector<1x4096xf32>
    tpu.vector_store %arg3[%swap3A_84, %swap3A_85], %select_n3A_83 {strides = array<i32>} : memref<1x4096xf32, #tpu.memory_space<vmem>>, vector<1x4096xf32>,
    %select_n3A_87 = arith.select %and3A_70, %neg3A_31, %broadcast_in_dim3A_78 : vector<1x4096xi1>, vector<1x4096xf32>
    %swap3A_88 = arith.constant 0 : index
    %swap3A_89 = arith.constant 0 : index
    %swap3A_90 = vector.load %arg4[%swap3A_88, %swap3A_89] : memref<1x4096xf32, #tpu.memory_space<vmem>>, vector<1x4096xf32>
    tpu.vector_store %arg4[%swap3A_88, %swap3A_89], %select_n3A_87 {strides = array<i32>} : memref<1x4096xf32, #tpu.memory_space<vmem>>, vector<1x4096xf32>,
    %select_n3A_91 = arith.select %and3A_70, %get3A_1, %broadcast_in_dim3A_78 : vector<1x4096xi1>, vector<1x4096xf32>
    %swap3A_92 = arith.constant 0 : index
    %swap3A_93 = arith.constant 0 : index
    %swap3A_94 = vector.load %arg5[%swap3A_92, %swap3A_93] : memref<1x4096xf32, #tpu.memory_space<vmem>>, vector<1x4096xf32>
    tpu.vector_store %arg5[%swap3A_92, %swap3A_93], %select_n3A_91 {strides = array<i32>} : memref<1x4096xf32, #tpu.memory_space<vmem>>, vector<1x4096xf32>,
    %select_n3A_95 = arith.select %and3A_70, %get3A_4, %broadcast_in_dim3A_78 : vector<1x4096xi1>, vector<1x4096xf32>
    %swap3A_96 = arith.constant 0 : index
    %swap3A_97 = arith.constant 0 : index
    %swap3A_98 = vector.load %arg6[%swap3A_96, %swap3A_97] : memref<1x4096xf32, #tpu.memory_space<vmem>>, vector<1x4096xf32>
    tpu.vector_store %arg6[%swap3A_96, %swap3A_97], %select_n3A_95 {strides = array<i32>} : memref<1x4096xf32, #tpu.memory_space<vmem>>, vector<1x4096xf32>,
    %select_n3A_99 = arith.select %and3A_70, %get3A_7, %broadcast_in_dim3A_78 : vector<1x4096xi1>, vector<1x4096xf32>
    %swap3A_100 = arith.constant 0 : index
    %swap3A_101 = arith.constant 0 : index
    %swap3A_102 = vector.load %arg7[%swap3A_100, %swap3A_101] : memref<1x4096xf32, #tpu.memory_space<vmem>>, vector<1x4096xf32>
    tpu.vector_store %arg7[%swap3A_100, %swap3A_101], %select_n3A_99 {strides = array<i32>} : memref<1x4096xf32, #tpu.memory_space<vmem>>, vector<1x4096xf32>,
    %select_n3A_103 = arith.select %and3A_70, %get3A_10, %broadcast_in_dim3A_78 : vector<1x4096xi1>, vector<1x4096xf32>
    %swap3A_104 = arith.constant 0 : index
    %swap3A_105 = arith.constant 0 : index
    %swap3A_106 = vector.load %arg8[%swap3A_104, %swap3A_105] : memref<1x4096xf32, #tpu.memory_space<vmem>>, vector<1x4096xf32>
    tpu.vector_store %arg8[%swap3A_104, %swap3A_105], %select_n3A_103 {strides = array<i32>} : memref<1x4096xf32, #tpu.memory_space<vmem>>, vector<1x4096xf32>,
    %sub3A_107 = arith.constant 5.000000e-01 : f32
    %sub3A_108 = vector.broadcast %sub3A_107 : f32 to vector<1x4096xf32>
    %sub3A_109 = arith.subf %div3A_37, %sub3A_108 : vector<1x4096xf32>
    %mul3A_110 = arith.constant 2.000000e+00 : f32
    %mul3A_111 = vector.broadcast %mul3A_110 : f32 to vector<1x4096xf32>
    %mul3A_112 = arith.mulf %sub3A_109, %mul3A_111 : vector<1x4096xf32>
    %convert_element_type3A_113 = arith.sitofp %convert_element_type3A_62 : vector<1x4096xi32> to vector<1x4096xf32>
    %mul3A_114 = arith.constant 1.562500e-02 : f32
    %mul3A_115 = vector.broadcast %mul3A_114 : f32 to vector<1x4096xf32>
    %mul3A_116 = arith.mulf %convert_element_type3A_113, %mul3A_115 : vector<1x4096xf32>
    %sub3A_117 = arith.constant 5.000000e-01 : f32
    %sub3A_118 = vector.broadcast %sub3A_117 : f32 to vector<1x4096xf32>
    %sub3A_119 = arith.subf %mul3A_116, %sub3A_118 : vector<1x4096xf32>
    %mul3A_120 = arith.constant 2.000000e+00 : f32
    %mul3A_121 = vector.broadcast %mul3A_120 : f32 to vector<1x4096xf32>
    %mul3A_122 = arith.mulf %sub3A_119, %mul3A_121 : vector<1x4096xf32>
    %concatenate3A = tpu.concatenate %mul3A_112, %mul3A_122 in 0 : vector<1x4096xf32>, vector<1x4096xf32> -> vector<2x4096xf32>
    %jit3A_123 = arith.constant 0.000000e+00 : f32
    %broadcast_in_dim3A_124 = vector.shape_cast %and3A_55 : vector<1x4096xi1> to vector<1x4096xi1>
    %broadcast_in_dim3A_125 = vector.broadcast %broadcast_in_dim3A_124 : vector<1x4096xi1> to vector<2x4096xi1>
    %broadcast_in_dim3A_126 = vector.broadcast %jit3A_123 : f32 to vector<2x4096xf32>
    %select_n3A_127 = arith.select %broadcast_in_dim3A_125, %concatenate3A, %broadcast_in_dim3A_126 : vector<2x4096xi1>, vector<2x4096xf32>
    %swap3A_128 = arith.constant 0 : index
    %swap3A_129 = arith.constant 0 : index
    %swap3A_130 = vector.load %arg9[%swap3A_128, %swap3A_129] : memref<2x4096xf32, #tpu.memory_space<vmem>>, vector<2x4096xf32>
    tpu.vector_store %arg9[%swap3A_128, %swap3A_129], %select_n3A_127 {strides = array<i32>} : memref<2x4096xf32, #tpu.memory_space<vmem>>, vector<2x4096xf32>,
    return
  }
  func.func @transform_0(%arg0: i32) -> (i32, i32) {
    %c0_i32 = arith.constant 0 : i32
    %c0_i32_0 = arith.constant 0 : i32
    return %c0_i32, %arg0 : i32, i32
  }
  func.func @transform_1(%arg0: i32) -> (i32, i32) {
    %c0_i32 = arith.constant 0 : i32
    %c0_i32_0 = arith.constant 0 : i32
    return %c0_i32, %arg0 : i32, i32
  }
  func.func @transform_2(%arg0: i32) -> (i32, i32) {
    %c0_i32 = arith.constant 0 : i32
    %c0_i32_0 = arith.constant 0 : i32
    return %c0_i32, %arg0 : i32, i32
  }
  func.func @transform_3(%arg0: i32) -> (i32, i32) {
    %c0_i32 = arith.constant 0 : i32
    %c0_i32_0 = arith.constant 0 : i32
    return %c0_i32, %arg0 : i32, i32
  }
  func.func @transform_4(%arg0: i32) -> (i32, i32) {
    %c0_i32 = arith.constant 0 : i32
    %c0_i32_0 = arith.constant 0 : i32
    return %c0_i32, %arg0 : i32, i32
  }
  func.func @transform_5(%arg0: i32) -> (i32, i32) {
    %c0_i32 = arith.constant 0 : i32
    %c0_i32_0 = arith.constant 0 : i32
    return %c0_i32, %arg0 : i32, i32
  }
  func.func @transform_6(%arg0: i32) -> (i32, i32) {
    %c0_i32 = arith.constant 0 : i32
    %c0_i32_0 = arith.constant 0 : i32
    return %c0_i32, %arg0 : i32, i32
  }
  func.func @transform_7(%arg0: i32) -> (i32, i32) {
    %c0_i32 = arith.constant 0 : i32
    %c0_i32_0 = arith.constant 0 : i32
    return %c0_i32, %arg0 : i32, i32
  }
  func.func @transform_8(%arg0: i32) -> (i32, i32) {
    %c0_i32 = arith.constant 0 : i32
    %c0_i32_0 = arith.constant 0 : i32
    return %c0_i32, %arg0 : i32, i32
  }
  func.func @transform_9(%arg0: i32) -> (i32, i32) {
    %c0_i32 = arith.constant 0 : i32
    %c0_i32_0 = arith.constant 0 : i32
    return %c0_i32, %arg0 : i32, i32
  }
}

</mosaic_0001>

<sc_bundles>
// kernel: kernel.4.cloned.1.call-start
scs
__scs_entry_jumppad:
0x0: {  	(pc) =	sbr.rel $0x88, $3  }
0x1: {  	(tag) =	ssettag $0x0;
	lr =	simm.s32 $0x1  }
0x2: {  	[smem:$0x3FA0] =	sst lr;
	_ =	strace $0xD0000000  }
0x3: {  	_ = 	snop  }
0x4: {  	_ = 	snop  }
0x5: {  	_ = 	snop  }
0x6: {  	_ = 	snop  }
0x7: {  	_ = 	snop  }
__scs_overlays_trampoline_lowered:
0x8: {  	[smem:$0x3FAF] =	sst s0  }
0x9: {  	[smem:$0x3FB0] =	sst s1  }
0xa: {  	[smem:$0x3FB1] =	sst s2  }
0xb: {  	[smem:$0x3FB2] =	sst s3  }
0xc: {  	[smem:$0x3FB3] =	sst s4  }
0xd: {  	[smem:$0x3FB4] =	sst s5  }
0xe: {  	[smem:$0x3FB5] =	sst s6  }
0xf: {  	[smem:$0x3FB6] =	sst s7  }
0x10: {  	[smem:$0x3FB7] =	sst s8  }
0x11: {  	[smem:$0x3FB8] =	sst s9;
	s0 =	simm.s32 @!p0 $0x0  }
0x12: {  	s1 =	sld [smem:$0x3F9E];
	s0 =	simm.s32 @p0 $0x1  }
0x13: {  	[smem:$0x3FB9] =	sst s0;
	s0 =	simm.s32 @!p1 $0x0  }
0x14: {  	s2 =	sld [smem:$0x3F9D];
	s0 =	simm.s32 @p1 $0x1  }
0x15: {  	[smem:$0x3FBA] =	sst s0;
	s0 =	simm.s32 @!p2 $0x0  }
0x16: {  	s3 =	sld [smem:$0x3FDB];
	s0 =	simm.s32 @p2 $0x1  }
0x17: {  	s4 =	simm.s32 $0x1BF5;
	[smem:$0x3FBC] =	sst s0  }
0x18: {  	s0 =	sld [smem:$0x3F9F];
	_ =	swait.ge [sflag:s4], $0x0  }
0x19: {  	s7 =	sld [smem:$0x3FA0]  }
0x1a: {  	s8 =	sadd.s32 $0xFFFFE003, lr  }
0x1b: {  	s9 =	sadd.s32 $0xFFFFFEF7, lr;
	s5 =	simm.s32 $0xFFFFFFFF;
	p2 =	slt.u32 s8, $0xFFFFF086  }
0x1c: {  	p1 =	slt.u32 s9, $0xF7A;
	s5 =	simm.s32 @!p2 $0x0  }
0x1d: {  	s5 =	simm.s32 @p1 $0x1;
	p0 =	seq.s32 s7, s2  }
0x1e: {  	s7 =	smul.u32 @!p0 $0xF7A, s2;
	p2 =	seq.s32 @!p0 s5, $0x0  }
0x1f: {  	s9 =	smul.u32 $0xF7A, s1;
	s8 =	simm.s32 @!p0 $0x1BF5;
	p2 =	por !p2, p0  }
0x20: {  	[sflag:s8] =	ssyncset.s32 @!p0 $0xFFFFF086;
	s6 =	sadd.s32 @!p0 s3, s7;
	s7 =	simm.s32 @!p0 $0x108  }
0x21: {  	s3 =	sadd.s32 s3, s9;
	s6 =	sadd.s32 @!p0 $0x88, s6;
	s7 =	simm.s32 @p2 $0x1082  }
0x22: {  	[simem:s7], [sflag:s8] =	dma.local @!p0 [hbm:s6], $0xF7A  }
0x23: {  	s9 =	sor.u32 $0xD0000000, s2;
	s6 =	simm.s32 $0x108;
	_ =	swait.ge @!p0 [sflag:s8], $0x0  }
0x24: {  	s3 =	sadd.s32 $0x88, s3;
	s6 =	simm.s32 @!p1 $0x1082;
	[sflag:s4] =	ssyncset.s32 $0xFFFFF086  }
0x25: {  	[simem:s6], [sflag:s4] =	dma.local [hbm:s3], $0xF7A  }
0x26: {  	[smem:$0x3FA0] =	sst s1;
	(tag) =	ssettag s2;
	_ =	strace s9  }
0x27: {  	s1 =	sld [smem:$0x3FB0]  }
0x28: {  	s2 =	sld [smem:$0x3FB1]  }
0x29: {  	s4 =	sld [smem:$0x3FB3]  }
0x2a: {  	p0 =	seq.s32 s5, $0x0;
	s5 =	sld [smem:$0x3FB4]  }
0x2b: {  	s6 =	sld [smem:$0x3FB5]  }
0x2c: {  	s7 =	sld [smem:$0x3FB6]  }
0x2d: {  	s3 =	simm.s32 $0x108;
	s8 =	sld [smem:$0x3FB7]  }
0x2e: {  	s3 =	simm.s32 @!p0 $0x1082;
	s9 =	sld [smem:$0x3FB8]  }
0x2f: {  	lr =	sadd.s32 s0, s3;
	s0 =	sld [smem:$0x3FAF]  }
0x30: {  	s3 =	sld [smem:$0x3FB2]  }
0x31: {  	[smem:$0x3FBB] =	sst s10  }
0x32: {  	s10 =	sld [smem:$0x3FB9];
	_ =	sdelay $0x3  }
0x33: {  	p0 =	seq.s32 s10, $0x1;
	s10 =	sld [smem:$0x3FBB];
	_ =	sdelay $0x3  }
0x34: {  	[smem:$0x3FBB] =	sst s10  }
0x35: {  	s10 =	sld [smem:$0x3FBA];
	_ =	sdelay $0x3  }
0x36: {  	p1 =	seq.s32 s10, $0x1;
	s10 =	sld [smem:$0x3FBB];
	_ =	sdelay $0x3  }
0x37: {  	[smem:$0x3FBB] =	sst s10  }
0x38: {  	s10 =	sld [smem:$0x3FBC]  }
0x39: {  	_ = 	snop;
	(pc) =	sbr.ind lr, $3  }
0x3a: {  	_ = 	snop  }
0x3b: {  	_ = 	snop  }
0x3c: {  	p2 =	seq.s32 s10, $0x1;
	s10 =	sld [smem:$0x3FBB]  }
0x3d: {  	_ =	shalt  }
0x3e: {  	_ =	shalt  }
0x3f: {  	_ =	shalt  }
0x40: {  	_ =	shalt  }
0x41: {  	_ =	shalt  }
0x42: {  	_ =	shalt  }
0x43: {  	_ =	shalt  }
0x44: {  	_ =	shalt  }
0x45: {  	_ =	shalt  }
0x46: {  	_ =	shalt  }
0x47: {  	_ =	shalt  }
0x48: {  	_ =	shalt  }
0x49: {  	_ =	shalt  }
0x4a: {  	_ =	shalt  }
0x4b: {  	_ =	shalt  }
0x4c: {  	_ =	shalt  }
0x4d: {  	_ =	shalt  }
0x4e: {  	_ =	shalt  }
0x4f: {  	_ =	shalt  }
0x50: {  	_ =	shalt  }
0x51: {  	_ =	shalt  }
0x52: {  	_ =	shalt  }
0x53: {  	_ =	shalt  }
0x54: {  	_ =	shalt  }
0x55: {  	_ =	shalt  }
0x56: {  	_ =	shalt  }
0x57: {  	_ =	shalt  }
0x58: {  	_ =	shalt  }
0x59: {  	_ =	shalt  }
0x5a: {  	_ =	shalt  }
0x5b: {  	_ =	shalt  }
0x5c: {  	_ =	shalt  }
0x5d: {  	_ =	shalt  }
0x5e: {  	_ =	shalt  }
0x5f: {  	_ =	shalt  }
0x60: {  	_ =	shalt  }
0x61: {  	_ =	shalt  }
0x62: {  	_ =	shalt  }
0x63: {  	_ =	shalt  }
0x64: {  	_ =	shalt  }
0x65: {  	_ =	shalt  }
0x66: {  	_ =	shalt  }
0x67: {  	_ =	shalt  }
0x68: {  	_ =	shalt  }
0x69: {  	_ =	shalt  }
0x6a: {  	_ =	shalt  }
0x6b: {  	_ =	shalt  }
0x6c: {  	_ =	shalt  }
0x6d: {  	_ =	shalt  }
0x6e: {  	_ =	shalt  }
0x6f: {  	_ =	shalt  }
0x70: {  	_ =	shalt  }
0x71: {  	_ =	shalt  }
0x72: {  	_ =	shalt  }
0x73: {  	_ =	shalt  }
0x74: {  	_ =	shalt  }
0x75: {  	_ =	shalt  }
0x76: {  	_ =	shalt  }
0x77: {  	_ =	shalt  }
0x78: {  	_ =	shalt  }
0x79: {  	_ =	shalt  }
0x7a: {  	_ =	shalt  }
0x7b: {  	_ =	shalt  }
0x7c: {  	_ =	shalt  }
0x7d: {  	_ =	shalt  }
0x7e: {  	_ =	shalt  }
0x7f: {  	_ =	shalt  }
0x80: {  	_ =	shalt  }
0x81: {  	_ =	shalt  }
0x82: {  	_ =	shalt  }
0x83: {  	_ =	shalt  }
0x84: {  	_ =	shalt  }
0x85: {  	_ =	shalt  }
0x86: {  	_ =	shalt  }
0x87: {  	_ =	shalt  }
.Lfunc_end0:
.L_simem_size_0:
called_computation_lowered:
.L_overlay_start_0:
0x88: {  	s2 =	sld [smem:$0x3FD9]  }
0x89: {  	s3 =	sld [smem:$0x3FFE];
	_ =	sdelay $0x1  }
0x8a: {  	s1 =	srdreg.scid  }
0x8b: {  	s0 =	sand.u32 $0x1, s1  }
0x8c: {  	s14 =	sshll.u32 s0, $0xA;
	s2 =	sadd.s32 s3, s2  }
0x8d: {  	s2 =	sadd.s32 s2, s14  }
0x8e: {  	[smem:$0x3FC7] =	sst s2  }
0x8f: {  	_ = 	snop  }
0x90: {  	s2 =	sld [smem:$0x3FD0];
	_ =	sdelay $0x2  }
0x91: {  	s15 =	simm.s32 $0xA;
	s4 =	simm.s32 $0x10  }
0x92: {  	[smem:s4], [sflag:s15] =	dma.local [hbm:s2], $0x1  }
0x93: {  	_ =	swait.eq [sflag:s15], $0x1  }
0x94: {  	[sflag:s15] =	ssyncset.done $0x0  }
0x95: {  	[sflag:s15] =	ssyncadd.s32 $0xFFFFFFFF  }
0x96: {  	s16 =	sld [smem:$0x10];
	(tm) =	ssettm $0x1  }
0x97: {  	s17 =	sld [smem:$0x3FFB];
	_ =	sdelay $0x3  }
0x98: {  	_ =	strace s17  }
0x99: {  	s3 =	sld [smem:$0x3FFC];
	_ =	sdelay $0x3  }
0x9a: {  	_ =	strace s3  }
0x9b: {  	s3 =	sld [smem:$0x3FFD];
	_ =	sdelay $0x3  }
0x9c: {  	_ =	strace s3  }
0x9d: {  	_ =	strace $0x8FFFFFFF  }
0x9e: {  	s18 =	sld [smem:$0x3FDB];
	_ =	sdelay $0x1  }
0x9f: {  	s19 =	simm.s32 $_scs_section_size  }
0xa0: {  	s5 =	simm.s32 $_size__tile_overlayer_lowered;
	s6 =	simm.s32 $_tile_overlayer_lowered  }
0xa1: {  	s22 =	simm.s32 $0x1BFF;
	s21 =	sshll.u32 s6, $0x1;
	s3 =	sadd.s32 s19, s18  }
0xa2: {  	s7 =	simm.s32 $0x0;
	s20 =	sshll.u32 s5, $0x1;
	s5 =	sadd.s32 s21, s3  }
0xa3: {  	[timem:s7], [sflag:s22] =	dma.local [hbm:s5], s20  }
0xa4: {  	_ =	swait.ge [sflag:s22], s20  }
0xa5: {  	s4 =	ssub.s32 $0x0, s20;
	[sflag:s22] =	ssyncset.done $0x0  }
0xa6: {  	[sflag:s22] =	ssyncadd.s32 s4;
	_ =	sdelay $0x1  }
0xa7: {  	s23 =	simm.s32 $0x1B8B  }
0xa8: {  	_ =	swait.ge [sflag:s23], $0x1  }
0xa9: {  	[sflag:s23] =	ssyncset.done $0x0  }
0xaa: {  	s25 =	simm.s32 $0x1B8E;
	s24 =	sld [smem:$0x3FFE];
	[sflag:s23] =	ssyncadd.s32 $0xFFFFFFFF  }
0xab: {  	s26 =	simm.s32 $execute0_lowered;
	[smem:$0x3FD2] =	sst s25  }
0xac: {  	s5 =	sshll.u32 s26, $0x1;
	_ =	strace $0x80000046;
	[dreg:$0x1] =	wrdreg $0xFFFFFFFF  }
0xad: {  	s28 =	simm.s32 $_size_execute0_lowered;
	s3 =	sadd.s32 s3, s5;
	[dreg:$0x0] =	wrdreg $0x0  }
0xae: {  	s5 =	sshll.u32 s28, $0x1;
	[dreg:$0x2] =	wrdreg s3  }
0xaf: {  	[dreg:$0x3] =	wrdreg s5  }
0xb0: {  	[dreg:$0x4] =	wrdreg $0xC0  }
0xb1: {  	_ =	task [dreg:s7], $0x5FFFF  }
0xb2: {  	[dreg:$0x1] =	wrdreg $0xFFFFFFFF  }
0xb3: {  	[dreg:$0x0] =	wrdreg $0x60  }
0xb4: {  	[dreg:$0x2] =	wrdreg s16  }
0xb5: {  	[dreg:$0x3] =	wrdreg s24  }
0xb6: {  	[dreg:$0x4] =	wrdreg $0x9  }
0xb7: {  	_ =	task.clear_ibuf [dreg:s7], $0x5FFFF;
	_ =	strace $0x90000046  }
0xb8: {  	s29 =	simm.s32 $0x9;
	_ =	strace $0x80000048  }
0xb9: {  	_ =	swait.ge [sflag:s29], $0x1  }
0xba: {  	[sflag:s29] =	ssyncadd.s32 $0xFFFFFFFF  }
0xbb: {  	_ =	strace $0x90000048  }
0xbc: {  	_ =	sfence  }
0xbd: {  	s30 =	sld [smem:$0x0];
	_ =	sdelay $0x2  }
0xbe: {  	s31 =	sshll.u32 s1, $0xD;
	s1 =	sshrl.u32 s1, $0x2  }
0xbf: {  	s3 =	sand.u32 $0x4000, s31;
	s1 =	sadd.s32 s1, s30  }
0xc0: {  	s0 =	sor.u32 s3, s0;
	s1 =	sshll.u32 s1, $0x11  }
0xc1: {  	s0 =	sor.u32 s1, s0  }
0xc2: {  	s0 =	sadd.s32 $0x8F2B, s0  }
0xc3: {  	[sflag:s0] =	ssyncadd.remote.s32 $0x1  }
0xc4: {  	_ =	sfence.sel $0xFFFF  }
0xc5: {  	[dreg:$0x0] =	wrdreg $0xFFFFFFFF;
	(pc) =	sbr.abs _section_cstart, $3  }
0xc6: {  	[dreg:$0x1] =	wrdreg $0xFFFFFFFF  }
0xc7: {  	_ =	task.clear_ibuf [dreg:s7], $0x2FFFF;
	_ =	strace $0x9FFFFFFF  }
0xc8: {  	(tm) =	ssettm $0x7FFFFFFF  }
0xc9: {  	_ =	shalt  }
tec
execute0_lowered:
.L_overlay_start_1:
0x0: {  	(tag) =	ssettag $0x1  }
0x1: {  	s11 =	rddreg [dreg:$0x0]  }
0x2: {  	s0 =	rddreg [dreg:$0x1];
	s2 =	simm.s32 $0x0;
	s1 =	srdreg.scid  }
0x3: {  	s3 =	stileid.u32;
	s29 =	simm.s32 $0x3;
	s30 =	simm.s32 $0x1  }
0x4: {  	s31 =	simm.s32 $0x6400;
	s28 =	simm.s32 $0x80;
	[smem:$0x7FF] =	sst s2  }
0x5: {  	s4 =	sadd.s32 $0x1800, s0;
	s5 =	sadd.s32 $0x7C00, s0;
	s6 =	sadd.s32 $0xE000, s0  }
0x6: {  	s1 =	sand.u32 $0x1, s1;
	s7 =	sadd.s32 $0x14400, s0;
	s13 =	sadd.s32 $0x1600, s0  }
0x7: {  	s17 =	sadd.s32 $0xC80, s11;
	_ =	strace $0x80000047;
	[dreg:$0x3] =	wrdreg s13  }
0x8: {  	s3 =	sshll.u32 s3, $0xD;
	s21 =	sadd.s32 $0x1900, s11;
	[dreg:$0x4] =	wrdreg s17  }
0x9: {  	s8 =	sadd.s32 $0x1A800, s0;
	s22 =	sadd.s32 $0x2580, s11;
	[dreg:$0x5] =	wrdreg s21  }
0xa: {  	s9 =	sadd.s32 $0x20C00, s0;
	s23 =	sadd.s32 $0x3200, s11;
	[dreg:$0x6] =	wrdreg s22  }
0xb: {  	s10 =	sshll.u32 s1, $0xC;
	s1 =	ssub.s32 $0x2, s1;
	[dreg:$0x7] =	wrdreg s23  }
0xc: {  	s12 =	sor.u32 s10, s3;
	s10 =	sadd.s32 $0x27000, s0;
	s16 =	sshrl.u32 s1, $0x1  }
0xd: {  	s3 =	sshrl.u32 s12, $0x3;
	s1 =	ssub.s32 s1, s16;
	s18 =	sadd.s32 $0x1000, s12  }
0xe: {  	v0 =	vmov s12;
	s12 =	simm.s32 $0x0;
	s0 =	sadd.s32 s3, s0;
	s23 =	smax.u32 s1, $0x1  }
0xf: {  	s3 =	simm.s32 $0xE880;
	s1 =	simm.s32 $0x2;
	s24 =	sadd.s32 $0x2D400, s0  }
.Ltmp0:
0x10: {  	s25 =	sadd.s32 $0x31400, s0;
	s26 =	sadd.s32 $0x35400, s0;
	(pc) =	sbr.rel .LBB2_1-.Ltmp0, $4  }
0x11: {  	s19 =	sadd.s32 $0x39400, s0;
	s20 =	sadd.s32 $0x3D400, s0;
	[dreg:$0x8] =	wrdreg s24  }
0x12: {  	s21 =	sadd.s32 $0x41400, s0;
	s22 =	sadd.s32 $0x45400, s0;
	[dreg:$0x9] =	wrdreg s25  }
0x13: {  	v2 =	vimm.f32 $0.0e+00;
	v3 =	vimm.s32 $0x0;
	s0 =	simm.s32 $0xD800;
	[dreg:$0xa] =	wrdreg s26;
	s24 =	sadd.s32 $0x3E80, s11  }
0x14: {  	v4 =	vlaneseq.u32;
	v5 =	vimm.s32 $0x30D40;
	v1 =	vmov s18;
	s25 =	sadd.s32 $0x4B00, s11;
	s26 =	sadd.s32 $0x5780, s11;
	s11 =	simm.s32 $0x16900  }
.LBB2_41:
0x15: {  	v8 =	vor.u32 s15, v4  }
0x16: {  	vm0 =	vlt.s32 v8, v7  }
0x17: {  	v7 =	vld [tilespmem:s13+$0xFFFFA000];
	_ =	sdelay $0x4  }
0x18: {  	[tilespmem:v6+s11+$0x0] =	vst.idx.msk vm0, v7  }
0x19: {  	v59 =	vadd.s32 $0x1000, v6;
	v7 =	vld [tilespmem:s13+$0xFFFFB000];
	_ =	sdelay $0x4  }
0x1a: {  	[tilespmem:v59+s11+$0x0] =	vst.idx.msk vm0, v7  }
0x1b: {  	v60 =	vadd.s32 $0x2000, v6;
	v7 =	vld [tilespmem:s13+$0xFFFFC000];
	_ =	sdelay $0x4  }
0x1c: {  	[tilespmem:v60+s11+$0x0] =	vst.idx.msk vm0, v7  }
0x1d: {  	v61 =	vadd.s32 $0x3000, v6;
	v7 =	vld [tilespmem:s13+$0xFFFFD000];
	_ =	sdelay $0x4  }
0x1e: {  	[tilespmem:v61+s11+$0x0] =	vst.idx.msk vm0, v7  }
0x1f: {  	v62 =	vadd.s32 $0x4000, v6;
	v7 =	vld [tilespmem:s13+$0xFFFFE000];
	_ =	sdelay $0x4  }
0x20: {  	[tilespmem:v62+s11+$0x0] =	vst.idx.msk vm0, v7  }
0x21: {  	v63 =	vadd.s32 $0x5000, v6;
	v7 =	vld [tilespmem:s13+$0xFFFFF000];
	_ =	sdelay $0x4  }
0x22: {  	[tilespmem:v63+s11+$0x0] =	vst.idx.msk vm0, v7  }
0x23: {  	v6 =	vadd.s32 $0x6000, v6;
	v7 =	vld [tilespmem:s13+$0x0];
	_ =	sdelay $0x4  }
0x24: {  	[tilespmem:v6+s11+$0x0] =	vst.idx.msk vm0, v7  }
.LBB2_42:
0x25: {  	s13 =	rddreg [dreg:$0x8]  }
0x26: {  	[hbm4b:s13+s2] =	stream.linear.scatter [tilespmem:s11], [sflag:$0x3], $0x1000, $0x38;
	[tilespmem:$0x1D900] =	vst v63  }
0x27: {  	_ =	swait.ge [sflag:s29], $0x1000  }
0x28: {  	[sflag:s29] =	ssyncset.done $0x0  }
0x29: {  	s14 =	simm.s32 $0x17900;
	s16 =	rddreg [dreg:$0x9];
	[sflag:s29] =	ssyncadd.s32 $0xFFFFF000  }
0x2a: {  	[hbm4b:s16+s2] =	stream.linear.scatter [tilespmem:s14], [sflag:$0x3], $0x1000, $0x38;
	[tilespmem:$0x1D900] =	vst v63  }
0x2b: {  	_ =	swait.ge [sflag:s29], $0x1000  }
0x2c: {  	[sflag:s29] =	ssyncset.done $0x0  }
0x2d: {  	s18 =	simm.s32 $0x18900;
	s17 =	rddreg [dreg:$0xa];
	[sflag:s29] =	ssyncadd.s32 $0xFFFFF000  }
0x2e: {  	[hbm4b:s17+s2] =	stream.linear.scatter [tilespmem:s18], [sflag:$0x3], $0x1000, $0x38;
	[tilespmem:$0x1D900] =	vst v63  }
0x2f: {  	_ =	swait.ge [sflag:s29], $0x1000  }
0x30: {  	[sflag:s29] =	ssyncset.done $0x0  }
0x31: {  	s15 =	simm.s32 $0x19900;
	[sflag:s29] =	ssyncadd.s32 $0xFFFFF000  }
0x32: {  	[hbm4b:s19+s2] =	stream.linear.scatter [tilespmem:s15], [sflag:$0x3], $0x1000, $0x38;
	[tilespmem:$0x1D900] =	vst v63  }
0x33: {  	_ =	swait.ge [sflag:s29], $0x1000  }
0x34: {  	[sflag:s29] =	ssyncset.done $0x0  }
0x35: {  	s16 =	simm.s32 $0x1A900;
	[sflag:s29] =	ssyncadd.s32 $0xFFFFF000  }
0x36: {  	[hbm4b:s20+s2] =	stream.linear.scatter [tilespmem:s16], [sflag:$0x3], $0x1000, $0x38;
	[tilespmem:$0x1D900] =	vst v63  }
0x37: {  	_ =	swait.ge [sflag:s29], $0x1000  }
0x38: {  	[sflag:s29] =	ssyncset.done $0x0  }
0x39: {  	s17 =	simm.s32 $0x1B900;
	[sflag:s29] =	ssyncadd.s32 $0xFFFFF000  }
0x3a: {  	[hbm4b:s21+s2] =	stream.linear.scatter [tilespmem:s17], [sflag:$0x3], $0x1000, $0x38;
	[tilespmem:$0x1D900] =	vst v63  }
0x3b: {  	s12 =	sadd.s32 $0x1, s12;
	_ =	swait.ge [sflag:s29], $0x1000  }
0x3c: {  	p0 =	sne.s32 s12, s23;
	[sflag:s29] =	ssyncset.done $0x0  }
.Ltmp1:
0x3d: {  	s18 =	simm.s32 $0x1C900;
	[sflag:s29] =	ssyncadd.s32 $0xFFFFF000;
	(pc) =	sbr.rel @!p0 .LBB2_43-.Ltmp1, $4  }
0x3e: {  	[hbm4b:s22+s2] =	stream.linear.scatter [tilespmem:s18], [sflag:$0x3], $0x1000, $0x38;
	[tilespmem:$0x1D900] =	vst v63  }
0x3f: {  	_ =	swait.ge [sflag:s29], $0x1000  }
0x40: {  	[sflag:s29] =	ssyncset.done $0x0  }
0x41: {  	[sflag:s29] =	ssyncadd.s32 $0xFFFFF000  }
.LBB2_1:
0x42: {  	s13 =	rddreg [dreg:$0x3];
	s14 =	simm.s32 $0xC800  }
0x43: {  	[tilespmem:s14], [sflag:$0x3] =	stream.linear.gather [hbm4b:s13+s2], $0x1000, $0x38;
	[tilespmem:$0x1D900] =	vst v63  }
0x44: {  	_ =	swait.ge [sflag:s29], $0x1000  }
0x45: {  	[sflag:s29] =	ssyncset.done $0x0  }
0x46: {  	[sflag:s29] =	ssyncadd.s32 $0xFFFFF000  }
0x47: {  	s16 =	rddreg [dreg:$0x0]  }
0x48: {  	[tilespmem:s2], [sflag:$0x1] =	stream.linear.gather [hbm4b:s16+s2], $0x6400, $0x38;
	[tilespmem:$0x1D900] =	vst v63  }
0x49: {  	_ =	swait.ge [sflag:s30], $0x6400  }
0x4a: {  	[sflag:s30] =	ssyncset.done $0x0  }
0x4b: {  	s13 =	simm.s32 $0x20;
	s17 =	rddreg [dreg:$0x4];
	[sflag:s30] =	ssyncadd.s32 $0xFFFF9C00  }
0x4c: {  	[tilespmem:s31], [sflag:$0x1] =	stream.linear.gather [hbm4b:s17+s2], $0x6400, $0x38;
	[tilespmem:$0x1D900] =	vst v63  }
0x4d: {  	v7 =	vld [tilespmem:s13+$0x10]  }
0x4e: {  	v6 =	vld [tilespmem:s13+$0x0]  }
0x4f: {  	v8 =	vld [tilespmem:s13+$0xFFFFFFF0]  }
0x50: {  	v9 =	vld [tilespmem:s13+$0xFFFFFFE0];
	_ =	sdelay $0x3  }
0x51: {  	vm0 =	vlt.s32 v7, v1;
	vm1 =	vge.s32 v6, v0;
	vm2 =	vlt.s32 v6, v1  }
0x52: {  	vm3 =	vge.s32 v7, v0;
	vm4 =	vge.s32 v8, v0;
	vm6 =	vlt.s32 v9, v1  }
0x53: {  	vm1 =	vmand vm1, vm2;
	vm0 =	vmand vm3, vm0;
	vm3 =	vlt.s32 v8, v1  }
0x54: {  	vm2 =	vge.s32 v9, v0;
	vm5 =	vmor vm1, vm0;
	vm3 =	vmand vm4, vm3  }
0x55: {  	vm2 =	vmand vm2, vm6;
	vm4 =	vmor vm3, vm5  }
0x56: {  	vm4 =	vmor vm2, vm4  }
0x57: {  	v10 =	vsel vm4, $0x3F800000, v2  }
0x58: {  	(xrf0) =	vmax.scan.msk.f32 $0xffff, v10;
	_ =	sdelay $0x5  }
0x59: {  	v10, _, _ =	vpop (xrf0)  }
0x5a: {  	(v2sf) =	vpush v10, $0xF;
	_ =	sdelay $0xe  }
0x5b: {  	s18 =	spop (v2sf)  }
0x5c: {  	p1 =	sgt.f32 s18, $0.0e+00;
	_ =	sdelay $0x1  }
0x5d: {  	v9 =	vsub.s32 @p1 v9, v0  }
0x5e: {  	v8 =	vsub.s32 @p1 v8, v0;
	v9 =	vnsel @p1 vm2, $0x0, v9  }
0x5f: {  	v6 =	vsub.s32 @p1 v6, v0;
	v10 =	vnsel @p1 vm3, $0x0, v8  }
0x60: {  	v7 =	vsub.s32 @p1 v7, v0;
	v6 =	vnsel @p1 vm1, $0x0, v6  }
0x61: {  	s14 =	simm.s32 $0x0;
	v8 =	vlaneseq.u32 @p1;
	v7 =	vnsel @p1 vm0, $0x0, v7  }
0x62: {  	s15 =	simm.s32 $0x10;
	s16 =	simm.s32 @p1 $0xC800;
	v11 =	vor.u32 @p1 s14, v8  }
0x63: {  	s17 =	simm.s32 $0x30;
	s18 =	simm.s32 $0x20;
	v12 =	vor.u32 @p1 s15, v8;
	[tilespmem:v9+s16+$0x0] =	vst.idx.msk @p1 vm2, v11  }
0x64: {  	s14 =	simm.s32 $0x70;
	v9 =	vor.u32 @p1 s18, v8;
	v8 =	vor.u32 @p1 s17, v8;
	[tilespmem:v10+s16+$0x0] =	vst.idx.msk @p1 vm3, v12  }
.LBB2_2:
0x65: {  	[tilespmem:v6+s16+$0x0] =	vst.idx.msk @p1 vm1, v9;
	s13 =	sadd.s32 $0x40, s13;
	s15 =	smov.u32 s14;
	s14 =	sadd.s32 $0x40, s14  }
0x66: {  	p0 =	sne.s32 s14, $0x6430;
	[tilespmem:v7+s16+$0x0] =	vst.idx.msk @p1 vm0, v8  }
0x67: {  	v7 =	vld [tilespmem:s13+$0x10]  }
0x68: {  	v6 =	vld [tilespmem:s13+$0x0]  }
0x69: {  	v8 =	vld [tilespmem:s13+$0xFFFFFFF0]  }
0x6a: {  	v9 =	vld [tilespmem:s13+$0xFFFFFFE0];
	_ =	sdelay $0x1  }
0x6b: {  	vm0 =	vlt.s32 v7, v1  }
0x6c: {  	vm3 =	vge.s32 v7, v0;
	vm1 =	vge.s32 v6, v0;
	vm2 =	vlt.s32 v6, v1  }
0x6d: {  	vm0 =	vmand vm3, vm0;
	vm4 =	vge.s32 v8, v0;
	vm1 =	vmand vm1, vm2  }
0x6e: {  	vm2 =	vlt.s32 v8, v1;
	vm3 =	vge.s32 v9, v0;
	vm5 =	vmor vm1, vm0  }
0x6f: {  	vm6 =	vlt.s32 v9, v1;
	vm2 =	vmand vm4, vm2  }
0x70: {  	vm3 =	vmand vm3, vm6;
	vm4 =	vmor vm2, vm5  }
0x71: {  	vm4 =	vmor vm3, vm4  }
0x72: {  	v10 =	vsel vm4, $0x3F800000, v2  }
0x73: {  	(xrf0) =	vmax.scan.msk.f32 $0xffff, v10;
	_ =	sdelay $0x5  }
0x74: {  	v10, _, _ =	vpop (xrf0)  }
0x75: {  	(v2sf) =	vpush v10, $0xF;
	_ =	sdelay $0xe  }
0x76: {  	s16 =	spop (v2sf)  }
0x77: {  	p1 =	sgt.f32 s16, $0.0e+00;
	_ =	sdelay $0x1  }
0x78: {  	v9 =	vsub.s32 @p1 v9, v0;
	v8 =	vsub.s32 @p1 v8, v0;
	v6 =	vsub.s32 @p1 v6, v0  }
0x79: {  	v10 =	vnsel @p1 vm3, $0x0, v9;
	v11 =	vnsel @p1 vm2, $0x0, v8;
	v6 =	vnsel @p1 vm1, $0x0, v6  }
0x7a: {  	s17 =	sadd.s32 $0xFFFFFFE0, s15;
	s16 =	sadd.s32 $0xFFFFFFD0, s15;
	v7 =	vsub.s32 @p1 v7, v0;
	v8 =	vlaneseq.u32 @p1  }
.Ltmp2:
0x7b: {  	s18 =	sadd.s32 $0xFFFFFFF0, s15;
	v7 =	vnsel @p1 vm0, $0x0, v7;
	v12 =	vor.u32 @p1 s16, v8;
	v13 =	vor.u32 @p1 s17, v8;
	(pc) =	sbr.rel @p0 .LBB2_2-.Ltmp2, $4  }
0x7c: {  	v9 =	vor.u32 @p1 s18, v8;
	v8 =	vor.u32 @p1 s15, v8  }
0x7d: {  	s16 =	simm.s32 @p1 $0xC800  }
0x7e: {  	[tilespmem:v10+s16+$0x0] =	vst.idx.msk @p1 vm3, v12  }
0x7f: {  	[tilespmem:v11+s16+$0x0] =	vst.idx.msk @p1 vm2, v13  }
0x80: {  	_ =	sdelay $0x4  }
0x81: {  	[tilespmem:v6+s16+$0x0] =	vst.idx.msk @p1 vm1, v9  }
0x82: {  	[tilespmem:v7+s16+$0x0] =	vst.idx.msk @p1 vm0, v8  }
0x83: {  	_ =	swait.ge [sflag:s30], $0x6400  }
0x84: {  	[sflag:s30] =	ssyncset.done $0x0  }
0x85: {  	s13 =	rddreg [dreg:$0x5];
	[sflag:s30] =	ssyncadd.s32 $0xFFFF9C00  }
0x86: {  	[tilespmem:s2], [sflag:$0x1] =	stream.linear.gather [hbm4b:s13+s2], $0x6400, $0x38;
	[tilespmem:$0x1D900] =	vst v63  }
0x87: {  	s13 =	simm.s32 $0x6400  }
0x88: {  	v7 =	vld [tilespmem:s13+$0x30]  }
0x89: {  	v6 =	vld [tilespmem:s13+$0x20]  }
0x8a: {  	v8 =	vld [tilespmem:s13+$0x10]  }
0x8b: {  	v9 =	vld [tilespmem:s13+$0x0];
	_ =	sdelay $0x3  }
0x8c: {  	vm0 =	vlt.s32 v7, v1;
	vm1 =	vge.s32 v6, v0;
	vm2 =	vlt.s32 v6, v1  }
0x8d: {  	vm3 =	vge.s32 v7, v0;
	vm4 =	vge.s32 v8, v0;
	vm6 =	vlt.s32 v9, v1  }
0x8e: {  	vm1 =	vmand vm1, vm2;
	vm0 =	vmand vm3, vm0;
	vm3 =	vlt.s32 v8, v1  }
0x8f: {  	vm2 =	vge.s32 v9, v0;
	vm5 =	vmor vm1, vm0;
	vm3 =	vmand vm4, vm3  }
0x90: {  	vm2 =	vmand vm2, vm6;
	vm4 =	vmor vm3, vm5  }
0x91: {  	vm4 =	vmor vm2, vm4  }
0x92: {  	v10 =	vsel vm4, $0x3F800000, v2  }
0x93: {  	(xrf0) =	vmax.scan.msk.f32 $0xffff, v10;
	_ =	sdelay $0x5  }
0x94: {  	v10, _, _ =	vpop (xrf0)  }
0x95: {  	(v2sf) =	vpush v10, $0xF;
	_ =	sdelay $0xe  }
0x96: {  	s14 =	spop (v2sf)  }
0x97: {  	p1 =	sgt.f32 s14, $0.0e+00;
	_ =	sdelay $0x1  }
0x98: {  	v9 =	vsub.s32 @p1 v9, v0  }
0x99: {  	v8 =	vsub.s32 @p1 v8, v0;
	v9 =	vnsel @p1 vm2, $0x0, v9  }
0x9a: {  	v6 =	vsub.s32 @p1 v6, v0;
	v10 =	vnsel @p1 vm3, $0x0, v8  }
0x9b: {  	v7 =	vsub.s32 @p1 v7, v0;
	v6 =	vnsel @p1 vm1, $0x0, v6  }
0x9c: {  	v8 =	vlaneseq.u32 @p1;
	v7 =	vnsel @p1 vm0, $0x0, v7  }
0x9d: {  	s14 =	simm.s32 $0x6410;
	s16 =	simm.s32 @p1 $0xC800;
	v11 =	vor.u32 @p1 s13, v8  }
0x9e: {  	s15 =	simm.s32 $0x6420;
	s17 =	simm.s32 $0x6430;
	v12 =	vor.u32 @p1 s14, v8;
	[tilespmem:v9+s16+$0x0] =	vst.idx.msk @p1 vm2, v11  }
0x9f: {  	s14 =	simm.s32 $0x6440;
	v9 =	vor.u32 @p1 s15, v8;
	v8 =	vor.u32 @p1 s17, v8;
	[tilespmem:v10+s16+$0x0] =	vst.idx.msk @p1 vm3, v12  }
.LBB2_4:
0xa0: {  	[tilespmem:v6+s16+$0x0] =	vst.idx.msk @p1 vm1, v9;
	s13 =	sadd.s32 $0x40, s13;
	s15 =	smov.u32 s14;
	s14 =	sadd.s32 $0x40, s14  }
0xa1: {  	p0 =	sne.s32 s14, $0xC800;
	[tilespmem:v7+s16+$0x0] =	vst.idx.msk @p1 vm0, v8  }
0xa2: {  	v7 =	vld [tilespmem:s13+$0x30]  }
0xa3: {  	v6 =	vld [tilespmem:s13+$0x20]  }
0xa4: {  	v8 =	vld [tilespmem:s13+$0x10]  }
0xa5: {  	v9 =	vld [tilespmem:s13+$0x0];
	_ =	sdelay $0x1  }
0xa6: {  	vm0 =	vlt.s32 v7, v1  }
0xa7: {  	vm3 =	vge.s32 v7, v0;
	vm1 =	vge.s32 v6, v0;
	vm2 =	vlt.s32 v6, v1  }
0xa8: {  	vm0 =	vmand vm3, vm0;
	vm4 =	vge.s32 v8, v0;
	vm1 =	vmand vm1, vm2  }
0xa9: {  	vm2 =	vlt.s32 v8, v1;
	vm3 =	vge.s32 v9, v0;
	vm5 =	vmor vm1, vm0  }
0xaa: {  	vm6 =	vlt.s32 v9, v1;
	vm2 =	vmand vm4, vm2  }
0xab: {  	vm3 =	vmand vm3, vm6;
	vm4 =	vmor vm2, vm5  }
0xac: {  	vm4 =	vmor vm3, vm4  }
0xad: {  	v10 =	vsel vm4, $0x3F800000, v2  }
0xae: {  	(xrf0) =	vmax.scan.msk.f32 $0xffff, v10;
	_ =	sdelay $0x5  }
0xaf: {  	v10, _, _ =	vpop (xrf0)  }
0xb0: {  	(v2sf) =	vpush v10, $0xF;
	_ =	sdelay $0xe  }
0xb1: {  	s16 =	spop (v2sf)  }
0xb2: {  	p1 =	sgt.f32 s16, $0.0e+00;
	_ =	sdelay $0x1  }
0xb3: {  	v9 =	vsub.s32 @p1 v9, v0;
	v8 =	vsub.s32 @p1 v8, v0;
	v6 =	vsub.s32 @p1 v6, v0  }
0xb4: {  	v10 =	vnsel @p1 vm3, $0x0, v9;
	v11 =	vnsel @p1 vm2, $0x0, v8;
	v6 =	vnsel @p1 vm1, $0x0, v6  }
0xb5: {  	s16 =	sadd.s32 $0x10, s15;
	v7 =	vsub.s32 @p1 v7, v0;
	v8 =	vlaneseq.u32 @p1  }
.Ltmp3:
0xb6: {  	s17 =	sadd.s32 $0x20, s15;
	s18 =	sadd.s32 $0x30, s15;
	v7 =	vnsel @p1 vm0, $0x0, v7;
	v12 =	vor.u32 @p1 s15, v8;
	v13 =	vor.u32 @p1 s16, v8;
	(pc) =	sbr.rel @p0 .LBB2_4-.Ltmp3, $4  }
0xb7: {  	v9 =	vor.u32 @p1 s17, v8;
	v8 =	vor.u32 @p1 s18, v8  }
0xb8: {  	s16 =	simm.s32 @p1 $0xC800  }
0xb9: {  	[tilespmem:v10+s16+$0x0] =	vst.idx.msk @p1 vm3, v12  }
0xba: {  	[tilespmem:v11+s16+$0x0] =	vst.idx.msk @p1 vm2, v13  }
0xbb: {  	_ =	sdelay $0x4  }
0xbc: {  	[tilespmem:v6+s16+$0x0] =	vst.idx.msk @p1 vm1, v9  }
0xbd: {  	[tilespmem:v7+s16+$0x0] =	vst.idx.msk @p1 vm0, v8  }
0xbe: {  	_ =	swait.ge [sflag:s30], $0x6400  }
0xbf: {  	[sflag:s30] =	ssyncset.done $0x0  }
0xc0: {  	s13 =	rddreg [dreg:$0x6];
	[sflag:s30] =	ssyncadd.s32 $0xFFFF9C00  }
0xc1: {  	[tilespmem:s31], [sflag:$0x1] =	stream.linear.gather [hbm4b:s13+s2], $0x6400, $0x38;
	[tilespmem:$0x1D900] =	vst v63  }
0xc2: {  	s13 =	simm.s32 $0x20  }
0xc3: {  	v7 =	vld [tilespmem:s13+$0x10]  }
0xc4: {  	v6 =	vld [tilespmem:s13+$0x0]  }
0xc5: {  	v8 =	vld [tilespmem:s13+$0xFFFFFFF0]  }
0xc6: {  	v9 =	vld [tilespmem:s13+$0xFFFFFFE0];
	_ =	sdelay $0x2  }
0xc7: {  	vm0 =	vge.s32 v7, v0;
	vm1 =	vlt.s32 v7, v1;
	vm2 =	vge.s32 v6, v0  }
0xc8: {  	vm3 =	vlt.s32 v6, v1;
	vm4 =	vge.s32 v8, v0;
	vm5 =	vlt.s32 v8, v1  }
0xc9: {  	vm15 =	vlt.s32 v9, v1;
	vm0 =	vmand vm0, vm1;
	vm1 =	vmand vm2, vm3  }
0xca: {  	vm2 =	vge.s32 v9, v0;
	vm3 =	vmand vm4, vm5;
	vm14 =	vmor vm1, vm0  }
0xcb: {  	vm2 =	vmand vm2, vm15;
	vm4 =	vmor vm3, vm14  }
0xcc: {  	vm4 =	vmor vm2, vm4  }
0xcd: {  	v10 =	vsel vm4, $0x3F800000, v2  }
0xce: {  	(xrf0) =	vmax.scan.msk.f32 $0xffff, v10;
	_ =	sdelay $0x5  }
0xcf: {  	v10, _, _ =	vpop (xrf0)  }
0xd0: {  	(v2sf) =	vpush v10, $0xF;
	_ =	sdelay $0xe  }
0xd1: {  	s14 =	spop (v2sf)  }
0xd2: {  	p1 =	sgt.f32 s14, $0.0e+00;
	_ =	sdelay $0x1  }
0xd3: {  	v9 =	vsub.s32 @p1 v9, v0  }
0xd4: {  	v8 =	vsub.s32 @p1 v8, v0;
	v9 =	vnsel @p1 vm2, $0x0, v9  }
0xd5: {  	v6 =	vsub.s32 @p1 v6, v0;
	v10 =	vnsel @p1 vm3, $0x0, v8  }
0xd6: {  	v7 =	vsub.s32 @p1 v7, v0;
	v6 =	vnsel @p1 vm1, $0x0, v6  }
0xd7: {  	s14 =	simm.s32 $0xC800;
	v8 =	vlaneseq.u32 @p1;
	v7 =	vnsel @p1 vm0, $0x0, v7  }
0xd8: {  	s15 =	simm.s32 @p1 $0xC810;
	s16 =	simm.s32 @p1 $0xC800;
	v11 =	vor.u32 @p1 s14, v8  }
0xd9: {  	s17 =	simm.s32 @p1 $0xC830;
	v12 =	vor.u32 @p1 s15, v8;
	s15 =	simm.s32 @p1 $0xC820;
	[tilespmem:v9+s16+$0x0] =	vst.idx.msk @p1 vm2, v11  }
0xda: {  	s14 =	simm.s32 $0xC840;
	v9 =	vor.u32 @p1 s15, v8;
	v8 =	vor.u32 @p1 s17, v8;
	[tilespmem:v10+s16+$0x0] =	vst.idx.msk @p1 vm3, v12  }
.LBB2_6:
0xdb: {  	[tilespmem:v6+s16+$0x0] =	vst.idx.msk @p1 vm1, v9;
	s13 =	sadd.s32 $0x40, s13;
	s15 =	smov.u32 s14;
	s14 =	sadd.s32 $0x40, s14  }
0xdc: {  	p0 =	sne.s32 s14, $0x12C00;
	[tilespmem:v7+s16+$0x0] =	vst.idx.msk @p1 vm0, v8  }
0xdd: {  	v7 =	vld [tilespmem:s13+$0x10]  }
0xde: {  	v6 =	vld [tilespmem:s13+$0x0]  }
0xdf: {  	v8 =	vld [tilespmem:s13+$0xFFFFFFF0]  }
0xe0: {  	v9 =	vld [tilespmem:s13+$0xFFFFFFE0];
	_ =	sdelay $0x1  }
0xe1: {  	vm0 =	vge.s32 v7, v0;
	vm1 =	vlt.s32 v7, v1  }
0xe2: {  	vm2 =	vge.s32 v6, v0;
	vm3 =	vlt.s32 v6, v1;
	vm0 =	vmand vm0, vm1  }
0xe3: {  	vm4 =	vge.s32 v8, v0;
	vm5 =	vlt.s32 v8, v1;
	vm1 =	vmand vm2, vm3  }
0xe4: {  	vm3 =	vge.s32 v9, v0;
	vm2 =	vmand vm4, vm5;
	vm4 =	vmor vm1, vm0  }
0xe5: {  	vm5 =	vlt.s32 v9, v1;
	vm4 =	vmor vm2, vm4  }
0xe6: {  	vm3 =	vmand vm3, vm5  }
0xe7: {  	vm4 =	vmor vm3, vm4  }
0xe8: {  	v10 =	vsel vm4, $0x3F800000, v2  }
0xe9: {  	(xrf0) =	vmax.scan.msk.f32 $0xffff, v10;
	_ =	sdelay $0x5  }
0xea: {  	v10, _, _ =	vpop (xrf0)  }
0xeb: {  	(v2sf) =	vpush v10, $0xF;
	_ =	sdelay $0xe  }
0xec: {  	s16 =	spop (v2sf)  }
0xed: {  	p1 =	sgt.f32 s16, $0.0e+00;
	_ =	sdelay $0x1  }
0xee: {  	v9 =	vsub.s32 @p1 v9, v0;
	v8 =	vsub.s32 @p1 v8, v0;
	v6 =	vsub.s32 @p1 v6, v0  }
0xef: {  	v10 =	vnsel @p1 vm3, $0x0, v9;
	v11 =	vnsel @p1 vm2, $0x0, v8;
	v6 =	vnsel @p1 vm1, $0x0, v6  }
0xf0: {  	s16 =	sadd.s32 @p1 $0x10, s15;
	v7 =	vsub.s32 @p1 v7, v0;
	v8 =	vlaneseq.u32 @p1  }
.Ltmp4:
0xf1: {  	s17 =	sadd.s32 @p1 $0x20, s15;
	v7 =	vnsel @p1 vm0, $0x0, v7;
	v12 =	vor.u32 @p1 s15, v8;
	v13 =	vor.u32 @p1 s16, v8;
	s15 =	sadd.s32 @p1 $0x30, s15;
	(pc) =	sbr.rel @p0 .LBB2_6-.Ltmp4, $3  }
0xf2: {  	s16 =	simm.s32 @p1 $0xC800;
	v9 =	vor.u32 @p1 s17, v8;
	v8 =	vor.u32 @p1 s15, v8;
	_ =	sdelay $0x1  }
0xf3: {  	[tilespmem:v10+s16+$0x0] =	vst.idx.msk @p1 vm3, v12  }
0xf4: {  	[tilespmem:v11+s16+$0x0] =	vst.idx.msk @p1 vm2, v13  }
0xf5: {  	_ =	sdelay $0x4  }
0xf6: {  	[tilespmem:v6+s16+$0x0] =	vst.idx.msk @p1 vm1, v9  }
0xf7: {  	[tilespmem:v7+s16+$0x0] =	vst.idx.msk @p1 vm0, v8  }
0xf8: {  	_ =	swait.ge [sflag:s30], $0x6400  }
0xf9: {  	[sflag:s30] =	ssyncset.done $0x0  }
0xfa: {  	s13 =	rddreg [dreg:$0x7];
	[sflag:s30] =	ssyncadd.s32 $0xFFFF9C00  }
0xfb: {  	[tilespmem:s2], [sflag:$0x1] =	stream.linear.gather [hbm4b:s13+s2], $0x6400, $0x38;
	[tilespmem:$0x1D900] =	vst v63  }
0xfc: {  	s13 =	simm.s32 $0x6430  }
0xfd: {  	v7 =	vld [tilespmem:s13+$0x0]  }
0xfe: {  	v6 =	vld [tilespmem:s13+$0xFFFFFFF0]  }
0xff: {  	v8 =	vld [tilespmem:s13+$0xFFFFFFE0]  }
0x100: {  	v9 =	vld [tilespmem:s13+$0xFFFFFFD0];
	_ =	sdelay $0x2  }
0x101: {  	vm0 =	vge.s32 v7, v0;
	vm1 =	vlt.s32 v7, v1;
	vm2 =	vge.s32 v6, v0  }
0x102: {  	vm3 =	vlt.s32 v6, v1;
	vm4 =	vge.s32 v8, v0;
	vm5 =	vlt.s32 v8, v1  }
0x103: {  	vm15 =	vlt.s32 v9, v1;
	vm0 =	vmand vm0, vm1;
	vm1 =	vmand vm2, vm3  }
0x104: {  	vm2 =	vge.s32 v9, v0;
	vm3 =	vmand vm4, vm5;
	vm14 =	vmor vm1, vm0  }
0x105: {  	vm2 =	vmand vm2, vm15;
	vm4 =	vmor vm3, vm14  }
0x106: {  	vm4 =	vmor vm2, vm4  }
0x107: {  	v10 =	vsel vm4, $0x3F800000, v2  }
0x108: {  	(xrf0) =	vmax.scan.msk.f32 $0xffff, v10;
	_ =	sdelay $0x5  }
0x109: {  	v10, _, _ =	vpop (xrf0)  }
0x10a: {  	(v2sf) =	vpush v10, $0xF;
	_ =	sdelay $0xe  }
0x10b: {  	s14 =	spop (v2sf)  }
0x10c: {  	p1 =	sgt.f32 s14, $0.0e+00;
	_ =	sdelay $0x1  }
0x10d: {  	v9 =	vsub.s32 @p1 v9, v0  }
0x10e: {  	v8 =	vsub.s32 @p1 v8, v0;
	v9 =	vnsel @p1 vm2, $0x0, v9  }
0x10f: {  	v6 =	vsub.s32 @p1 v6, v0;
	v10 =	vnsel @p1 vm3, $0x0, v8  }
0x110: {  	v7 =	vsub.s32 @p1 v7, v0;
	v6 =	vnsel @p1 vm1, $0x0, v6  }
0x111: {  	s14 =	simm.s32 $0x12C00;
	v8 =	vlaneseq.u32 @p1;
	v7 =	vnsel @p1 vm0, $0x0, v7  }
0x112: {  	s15 =	simm.s32 @p1 $0x12C10;
	s16 =	simm.s32 @p1 $0xC800;
	v11 =	vor.u32 @p1 s14, v8  }
0x113: {  	s17 =	simm.s32 @p1 $0x12C30;
	v12 =	vor.u32 @p1 s15, v8;
	s15 =	simm.s32 @p1 $0x12C20;
	[tilespmem:v9+s16+$0x0] =	vst.idx.msk @p1 vm2, v11  }
0x114: {  	s14 =	simm.s32 $0x12C40;
	v9 =	vor.u32 @p1 s15, v8;
	v8 =	vor.u32 @p1 s17, v8;
	[tilespmem:v10+s16+$0x0] =	vst.idx.msk @p1 vm3, v12  }
.LBB2_8:
0x115: {  	[tilespmem:v6+s16+$0x0] =	vst.idx.msk @p1 vm1, v9;
	s13 =	sadd.s32 $0x40, s13;
	s15 =	smov.u32 s14;
	s14 =	sadd.s32 $0x40, s14  }
0x116: {  	p0 =	sne.s32 s14, $0x19000;
	[tilespmem:v7+s16+$0x0] =	vst.idx.msk @p1 vm0, v8  }
0x117: {  	v7 =	vld [tilespmem:s13+$0x0]  }
0x118: {  	v6 =	vld [tilespmem:s13+$0xFFFFFFF0]  }
0x119: {  	v8 =	vld [tilespmem:s13+$0xFFFFFFE0]  }
0x11a: {  	v9 =	vld [tilespmem:s13+$0xFFFFFFD0];
	_ =	sdelay $0x1  }
0x11b: {  	vm0 =	vge.s32 v7, v0;
	vm1 =	vlt.s32 v7, v1  }
0x11c: {  	vm2 =	vge.s32 v6, v0;
	vm3 =	vlt.s32 v6, v1;
	vm0 =	vmand vm0, vm1  }
0x11d: {  	vm4 =	vge.s32 v8, v0;
	vm5 =	vlt.s32 v8, v1;
	vm1 =	vmand vm2, vm3  }
0x11e: {  	vm3 =	vge.s32 v9, v0;
	vm2 =	vmand vm4, vm5;
	vm4 =	vmor vm1, vm0  }
0x11f: {  	vm5 =	vlt.s32 v9, v1;
	vm4 =	vmor vm2, vm4  }
0x120: {  	vm3 =	vmand vm3, vm5  }
0x121: {  	vm4 =	vmor vm3, vm4  }
0x122: {  	v10 =	vsel vm4, $0x3F800000, v2  }
0x123: {  	(xrf0) =	vmax.scan.msk.f32 $0xffff, v10;
	_ =	sdelay $0x5  }
0x124: {  	v10, _, _ =	vpop (xrf0)  }
0x125: {  	(v2sf) =	vpush v10, $0xF;
	_ =	sdelay $0xe  }
0x126: {  	s16 =	spop (v2sf)  }
0x127: {  	p1 =	sgt.f32 s16, $0.0e+00;
	_ =	sdelay $0x1  }
0x128: {  	v9 =	vsub.s32 @p1 v9, v0;
	v8 =	vsub.s32 @p1 v8, v0;
	v6 =	vsub.s32 @p1 v6, v0  }
0x129: {  	v10 =	vnsel @p1 vm3, $0x0, v9;
	v11 =	vnsel @p1 vm2, $0x0, v8;
	v6 =	vnsel @p1 vm1, $0x0, v6  }
0x12a: {  	s16 =	sadd.s32 @p1 $0x10, s15;
	v7 =	vsub.s32 @p1 v7, v0;
	v8 =	vlaneseq.u32 @p1  }
.Ltmp5:
0x12b: {  	s17 =	sadd.s32 @p1 $0x20, s15;
	v7 =	vnsel @p1 vm0, $0x0, v7;
	v12 =	vor.u32 @p1 s15, v8;
	v13 =	vor.u32 @p1 s16, v8;
	s15 =	sadd.s32 @p1 $0x30, s15;
	(pc) =	sbr.rel @p0 .LBB2_8-.Ltmp5, $3  }
0x12c: {  	s16 =	simm.s32 @p1 $0xC800;
	v9 =	vor.u32 @p1 s17, v8;
	v8 =	vor.u32 @p1 s15, v8;
	_ =	sdelay $0x1  }
0x12d: {  	[tilespmem:v10+s16+$0x0] =	vst.idx.msk @p1 vm3, v12  }
0x12e: {  	[tilespmem:v11+s16+$0x0] =	vst.idx.msk @p1 vm2, v13  }
0x12f: {  	_ =	sdelay $0x4  }
0x130: {  	[tilespmem:v6+s16+$0x0] =	vst.idx.msk @p1 vm1, v9  }
0x131: {  	[tilespmem:v7+s16+$0x0] =	vst.idx.msk @p1 vm0, v8  }
0x132: {  	_ =	swait.ge [sflag:s30], $0x6400  }
0x133: {  	[sflag:s30] =	ssyncset.done $0x0  }
0x134: {  	s13 =	simm.s32 $0x20;
	[sflag:s30] =	ssyncadd.s32 $0xFFFF9C00  }
0x135: {  	[tilespmem:s31], [sflag:$0x1] =	stream.linear.gather [hbm4b:s24+s2], $0x6400, $0x38;
	[tilespmem:$0x1D900] =	vst v63  }
0x136: {  	v7 =	vld [tilespmem:s13+$0x10]  }
0x137: {  	v6 =	vld [tilespmem:s13+$0x0]  }
0x138: {  	v8 =	vld [tilespmem:s13+$0xFFFFFFF0]  }
0x139: {  	v9 =	vld [tilespmem:s13+$0xFFFFFFE0];
	_ =	sdelay $0x2  }
0x13a: {  	vm0 =	vge.s32 v7, v0;
	vm1 =	vlt.s32 v7, v1;
	vm2 =	vge.s32 v6, v0  }
0x13b: {  	vm3 =	vlt.s32 v6, v1;
	vm4 =	vge.s32 v8, v0;
	vm5 =	vlt.s32 v8, v1  }
0x13c: {  	vm15 =	vlt.s32 v9, v1;
	vm0 =	vmand vm0, vm1;
	vm1 =	vmand vm2, vm3  }
0x13d: {  	vm2 =	vge.s32 v9, v0;
	vm3 =	vmand vm4, vm5;
	vm14 =	vmor vm1, vm0  }
0x13e: {  	vm2 =	vmand vm2, vm15;
	vm4 =	vmor vm3, vm14  }
0x13f: {  	vm4 =	vmor vm2, vm4  }
0x140: {  	v10 =	vsel vm4, $0x3F800000, v2  }
0x141: {  	(xrf0) =	vmax.scan.msk.f32 $0xffff, v10;
	_ =	sdelay $0x5  }
0x142: {  	v10, _, _ =	vpop (xrf0)  }
0x143: {  	(v2sf) =	vpush v10, $0xF;
	_ =	sdelay $0xe  }
0x144: {  	s14 =	spop (v2sf)  }
0x145: {  	p1 =	sgt.f32 s14, $0.0e+00;
	_ =	sdelay $0x1  }
0x146: {  	v9 =	vsub.s32 @p1 v9, v0  }
0x147: {  	v8 =	vsub.s32 @p1 v8, v0;
	v9 =	vnsel @p1 vm2, $0x0, v9  }
0x148: {  	v6 =	vsub.s32 @p1 v6, v0;
	v10 =	vnsel @p1 vm3, $0x0, v8  }
0x149: {  	v7 =	vsub.s32 @p1 v7, v0;
	v6 =	vnsel @p1 vm1, $0x0, v6  }
0x14a: {  	s14 =	simm.s32 $0x19000;
	v8 =	vlaneseq.u32 @p1;
	v7 =	vnsel @p1 vm0, $0x0, v7  }
0x14b: {  	s15 =	simm.s32 @p1 $0x19010;
	s16 =	simm.s32 @p1 $0xC800;
	v11 =	vor.u32 @p1 s14, v8  }
0x14c: {  	s17 =	simm.s32 @p1 $0x19030;
	v12 =	vor.u32 @p1 s15, v8;
	s15 =	simm.s32 @p1 $0x19020;
	[tilespmem:v9+s16+$0x0] =	vst.idx.msk @p1 vm2, v11  }
0x14d: {  	s14 =	simm.s32 $0x19040;
	v9 =	vor.u32 @p1 s15, v8;
	v8 =	vor.u32 @p1 s17, v8;
	[tilespmem:v10+s16+$0x0] =	vst.idx.msk @p1 vm3, v12  }
.LBB2_10:
0x14e: {  	[tilespmem:v6+s16+$0x0] =	vst.idx.msk @p1 vm1, v9;
	s13 =	sadd.s32 $0x40, s13;
	s15 =	smov.u32 s14;
	s14 =	sadd.s32 $0x40, s14  }
0x14f: {  	p0 =	sne.s32 s14, $0x1F400;
	[tilespmem:v7+s16+$0x0] =	vst.idx.msk @p1 vm0, v8  }
0x150: {  	v7 =	vld [tilespmem:s13+$0x10]  }
0x151: {  	v6 =	vld [tilespmem:s13+$0x0]  }
0x152: {  	v8 =	vld [tilespmem:s13+$0xFFFFFFF0]  }
0x153: {  	v9 =	vld [tilespmem:s13+$0xFFFFFFE0];
	_ =	sdelay $0x1  }
0x154: {  	vm0 =	vge.s32 v7, v0;
	vm1 =	vlt.s32 v7, v1  }
0x155: {  	vm2 =	vge.s32 v6, v0;
	vm3 =	vlt.s32 v6, v1;
	vm0 =	vmand vm0, vm1  }
0x156: {  	vm4 =	vge.s32 v8, v0;
	vm5 =	vlt.s32 v8, v1;
	vm1 =	vmand vm2, vm3  }
0x157: {  	vm3 =	vge.s32 v9, v0;
	vm2 =	vmand vm4, vm5;
	vm4 =	vmor vm1, vm0  }
0x158: {  	vm5 =	vlt.s32 v9, v1;
	vm4 =	vmor vm2, vm4  }
0x159: {  	vm3 =	vmand vm3, vm5  }
0x15a: {  	vm4 =	vmor vm3, vm4  }
0x15b: {  	v10 =	vsel vm4, $0x3F800000, v2  }
0x15c: {  	(xrf0) =	vmax.scan.msk.f32 $0xffff, v10;
	_ =	sdelay $0x5  }
0x15d: {  	v10, _, _ =	vpop (xrf0)  }
0x15e: {  	(v2sf) =	vpush v10, $0xF;
	_ =	sdelay $0xe  }
0x15f: {  	s16 =	spop (v2sf)  }
0x160: {  	p1 =	sgt.f32 s16, $0.0e+00;
	_ =	sdelay $0x1  }
0x161: {  	v9 =	vsub.s32 @p1 v9, v0;
	v8 =	vsub.s32 @p1 v8, v0;
	v6 =	vsub.s32 @p1 v6, v0  }
0x162: {  	v10 =	vnsel @p1 vm3, $0x0, v9;
	v11 =	vnsel @p1 vm2, $0x0, v8;
	v6 =	vnsel @p1 vm1, $0x0, v6  }
0x163: {  	s16 =	sadd.s32 @p1 $0x10, s15;
	v7 =	vsub.s32 @p1 v7, v0;
	v8 =	vlaneseq.u32 @p1  }
.Ltmp6:
0x164: {  	s17 =	sadd.s32 @p1 $0x20, s15;
	v7 =	vnsel @p1 vm0, $0x0, v7;
	v12 =	vor.u32 @p1 s15, v8;
	v13 =	vor.u32 @p1 s16, v8;
	s15 =	sadd.s32 @p1 $0x30, s15;
	(pc) =	sbr.rel @p0 .LBB2_10-.Ltmp6, $3  }
0x165: {  	s16 =	simm.s32 @p1 $0xC800;
	v9 =	vor.u32 @p1 s17, v8;
	v8 =	vor.u32 @p1 s15, v8;
	_ =	sdelay $0x1  }
0x166: {  	[tilespmem:v10+s16+$0x0] =	vst.idx.msk @p1 vm3, v12  }
0x167: {  	[tilespmem:v11+s16+$0x0] =	vst.idx.msk @p1 vm2, v13  }
0x168: {  	_ =	sdelay $0x4  }
0x169: {  	[tilespmem:v6+s16+$0x0] =	vst.idx.msk @p1 vm1, v9  }
0x16a: {  	[tilespmem:v7+s16+$0x0] =	vst.idx.msk @p1 vm0, v8  }
0x16b: {  	_ =	swait.ge [sflag:s30], $0x6400  }
0x16c: {  	[sflag:s30] =	ssyncset.done $0x0  }
0x16d: {  	s13 =	simm.s32 $0x6430;
	[sflag:s30] =	ssyncadd.s32 $0xFFFF9C00  }
0x16e: {  	[tilespmem:s2], [sflag:$0x1] =	stream.linear.gather [hbm4b:s25+s2], $0x6400, $0x38;
	[tilespmem:$0x1D900] =	vst v63  }
0x16f: {  	v7 =	vld [tilespmem:s13+$0x0]  }
0x170: {  	v6 =	vld [tilespmem:s13+$0xFFFFFFF0]  }
0x171: {  	v8 =	vld [tilespmem:s13+$0xFFFFFFE0]  }
0x172: {  	v9 =	vld [tilespmem:s13+$0xFFFFFFD0];
	_ =	sdelay $0x2  }
0x173: {  	vm0 =	vge.s32 v7, v0;
	vm1 =	vlt.s32 v7, v1;
	vm2 =	vge.s32 v6, v0  }
0x174: {  	vm3 =	vlt.s32 v6, v1;
	vm4 =	vge.s32 v8, v0;
	vm5 =	vlt.s32 v8, v1  }
0x175: {  	vm15 =	vlt.s32 v9, v1;
	vm0 =	vmand vm0, vm1;
	vm1 =	vmand vm2, vm3  }
0x176: {  	vm2 =	vge.s32 v9, v0;
	vm3 =	vmand vm4, vm5;
	vm14 =	vmor vm1, vm0  }
0x177: {  	vm2 =	vmand vm2, vm15;
	vm4 =	vmor vm3, vm14  }
0x178: {  	vm4 =	vmor vm2, vm4  }
0x179: {  	v10 =	vsel vm4, $0x3F800000, v2  }
0x17a: {  	(xrf0) =	vmax.scan.msk.f32 $0xffff, v10;
	_ =	sdelay $0x5  }
0x17b: {  	v10, _, _ =	vpop (xrf0)  }
0x17c: {  	(v2sf) =	vpush v10, $0xF;
	_ =	sdelay $0xe  }
0x17d: {  	s14 =	spop (v2sf)  }
0x17e: {  	p1 =	sgt.f32 s14, $0.0e+00;
	_ =	sdelay $0x1  }
0x17f: {  	v9 =	vsub.s32 @p1 v9, v0  }
0x180: {  	v8 =	vsub.s32 @p1 v8, v0;
	v9 =	vnsel @p1 vm2, $0x0, v9  }
0x181: {  	v6 =	vsub.s32 @p1 v6, v0;
	v10 =	vnsel @p1 vm3, $0x0, v8  }
0x182: {  	v7 =	vsub.s32 @p1 v7, v0;
	v6 =	vnsel @p1 vm1, $0x0, v6  }
0x183: {  	s14 =	simm.s32 $0x1F400;
	v8 =	vlaneseq.u32 @p1;
	v7 =	vnsel @p1 vm0, $0x0, v7  }
0x184: {  	s15 =	simm.s32 @p1 $0x1F410;
	s16 =	simm.s32 @p1 $0xC800;
	v11 =	vor.u32 @p1 s14, v8  }
0x185: {  	s17 =	simm.s32 @p1 $0x1F430;
	v12 =	vor.u32 @p1 s15, v8;
	s15 =	simm.s32 @p1 $0x1F420;
	[tilespmem:v9+s16+$0x0] =	vst.idx.msk @p1 vm2, v11  }
0x186: {  	s14 =	simm.s32 $0x1F440;
	v9 =	vor.u32 @p1 s15, v8;
	v8 =	vor.u32 @p1 s17, v8;
	[tilespmem:v10+s16+$0x0] =	vst.idx.msk @p1 vm3, v12  }
.LBB2_12:
0x187: {  	[tilespmem:v6+s16+$0x0] =	vst.idx.msk @p1 vm1, v9;
	s13 =	sadd.s32 $0x40, s13;
	s15 =	smov.u32 s14;
	s14 =	sadd.s32 $0x40, s14  }
0x188: {  	p0 =	sne.s32 s14, $0x25800;
	[tilespmem:v7+s16+$0x0] =	vst.idx.msk @p1 vm0, v8  }
0x189: {  	v7 =	vld [tilespmem:s13+$0x0]  }
0x18a: {  	v6 =	vld [tilespmem:s13+$0xFFFFFFF0]  }
0x18b: {  	v8 =	vld [tilespmem:s13+$0xFFFFFFE0]  }
0x18c: {  	v9 =	vld [tilespmem:s13+$0xFFFFFFD0];
	_ =	sdelay $0x1  }
0x18d: {  	vm0 =	vge.s32 v7, v0;
	vm1 =	vlt.s32 v7, v1  }
0x18e: {  	vm2 =	vge.s32 v6, v0;
	vm3 =	vlt.s32 v6, v1;
	vm0 =	vmand vm0, vm1  }
0x18f: {  	vm4 =	vge.s32 v8, v0;
	vm5 =	vlt.s32 v8, v1;
	vm1 =	vmand vm2, vm3  }
0x190: {  	vm3 =	vge.s32 v9, v0;
	vm2 =	vmand vm4, vm5;
	vm4 =	vmor vm1, vm0  }
0x191: {  	vm5 =	vlt.s32 v9, v1;
	vm4 =	vmor vm2, vm4  }
0x192: {  	vm3 =	vmand vm3, vm5  }
0x193: {  	vm4 =	vmor vm3, vm4  }
0x194: {  	v10 =	vsel vm4, $0x3F800000, v2  }
0x195: {  	(xrf0) =	vmax.scan.msk.f32 $0xffff, v10;
	_ =	sdelay $0x5  }
0x196: {  	v10, _, _ =	vpop (xrf0)  }
0x197: {  	(v2sf) =	vpush v10, $0xF;
	_ =	sdelay $0xe  }
0x198: {  	s16 =	spop (v2sf)  }
0x199: {  	p1 =	sgt.f32 s16, $0.0e+00;
	_ =	sdelay $0x1  }
0x19a: {  	v9 =	vsub.s32 @p1 v9, v0;
	v8 =	vsub.s32 @p1 v8, v0;
	v6 =	vsub.s32 @p1 v6, v0  }
0x19b: {  	v10 =	vnsel @p1 vm3, $0x0, v9;
	v11 =	vnsel @p1 vm2, $0x0, v8;
	v6 =	vnsel @p1 vm1, $0x0, v6  }
0x19c: {  	s16 =	sadd.s32 @p1 $0x10, s15;
	v7 =	vsub.s32 @p1 v7, v0;
	v8 =	vlaneseq.u32 @p1  }
.Ltmp7:
0x19d: {  	s17 =	sadd.s32 @p1 $0x20, s15;
	v7 =	vnsel @p1 vm0, $0x0, v7;
	v12 =	vor.u32 @p1 s15, v8;
	v13 =	vor.u32 @p1 s16, v8;
	s15 =	sadd.s32 @p1 $0x30, s15;
	(pc) =	sbr.rel @p0 .LBB2_12-.Ltmp7, $3  }
0x19e: {  	s16 =	simm.s32 @p1 $0xC800;
	v9 =	vor.u32 @p1 s17, v8;
	v8 =	vor.u32 @p1 s15, v8;
	_ =	sdelay $0x1  }
0x19f: {  	[tilespmem:v10+s16+$0x0] =	vst.idx.msk @p1 vm3, v12  }
0x1a0: {  	[tilespmem:v11+s16+$0x0] =	vst.idx.msk @p1 vm2, v13  }
0x1a1: {  	_ =	sdelay $0x4  }
0x1a2: {  	[tilespmem:v6+s16+$0x0] =	vst.idx.msk @p1 vm1, v9  }
0x1a3: {  	[tilespmem:v7+s16+$0x0] =	vst.idx.msk @p1 vm0, v8  }
0x1a4: {  	_ =	swait.ge [sflag:s30], $0x6400  }
0x1a5: {  	[sflag:s30] =	ssyncset.done $0x0  }
0x1a6: {  	s13 =	simm.s32 $0x20;
	[sflag:s30] =	ssyncadd.s32 $0xFFFF9C00  }
0x1a7: {  	[tilespmem:s31], [sflag:$0x1] =	stream.linear.gather [hbm4b:s26+s2], $0x6400, $0x38;
	[tilespmem:$0x1D900] =	vst v63  }
0x1a8: {  	v7 =	vld [tilespmem:s13+$0x10]  }
0x1a9: {  	v6 =	vld [tilespmem:s13+$0x0]  }
0x1aa: {  	v8 =	vld [tilespmem:s13+$0xFFFFFFF0]  }
0x1ab: {  	v9 =	vld [tilespmem:s13+$0xFFFFFFE0];
	_ =	sdelay $0x2  }
0x1ac: {  	vm0 =	vge.s32 v7, v0;
	vm1 =	vlt.s32 v7, v1;
	vm2 =	vge.s32 v6, v0  }
0x1ad: {  	vm3 =	vlt.s32 v6, v1;
	vm4 =	vge.s32 v8, v0;
	vm5 =	vlt.s32 v8, v1  }
0x1ae: {  	vm15 =	vlt.s32 v9, v1;
	vm0 =	vmand vm0, vm1;
	vm1 =	vmand vm2, vm3  }
0x1af: {  	vm2 =	vge.s32 v9, v0;
	vm3 =	vmand vm4, vm5;
	vm14 =	vmor vm1, vm0  }
0x1b0: {  	vm2 =	vmand vm2, vm15;
	vm4 =	vmor vm3, vm14  }
0x1b1: {  	vm4 =	vmor vm2, vm4  }
0x1b2: {  	v10 =	vsel vm4, $0x3F800000, v2  }
0x1b3: {  	(xrf0) =	vmax.scan.msk.f32 $0xffff, v10;
	_ =	sdelay $0x5  }
0x1b4: {  	v10, _, _ =	vpop (xrf0)  }
0x1b5: {  	(v2sf) =	vpush v10, $0xF;
	_ =	sdelay $0xe  }
0x1b6: {  	s14 =	spop (v2sf)  }
0x1b7: {  	p1 =	sgt.f32 s14, $0.0e+00;
	_ =	sdelay $0x1  }
0x1b8: {  	v9 =	vsub.s32 @p1 v9, v0  }
0x1b9: {  	v8 =	vsub.s32 @p1 v8, v0;
	v9 =	vnsel @p1 vm2, $0x0, v9  }
0x1ba: {  	v6 =	vsub.s32 @p1 v6, v0;
	v10 =	vnsel @p1 vm3, $0x0, v8  }
0x1bb: {  	v7 =	vsub.s32 @p1 v7, v0;
	v6 =	vnsel @p1 vm1, $0x0, v6  }
0x1bc: {  	s14 =	simm.s32 $0x25800;
	v8 =	vlaneseq.u32 @p1;
	v7 =	vnsel @p1 vm0, $0x0, v7  }
0x1bd: {  	s15 =	simm.s32 @p1 $0x25810;
	s16 =	simm.s32 @p1 $0xC800;
	v11 =	vor.u32 @p1 s14, v8  }
0x1be: {  	s17 =	simm.s32 @p1 $0x25830;
	v12 =	vor.u32 @p1 s15, v8;
	s15 =	simm.s32 @p1 $0x25820;
	[tilespmem:v9+s16+$0x0] =	vst.idx.msk @p1 vm2, v11  }
0x1bf: {  	s14 =	simm.s32 $0x25840;
	v9 =	vor.u32 @p1 s15, v8;
	v8 =	vor.u32 @p1 s17, v8;
	[tilespmem:v10+s16+$0x0] =	vst.idx.msk @p1 vm3, v12  }
.LBB2_14:
0x1c0: {  	[tilespmem:v6+s16+$0x0] =	vst.idx.msk @p1 vm1, v9;
	s13 =	sadd.s32 $0x40, s13;
	s15 =	smov.u32 s14;
	s14 =	sadd.s32 $0x40, s14  }
0x1c1: {  	p0 =	sne.s32 s14, $0x2BC00;
	[tilespmem:v7+s16+$0x0] =	vst.idx.msk @p1 vm0, v8  }
0x1c2: {  	v7 =	vld [tilespmem:s13+$0x10]  }
0x1c3: {  	v6 =	vld [tilespmem:s13+$0x0]  }
0x1c4: {  	v8 =	vld [tilespmem:s13+$0xFFFFFFF0]  }
0x1c5: {  	v9 =	vld [tilespmem:s13+$0xFFFFFFE0];
	_ =	sdelay $0x1  }
0x1c6: {  	vm0 =	vge.s32 v7, v0;
	vm1 =	vlt.s32 v7, v1  }
0x1c7: {  	vm2 =	vge.s32 v6, v0;
	vm3 =	vlt.s32 v6, v1;
	vm0 =	vmand vm0, vm1  }
0x1c8: {  	vm4 =	vge.s32 v8, v0;
	vm5 =	vlt.s32 v8, v1;
	vm1 =	vmand vm2, vm3  }
0x1c9: {  	vm3 =	vge.s32 v9, v0;
	vm2 =	vmand vm4, vm5;
	vm4 =	vmor vm1, vm0  }
0x1ca: {  	vm5 =	vlt.s32 v9, v1;
	vm4 =	vmor vm2, vm4  }
0x1cb: {  	vm3 =	vmand vm3, vm5  }
0x1cc: {  	vm4 =	vmor vm3, vm4  }
0x1cd: {  	v10 =	vsel vm4, $0x3F800000, v2  }
0x1ce: {  	(xrf0) =	vmax.scan.msk.f32 $0xffff, v10;
	_ =	sdelay $0x5  }
0x1cf: {  	v10, _, _ =	vpop (xrf0)  }
0x1d0: {  	(v2sf) =	vpush v10, $0xF;
	_ =	sdelay $0xe  }
0x1d1: {  	s16 =	spop (v2sf)  }
0x1d2: {  	p1 =	sgt.f32 s16, $0.0e+00;
	_ =	sdelay $0x1  }
0x1d3: {  	v9 =	vsub.s32 @p1 v9, v0;
	v8 =	vsub.s32 @p1 v8, v0;
	v6 =	vsub.s32 @p1 v6, v0  }
0x1d4: {  	v10 =	vnsel @p1 vm3, $0x0, v9;
	v11 =	vnsel @p1 vm2, $0x0, v8;
	v6 =	vnsel @p1 vm1, $0x0, v6  }
0x1d5: {  	s16 =	sadd.s32 @p1 $0x10, s15;
	v7 =	vsub.s32 @p1 v7, v0;
	v8 =	vlaneseq.u32 @p1  }
.Ltmp8:
0x1d6: {  	s17 =	sadd.s32 @p1 $0x20, s15;
	v7 =	vnsel @p1 vm0, $0x0, v7;
	v12 =	vor.u32 @p1 s15, v8;
	v13 =	vor.u32 @p1 s16, v8;
	s15 =	sadd.s32 @p1 $0x30, s15;
	(pc) =	sbr.rel @p0 .LBB2_14-.Ltmp8, $3  }
0x1d7: {  	s16 =	simm.s32 @p1 $0xC800;
	v9 =	vor.u32 @p1 s17, v8;
	v8 =	vor.u32 @p1 s15, v8;
	_ =	sdelay $0x1  }
0x1d8: {  	[tilespmem:v10+s16+$0x0] =	vst.idx.msk @p1 vm3, v12  }
0x1d9: {  	[tilespmem:v11+s16+$0x0] =	vst.idx.msk @p1 vm2, v13  }
0x1da: {  	_ =	sdelay $0x4  }
0x1db: {  	[tilespmem:v6+s16+$0x0] =	vst.idx.msk @p1 vm1, v9  }
0x1dc: {  	[tilespmem:v7+s16+$0x0] =	vst.idx.msk @p1 vm0, v8  }
0x1dd: {  	_ =	swait.ge [sflag:s30], $0x6400  }
0x1de: {  	[sflag:s30] =	ssyncset.done $0x0  }
0x1df: {  	s13 =	simm.s32 $0x6430;
	[sflag:s30] =	ssyncadd.s32 $0xFFFF9C00  }
0x1e0: {  	v7 =	vld [tilespmem:s13+$0x0]  }
0x1e1: {  	v6 =	vld [tilespmem:s13+$0xFFFFFFF0]  }
0x1e2: {  	v8 =	vld [tilespmem:s13+$0xFFFFFFE0]  }
0x1e3: {  	v9 =	vld [tilespmem:s13+$0xFFFFFFD0];
	_ =	sdelay $0x2  }
0x1e4: {  	vm0 =	vge.s32 v7, v0;
	vm1 =	vlt.s32 v7, v1;
	vm2 =	vge.s32 v6, v0  }
0x1e5: {  	vm3 =	vlt.s32 v6, v1;
	vm4 =	vge.s32 v8, v0;
	vm5 =	vlt.s32 v8, v1  }
0x1e6: {  	vm15 =	vlt.s32 v9, v1;
	vm0 =	vmand vm0, vm1;
	vm1 =	vmand vm2, vm3  }
0x1e7: {  	vm2 =	vge.s32 v9, v0;
	vm3 =	vmand vm4, vm5;
	vm14 =	vmor vm1, vm0  }
0x1e8: {  	vm2 =	vmand vm2, vm15;
	vm4 =	vmor vm3, vm14  }
0x1e9: {  	vm4 =	vmor vm2, vm4  }
0x1ea: {  	v10 =	vsel vm4, $0x3F800000, v2  }
0x1eb: {  	(xrf0) =	vmax.scan.msk.f32 $0xffff, v10;
	_ =	sdelay $0x5  }
0x1ec: {  	v10, _, _ =	vpop (xrf0)  }
0x1ed: {  	(v2sf) =	vpush v10, $0xF;
	_ =	sdelay $0xe  }
0x1ee: {  	s14 =	spop (v2sf)  }
0x1ef: {  	p1 =	sgt.f32 s14, $0.0e+00;
	_ =	sdelay $0x1  }
0x1f0: {  	v9 =	vsub.s32 @p1 v9, v0  }
0x1f1: {  	v8 =	vsub.s32 @p1 v8, v0;
	v9 =	vnsel @p1 vm2, $0x0, v9  }
0x1f2: {  	v6 =	vsub.s32 @p1 v6, v0;
	v10 =	vnsel @p1 vm3, $0x0, v8  }
0x1f3: {  	v7 =	vsub.s32 @p1 v7, v0;
	v6 =	vnsel @p1 vm1, $0x0, v6  }
0x1f4: {  	s14 =	simm.s32 $0x2BC00;
	v8 =	vlaneseq.u32 @p1;
	v7 =	vnsel @p1 vm0, $0x0, v7  }
0x1f5: {  	s15 =	simm.s32 @p1 $0x2BC10;
	s16 =	simm.s32 @p1 $0xC800;
	v11 =	vor.u32 @p1 s14, v8  }
0x1f6: {  	s17 =	simm.s32 @p1 $0x2BC20;
	v12 =	vor.u32 @p1 s15, v8;
	s15 =	simm.s32 @p1 $0x2BC30;
	[tilespmem:v9+s16+$0x0] =	vst.idx.msk @p1 vm2, v11  }
0x1f7: {  	s14 =	simm.s32 $0x2BC40;
	v9 =	vor.u32 @p1 s17, v8;
	v8 =	vor.u32 @p1 s15, v8;
	[tilespmem:v10+s16+$0x0] =	vst.idx.msk @p1 vm3, v12  }
.LBB2_16:
0x1f8: {  	[tilespmem:v6+s16+$0x0] =	vst.idx.msk @p1 vm1, v9;
	s13 =	sadd.s32 $0x40, s13;
	s15 =	smov.u32 s14;
	s14 =	sadd.s32 $0x40, s14  }
0x1f9: {  	p0 =	sne.s32 s14, $0x32000;
	[tilespmem:v7+s16+$0x0] =	vst.idx.msk @p1 vm0, v8  }
0x1fa: {  	v7 =	vld [tilespmem:s13+$0x0]  }
0x1fb: {  	v6 =	vld [tilespmem:s13+$0xFFFFFFF0]  }
0x1fc: {  	v8 =	vld [tilespmem:s13+$0xFFFFFFE0]  }
0x1fd: {  	v9 =	vld [tilespmem:s13+$0xFFFFFFD0];
	_ =	sdelay $0x1  }
0x1fe: {  	vm0 =	vge.s32 v7, v0;
	vm1 =	vlt.s32 v7, v1  }
0x1ff: {  	vm2 =	vge.s32 v6, v0;
	vm3 =	vlt.s32 v6, v1;
	vm0 =	vmand vm0, vm1  }
0x200: {  	vm4 =	vge.s32 v8, v0;
	vm5 =	vlt.s32 v8, v1;
	vm1 =	vmand vm2, vm3  }
0x201: {  	vm3 =	vge.s32 v9, v0;
	vm2 =	vmand vm4, vm5;
	vm4 =	vmor vm1, vm0  }
0x202: {  	vm5 =	vlt.s32 v9, v1;
	vm4 =	vmor vm2, vm4  }
0x203: {  	vm3 =	vmand vm3, vm5  }
0x204: {  	vm4 =	vmor vm3, vm4  }
0x205: {  	v10 =	vsel vm4, $0x3F800000, v2  }
0x206: {  	(xrf0) =	vmax.scan.msk.f32 $0xffff, v10;
	_ =	sdelay $0x5  }
0x207: {  	v10, _, _ =	vpop (xrf0)  }
0x208: {  	(v2sf) =	vpush v10, $0xF;
	_ =	sdelay $0xe  }
0x209: {  	s16 =	spop (v2sf)  }
0x20a: {  	p1 =	sgt.f32 s16, $0.0e+00;
	_ =	sdelay $0x1  }
0x20b: {  	v9 =	vsub.s32 @p1 v9, v0;
	v8 =	vsub.s32 @p1 v8, v0;
	s16 =	sadd.s32 @p1 $0x10, s15;
	v6 =	vsub.s32 @p1 v6, v0;
	s17 =	sadd.s32 @p1 $0x20, s15  }
0x20c: {  	v10 =	vnsel @p1 vm3, $0x0, v9;
	v11 =	vnsel @p1 vm2, $0x0, v8;
	v6 =	vnsel @p1 vm1, $0x0, v6  }
0x20d: {  	v7 =	vsub.s32 @p1 v7, v0;
	v8 =	vlaneseq.u32 @p1  }
.Ltmp9:
0x20e: {  	v7 =	vnsel @p1 vm0, $0x0, v7;
	v12 =	vor.u32 @p1 s15, v8;
	v13 =	vor.u32 @p1 s16, v8;
	s15 =	sadd.s32 @p1 $0x30, s15;
	(pc) =	sbr.rel @p0 .LBB2_16-.Ltmp9, $3  }
0x20f: {  	s16 =	simm.s32 @p1 $0xC800;
	v9 =	vor.u32 @p1 s17, v8;
	v8 =	vor.u32 @p1 s15, v8;
	_ =	sdelay $0x1  }
0x210: {  	[tilespmem:v10+s16+$0x0] =	vst.idx.msk @p1 vm3, v12  }
0x211: {  	[tilespmem:v11+s16+$0x0] =	vst.idx.msk @p1 vm2, v13  }
0x212: {  	_ =	sdelay $0x4  }
0x213: {  	[tilespmem:v6+s16+$0x0] =	vst.idx.msk @p1 vm1, v9  }
0x214: {  	s13 =	simm.s32 $0x0;
	s14 =	simm.s32 $0x0;
	[tilespmem:v7+s16+$0x0] =	vst.idx.msk @p1 vm0, v8  }
.LBB2_18:
0x215: {  	p0 =	sne.s32 s14, $0x1BF00  }
.Ltmp10:
0x216: {  	s15 =	sshra.s32 s14, $0x2;
	(pc) =	sbr.rel @p0 .LBB2_18-.Ltmp10, $4  }
0x217: {  	[tilespmem:s15+$0x16900] =	vst v2  }
0x218: {  	[tilespmem:s15+$0x16910] =	vst v2  }
0x219: {  	[tilespmem:s15+$0x16920] =	vst v2  }
0x21a: {  	s14 =	sadd.s32 $0x100, s14;
	[tilespmem:s15+$0x16930] =	vst v2  }
0x21b: {  	s14 =	simm.s32 $0xC800  }
0x21c: {  	v6 =	vld [tilespmem:s14+$0x0];
	_ =	sdelay $0x4  }
0x21d: {  	vm0 =	vlt.s32 v6, $0x30D40  }
0x21e: {  	v7 =	vsel vm0, $0x1, v3  }
0x21f: {  	(xrf0) =	vadd.scan.msk.s32 $0xffff, v7;
	_ =	sdelay $0x5  }
0x220: {  	s18 =	simm.s32 $0xFFFFFFFF;
	v7, _, _ =	vpop (xrf0)  }
0x221: {  	v8 =	vadd.s32 s18, v7;
	(v2sf) =	vpush v7, $0xF;
	_ =	sdelay $0x3  }
0x222: {  	v9 =	vor.u32 s13, v4  }
0x223: {  	[tilespmem:v8+s0+$0x0] =	vst.idx.msk vm0, v9  }
0x224: {  	s15 =	simm.s32 $0xC810;
	[tilespmem:v8+s3+$0x0] =	vst.idx.msk vm0, v6  }
0x225: {  	s16 =	simm.s32 $0x20;
	s14 =	simm.s32 $0x10;
	v6 =	vld [tilespmem:s15+$0x0]  }
.LBB2_20:
0x226: {  	p0 =	sne.s32 s16, $0xFF0;
	_ =	sdelay $0x3  }
0x227: {  	vm0 =	vlt.s32 v6, $0x30D40  }
0x228: {  	v7 =	vsel vm0, $0x1, v3  }
0x229: {  	(xrf0) =	vadd.scan.msk.s32 $0xffff, v7  }
0x22a: {  	s17 =	spop (v2sf)  }
0x22b: {  	s13 =	sadd.s32 s13, s17  }
0x22c: {  	s17 =	sadd.s32 $0xFFFFFFFF, s13;
	_ =	sdelay $0x2  }
0x22d: {  	v7, _, _ =	vpop (xrf0)  }
0x22e: {  	v8 =	vadd.s32 s17, v7;
	(v2sf) =	vpush v7, $0xF;
	_ =	sdelay $0x2  }
.Ltmp11:
0x22f: {  	(pc) =	sbr.rel @p0 .LBB2_20-.Ltmp11, $4  }
0x230: {  	v7 =	vor.u32 s14, v4;
	s14 =	smov.u32 s16  }
0x231: {  	[tilespmem:v8+s0+$0x0] =	vst.idx.msk vm0, v7  }
0x232: {  	s15 =	sadd.s32 $0x10, s15;
	[tilespmem:v8+s3+$0x0] =	vst.idx.msk vm0, v6  }
0x233: {  	s16 =	sadd.s32 $0x10, s16;
	v6 =	vld [tilespmem:s15+$0x0]  }
0x234: {  	_ =	sdelay $0x3  }
0x235: {  	vm0 =	vlt.s32 v6, $0x30D40  }
0x236: {  	v7 =	vsel vm0, $0x1, v3  }
0x237: {  	(xrf0) =	vadd.scan.msk.s32 $0xffff, v7;
	_ =	sdelay $0x5  }
0x238: {  	v7, _, _ =	vpop (xrf0)  }
0x239: {  	(v2sf) =	vpush v7, $0xF;
	_ =	sdelay $0xb  }
0x23a: {  	s15 =	spop (v2sf)  }
0x23b: {  	s13 =	sadd.s32 s13, s15  }
0x23c: {  	s15 =	sadd.s32 $0xFFFFFFFF, s13  }
0x23d: {  	v7 =	vadd.s32 s15, v7;
	s16 =	spop (v2sf)  }
0x23e: {  	s13 =	sadd.s32 s13, s16  }
0x23f: {  	v8 =	vor.u32 s14, v4;
	s14 =	sadd.s32 $0x7F, s13  }
0x240: {  	s17 =	sand.u32 $0x7F, s14  }
0x241: {  	s16 =	sshra.s32 s14, $0x1F;
	p0 =	slt.s32 s14, $0x1;
	p1 =	sne.s32 s17, $0x0  }
0x242: {  	[tilespmem:v7+s0+$0x0] =	vst.idx.msk vm0, v8;
	s18 =	sshrl.u32 s16, $0x19;
	p0 =	por !p0, !p1  }
0x243: {  	s15 =	simm.s32 $0x1;
	[tilespmem:v7+s3+$0x0] =	vst.idx.msk vm0, v6;
	s14 =	sadd.s32 s18, s14;
	p0 =	por !p0, !p0  }
0x244: {  	[tilespmem:s13+$0xE880] =	vst v5;
	s14 =	sshra.s32 s14, $0x7;
	s15 =	simm.s32 @!p0 $0x0  }
0x245: {  	[tilespmem:s13+$0xE890] =	vst v5;
	s18 =	ssub.s32 s14, s15  }
0x246: {  	[tilespmem:s13+$0xE8A0] =	vst v5;
	p0 =	slt.s32 s18, $0x1  }
.Ltmp12:
0x247: {  	[tilespmem:s13+$0xE8B0] =	vst v5;
	(pc) =	sbr.rel @p0 .LBB2_38-.Ltmp12, $4  }
0x248: {  	[tilespmem:s13+$0xE8C0] =	vst v5  }
0x249: {  	[tilespmem:s13+$0xE8D0] =	vst v5  }
0x24a: {  	[tilespmem:s13+$0xE8E0] =	vst v5;
	s16 =	simm.s32 $0xF900  }
0x24b: {  	[tilespmem:s13+$0xE8F0] =	vst v5;
	s17 =	simm.s32 $0xE880;
	s15 =	simm.s32 $0xE880;
	s14 =	smov.u32 s18  }
.LBB2_22:
0x24c: {  	p0 =	sne.s32 s14, $0x1  }
.Ltmp13:
0x24d: {  	_ = 	snop;
	(pc) =	sbr.rel @p0 .LBB2_22-.Ltmp13, $3  }
0x24e: {  	_ =	sdelay $0x1  }
0x24f: {  	[tilespmem:s16], [sflag:$0x2] =	stream.indirect.gather [hbm4b:s4+s28], $0x1, s17, s28, $0xb8;
	[tilespmem:$0x1D900] =	vst v63  }
0x250: {  	s16 =	sadd.s32 $0x80, s16;
	s17 =	sadd.s32 $0x80, s17;
	s14 =	sadd.s32 $0xFFFFFFFF, s14  }
0x251: {  	s14 =	simm.s32 $0x10900;
	s16 =	smov.u32 s18  }
.LBB2_24:
0x252: {  	p0 =	sne.s32 s16, $0x1  }
.Ltmp14:
0x253: {  	_ = 	snop;
	(pc) =	sbr.rel @p0 .LBB2_24-.Ltmp14, $3  }
0x254: {  	_ =	sdelay $0x1  }
0x255: {  	[tilespmem:s14], [sflag:$0x2] =	stream.indirect.gather [hbm4b:s5+s28], $0x1, s15, s28, $0xb8;
	[tilespmem:$0x1D900] =	vst v63  }
0x256: {  	s15 =	sadd.s32 $0x80, s15;
	s14 =	sadd.s32 $0x80, s14;
	s16 =	sadd.s32 $0xFFFFFFFF, s16  }
0x257: {  	s15 =	simm.s32 $0xE880  }
0x258: {  	s14 =	simm.s32 $0x11900;
	s16 =	simm.s32 $0xE880;
	s17 =	smov.u32 s18  }
.LBB2_26:
0x259: {  	p0 =	sne.s32 s17, $0x1  }
.Ltmp15:
0x25a: {  	_ = 	snop;
	(pc) =	sbr.rel @p0 .LBB2_26-.Ltmp15, $3  }
0x25b: {  	_ =	sdelay $0x1  }
0x25c: {  	[tilespmem:s14], [sflag:$0x2] =	stream.indirect.gather [hbm4b:s6+s28], $0x1, s16, s28, $0xb8;
	[tilespmem:$0x1D900] =	vst v63  }
0x25d: {  	s16 =	sadd.s32 $0x80, s16;
	s14 =	sadd.s32 $0x80, s14;
	s17 =	sadd.s32 $0xFFFFFFFF, s17  }
0x25e: {  	s14 =	simm.s32 $0x12900;
	s16 =	smov.u32 s18  }
.LBB2_28:
0x25f: {  	p0 =	sne.s32 s16, $0x1  }
.Ltmp16:
0x260: {  	_ = 	snop;
	(pc) =	sbr.rel @p0 .LBB2_28-.Ltmp16, $3  }
0x261: {  	_ =	sdelay $0x1  }
0x262: {  	[tilespmem:s14], [sflag:$0x2] =	stream.indirect.gather [hbm4b:s7+s28], $0x1, s15, s28, $0xb8;
	[tilespmem:$0x1D900] =	vst v63  }
0x263: {  	s15 =	sadd.s32 $0x80, s15;
	s14 =	sadd.s32 $0x80, s14;
	s16 =	sadd.s32 $0xFFFFFFFF, s16  }
0x264: {  	s15 =	simm.s32 $0xE880  }
0x265: {  	s14 =	simm.s32 $0x13900;
	s16 =	simm.s32 $0xE880;
	s17 =	smov.u32 s18  }
.LBB2_30:
0x266: {  	p0 =	sne.s32 s17, $0x1  }
.Ltmp17:
0x267: {  	_ = 	snop;
	(pc) =	sbr.rel @p0 .LBB2_30-.Ltmp17, $3  }
0x268: {  	_ =	sdelay $0x1  }
0x269: {  	[tilespmem:s14], [sflag:$0x2] =	stream.indirect.gather [hbm4b:s8+s28], $0x1, s16, s28, $0xb8;
	[tilespmem:$0x1D900] =	vst v63  }
0x26a: {  	s16 =	sadd.s32 $0x80, s16;
	s14 =	sadd.s32 $0x80, s14;
	s17 =	sadd.s32 $0xFFFFFFFF, s17  }
0x26b: {  	s14 =	simm.s32 $0x14900;
	s16 =	smov.u32 s18  }
.LBB2_32:
0x26c: {  	p0 =	sne.s32 s16, $0x1  }
.Ltmp18:
0x26d: {  	_ = 	snop;
	(pc) =	sbr.rel @p0 .LBB2_32-.Ltmp18, $3  }
0x26e: {  	_ =	sdelay $0x1  }
0x26f: {  	[tilespmem:s14], [sflag:$0x2] =	stream.indirect.gather [hbm4b:s9+s28], $0x1, s15, s28, $0xb8;
	[tilespmem:$0x1D900] =	vst v63  }
0x270: {  	s15 =	sadd.s32 $0x80, s15;
	s14 =	sadd.s32 $0x80, s14;
	s16 =	sadd.s32 $0xFFFFFFFF, s16  }
0x271: {  	p0 =	sne.s32 s18, $0x1  }
.Ltmp19:
0x272: {  	_ = 	snop;
	(pc) =	sbr.rel @!p0 .LBB2_35-.Ltmp19, $3  }
0x273: {  	_ =	sdelay $0x1  }
0x274: {  	s15 =	simm.s32 $0xE880;
	s16 =	simm.s32 $0x15900;
	s17 =	sadd.s32 $0xFFFFFFFF, s18  }
0x275: {  	[tilespmem:s16], [sflag:$0x2] =	stream.indirect.gather [hbm4b:s10+s28], $0x1, s15, s28, $0xb8;
	[tilespmem:$0x1D900] =	vst v63  }
.LBB2_34:
0x276: {  	p0 =	sne.s32 s17, $0x1  }
.Ltmp20:
0x277: {  	_ = 	snop;
	(pc) =	sbr.rel @p0 .LBB2_34-.Ltmp20, $4  }
0x278: {  	_ = 	snop  }
0x279: {  	s15 =	sadd.s32 $0x80, s15;
	s16 =	sadd.s32 $0x80, s16  }
0x27a: {  	s17 =	sadd.s32 $0xFFFFFFFF, s17  }
0x27b: {  	[tilespmem:s16], [sflag:$0x2] =	stream.indirect.gather [hbm4b:s10+s28], $0x1, s15, s28, $0xb8;
	[tilespmem:$0x1D900] =	vst v63  }
.LBB2_35:
0x27c: {  	s14 =	smul.u32 $0x7, s18;
	_ =	sdelay $0x1  }
0x27d: {  	p0 =	sne.s32 s14, $0x1  }
.Ltmp21:
0x27e: {  	_ = 	snop;
	(pc) =	sbr.rel @!p0 .LBB2_37-.Ltmp21, $3  }
0x27f: {  	_ =	sdelay $0x1  }
0x280: {  	_ =	swait.ge [sflag:s1], $0x80  }
0x281: {  	[sflag:s1] =	ssyncset.done $0x0;
	s14 =	sadd.s32 $0xFFFFFFFF, s14  }
.LBB2_36:
0x282: {  	p0 =	sne.s32 s14, $0x1;
	s14 =	sadd.s32 $0xFFFFFFFF, s14;
	[sflag:s1] =	ssyncadd.s32 $0xFFFFFF80  }
.Ltmp22:
0x283: {  	(pc) =	sbr.rel @p0 .LBB2_36-.Ltmp22, $3  }
0x284: {  	_ =	sdelay $0x1  }
0x285: {  	_ =	swait.ge [sflag:s1], $0x80  }
0x286: {  	[sflag:s1] =	ssyncset.done $0x0  }
.LBB2_37:
0x287: {  	[sflag:s1] =	ssyncadd.s32 $0xFFFFFF80  }
.LBB2_38:
0x288: {  	s14 =	sadd.s32 $0xF, s13  }
0x289: {  	s15 =	sand.u32 $0xF, s14  }
0x28a: {  	s16 =	sshra.s32 s14, $0x1F;
	p0 =	slt.s32 s14, $0x1;
	p1 =	sne.s32 s15, $0x0  }
0x28b: {  	s18 =	sshrl.u32 s16, $0x1C;
	p0 =	por !p0, !p1  }
0x28c: {  	s15 =	simm.s32 $0x1;
	s14 =	sadd.s32 s18, s14;
	p0 =	por !p0, !p0  }
0x28d: {  	s14 =	sshra.s32 s14, $0x4;
	s15 =	simm.s32 @!p0 $0x0  }
0x28e: {  	s16 =	ssub.s32 s14, s15  }
0x28f: {  	p0 =	slt.s32 s16, $0x1  }
.Ltmp23:
0x290: {  	_ = 	snop;
	(pc) =	sbr.rel @p0 .LBB2_42-.Ltmp23, $1  }
0x291: {  	_ =	sdelay $0x3  }
0x292: {  	p0 =	sne.s32 s16, $0x1  }
.Ltmp24:
0x293: {  	_ = 	snop;
	(pc) =	sbr.rel @!p0 .LBB2_41-.Ltmp24, $3  }
0x294: {  	_ =	sdelay $0x1  }
0x295: {  	s14 =	simm.s32 $0xD800  }
0x296: {  	v7 =	vmov s13;
	s13 =	simm.s32 $0x15900;
	s15 =	simm.s32 $0x0;
	s16 =	sadd.s32 $0xFFFFFFFF, s16;
	v6 =	vld [tilespmem:s14+$0x0]  }
.LBB2_40:
0x297: {  	p0 =	sne.s32 s16, $0x1;
	v8 =	vor.u32 s15, v4;
	v9 =	vld [tilespmem:s13+$0xFFFFA000]  }
0x298: {  	vm0 =	vlt.s32 v8, v7;
	_ =	sdelay $0x5  }
0x299: {  	[tilespmem:v6+s11+$0x0] =	vst.idx.msk vm0, v9  }
0x29a: {  	v9 =	vadd.s32 $0x1000, v6;
	v8 =	vld [tilespmem:s13+$0xFFFFB000];
	_ =	sdelay $0x4  }
0x29b: {  	[tilespmem:v9+s11+$0x0] =	vst.idx.msk vm0, v8  }
0x29c: {  	v9 =	vadd.s32 $0x2000, v6;
	v8 =	vld [tilespmem:s13+$0xFFFFC000];
	_ =	sdelay $0x4  }
0x29d: {  	[tilespmem:v9+s11+$0x0] =	vst.idx.msk vm0, v8  }
0x29e: {  	v9 =	vadd.s32 $0x3000, v6;
	v8 =	vld [tilespmem:s13+$0xFFFFD000];
	_ =	sdelay $0x4  }
0x29f: {  	[tilespmem:v9+s11+$0x0] =	vst.idx.msk vm0, v8  }
0x2a0: {  	v9 =	vadd.s32 $0x4000, v6;
	v8 =	vld [tilespmem:s13+$0xFFFFE000];
	_ =	sdelay $0x4  }
0x2a1: {  	[tilespmem:v9+s11+$0x0] =	vst.idx.msk vm0, v8  }
0x2a2: {  	v9 =	vadd.s32 $0x5000, v6;
	v8 =	vld [tilespmem:s13+$0xFFFFF000];
	_ =	sdelay $0x4  }
0x2a3: {  	[tilespmem:v9+s11+$0x0] =	vst.idx.msk vm0, v8  }
0x2a4: {  	v6 =	vadd.s32 $0x6000, v6;
	v8 =	vld [tilespmem:s13+$0x0];
	_ =	sdelay $0x1  }
.Ltmp25:
0x2a5: {  	(pc) =	sbr.rel @p0 .LBB2_40-.Ltmp25, $3  }
0x2a6: {  	_ =	sdelay $0x1  }
0x2a7: {  	s14 =	sadd.s32 $0x10, s14;
	[tilespmem:v6+s11+$0x0] =	vst.idx.msk vm0, v8  }
0x2a8: {  	s16 =	sadd.s32 $0xFFFFFFFF, s16;
	s15 =	sadd.s32 $0x10, s15;
	s13 =	sadd.s32 $0x10, s13;
	v6 =	vld [tilespmem:s14+$0x0]  }
.Ltmp26:
0x2a9: {  	_ = 	snop;
	(pc) =	sbr.rel .LBB2_41-.Ltmp26, $1  }
0x2aa: {  	_ =	sdelay $0x3  }
.LBB2_43:
0x2ab: {  	_ =	sfence.sel $0x180000  }
0x2ac: {  	[bflag:$0x0] =	sbarrier.arrive $0xFFFF  }
0x2ad: {  	_ =	strace $0x90000047  }
0x2ae: {  	s0 =	stileid.u32;
	[bflag:$0x2] =	sbarrier.arrive $0xFFFF  }
0x2af: {  	p0 =	sne.s32 s0, $0x0;
	s0 =	rddreg [dreg:$0x2]  }
0x2b0: {  	s0 =	sadd.s32 @!p0 $0x100000, s0  }
0x2b1: {  	[sflag:s0] =	ssyncadd.tile.s32 @!p0 $0x1;
	_ =	shalt  }
.Lfunc_end2:
_tile_overlayer_lowered:
.L_overlay_start_2:
0x2b2: {  	(tag) =	ssettag $0x2  }
0x2b3: {  	s0 =	rddreg [dreg:$0x0];
	s2 =	stileid.u32  }
0x2b4: {  	s1 =	rddreg [dreg:$0x1];
	p0 =	sne.s32 s2, $0x0  }
0x2b5: {  	s3 =	rddreg [dreg:$0x2];
	[bflag:$0x3] =	sbarrier.arrive $0xFFFF;
	s2 =	simm.s32 @!p0 $0x1C03  }
0x2b6: {  	[timem:s3], [sflag:s2] =	dma.local @!p0 [hbm:s0], s1  }
0x2b7: {  	s0 =	simm.s32 @!p0 $0x3  }
0x2b8: {  	_ =	swait.ge @!p0 [sflag:s0], s1  }
0x2b9: {  	s1 =	ssub.s32 @!p0 $0x0, s1;
	[sflag:s0] =	ssyncset.done @!p0 $0x0  }
0x2ba: {  	[sflag:s0] =	ssyncadd.s32 @!p0 s1  }
0x2bb: {  	[bflag:$0x3] =	sbarrier.arrive $0xFFFF  }
0x2bc: {  	_ =	shalt  }

</sc_bundles>
